<compile_context>
chip_gen: v7x
topology: tpu7x:2x2x1
jax: 0.10.2.dev20260603
libtpu: 0.0.44.dev20260713+nightly
codegen_flags: <defaults>
</compile_context>

<pallas_src>
import functools
import math

import jax
import jax.numpy as jnp
import numpy as np
from jax import lax
from jax.experimental import pallas as pl
from jax.experimental.pallas import tpu as pltpu
from jax.experimental.pallas import tpu_sc as plsc

_BLK = 1024
_SUB = 256


def _bias_segments(seq_q, seq_k, num_buckets=32, max_distance=128):
    d = np.arange(-(seq_q - 1), seq_k)
    n = -d
    offs = (n < 0).astype(np.int32) * (num_buckets // 2)
    n = np.abs(n)
    max_exact = num_buckets // 4
    val = max_exact + (
        np.log(np.maximum(n.astype(np.float32), np.float32(1e-20)) / np.float32(max_exact))
        / np.float32(math.log(max_distance / max_exact))
        * np.float32(num_buckets // 2 - max_exact)
    ).astype(np.int32)
    val = np.minimum(val, num_buckets // 2 - 1)
    bucket = offs + np.where(n < max_exact, n, val)
    segs = []
    start = int(d[0])
    cur = int(bucket[0])
    for k in range(1, len(d)):
        if int(bucket[k]) != cur:
            segs.append((start, int(d[k - 1]), cur))
            start = int(d[k])
            cur = int(bucket[k])
    segs.append((start, int(d[-1]), cur))
    return segs


def _bucket_of_d_np(seq_q, seq_k, num_buckets=32, max_distance=128):
    d = np.arange(-(seq_q - 1), seq_k)
    n = -d
    offs = (n < 0).astype(np.int32) * (num_buckets // 2)
    n = np.abs(n)
    max_exact = num_buckets // 4
    val = max_exact + (
        np.log(np.maximum(n.astype(np.float32), np.float32(1e-20)) / np.float32(max_exact))
        / np.float32(math.log(max_distance / max_exact))
        * np.float32(num_buckets // 2 - max_exact)
    ).astype(np.int32)
    val = np.minimum(val, num_buckets // 2 - 1)
    b = offs + np.where(n < max_exact, n, val)
    pad = (-len(b)) % 8
    return np.concatenate([b, np.full(pad, b[-1], np.int32)]).astype(np.int32)


def _sc_kernel(qk_dots, relative_attention_bias):
    batch, heads, seq_q, seq_k = qk_dots.shape
    assert batch == 1 and heads == 16 and seq_q == 2048
    NC, NS, L = 2, 16, 16
    NW = NC * NS
    total_rows = heads * seq_q
    RPW = total_rows // NW
    RB = 8
    NB = RPW // RB
    RLEN = 3072

    segs = _bias_segments(seq_q, seq_k, relative_attention_bias.shape[0])
    qk2d = qk_dots.reshape(total_rows, seq_k)
    tbl_flat = jnp.pad(relative_attention_bias.reshape(-1), (0, 16))

    mesh = plsc.VectorSubcoreMesh(core_axis_name="c", subcore_axis_name="s")

    @functools.partial(
        pl.kernel,
        mesh=mesh,
        out_type=jax.ShapeDtypeStruct((total_rows, seq_k), jnp.float32),
        scratch_types=[
            pltpu.VMEM((32 * 16 + 16,), jnp.float32),
            pltpu.VMEM((RLEN,), jnp.float32),
            pltpu.VMEM((2, RB, seq_k), jnp.float32),
            pltpu.VMEM((2, RB, seq_k), jnp.float32),
            pltpu.SemaphoreType.DMA((2,)),
            pltpu.SemaphoreType.DMA((2,)),
        ],
    )
    def sck(qk_hbm, tbl_hbm, out_hbm, tbl_v, r_v, inb, outb, insem, outsem):
        w = lax.axis_index("s") * NC + lax.axis_index("c")
        h = w // 2
        i0 = (w % 2) * RPW
        row0 = w * RPW

        pltpu.sync_copy(tbl_hbm, tbl_v)
        tvals = [tbl_v[pl.ds(b * heads + h, L)][0] for b in range(relative_attention_bias.shape[0])]
        lanes = lax.iota(jnp.int32, L)
        dmin = -(i0 + RPW - 1)

        def rbuild(t, carry):
            dvec = dmin + t * L + lanes
            acc = jnp.full((L,), tvals[segs[0][2]], jnp.float32)
            for (ds_, _de, b_) in segs[1:]:
                acc = jnp.where(dvec >= ds_, tvals[b_], acc)
            r_v[pl.ds(t * L, L)] = acc
            return carry

        lax.fori_loop(0, RLEN // L, rbuild, 0)

        def in_copy(b, buf):
            return pltpu.make_async_copy(
                qk_hbm.at[pl.ds(row0 + b * RB, RB)], inb.at[buf], insem.at[buf])

        def out_copy(b, buf):
            return pltpu.make_async_copy(
                outb.at[buf], out_hbm.at[pl.ds(row0 + b * RB, RB)], outsem.at[buf])

        def compute(b, buf):
            def row_body(r8, carry):
                base = (RPW - 1) - (b * RB + r8)
                def col(ci, c2):
                    k = ci * L
                    outb[buf, r8, pl.ds(k, L)] = (
                        inb[buf, r8, pl.ds(k, L)] + r_v[pl.ds(base + k, L)])
                    return c2
                lax.fori_loop(0, seq_k // L, col, 0, unroll=8)
                return carry
            lax.fori_loop(0, RB, row_body, 0)

        in_copy(0, 0).start()
        in_copy(1, 1).start()
        in_copy(0, 0).wait()
        compute(0, 0)
        out_copy(0, 0).start()
        in_copy(2, 0).start()
        in_copy(1, 1).wait()
        compute(1, 1)
        out_copy(1, 1).start()
        in_copy(3, 1).start()

        def steady(bb, carry):
            for b2 in range(2):
                b = bb * 2 + b2
                buf = b2
                in_copy(b, buf).wait()
                out_copy(b - 2, buf).wait()
                compute(b, buf)
                out_copy(b, buf).start()
                in_copy(b + 2, buf).start()
            return carry

        lax.fori_loop(1, NB // 2 - 1, steady, 0)

        for b in (NB - 2, NB - 1):
            buf = b % 2
            in_copy(b, buf).wait()
            out_copy(b - 2, buf).wait()
            compute(b, buf)
            out_copy(b, buf).start()
        out_copy(NB - 2, 0).wait()
        out_copy(NB - 1, 1).wait()

    out = sck(qk2d, tbl_flat)
    return out.reshape(batch, heads, seq_q, seq_k)


def kernel(qk_dots, relative_attention_bias):
    return _sc_kernel(qk_dots, relative_attention_bias)
    batch, heads, seq_q, seq_k = qk_dots.shape
    assert batch == 1 and seq_q % _BLK == 0 and seq_k % _SUB == 0
    ti = seq_q // _BLK
    si = seq_q // _SUB
    sj = seq_k // _SUB
    rpb = _BLK // _SUB
    nd = si + sj - 1

    segs = _bias_segments(seq_q, seq_k, relative_attention_bias.shape[0])

    qk = qk_dots.reshape(heads, seq_q, seq_k)
    tbl = relative_attention_bias.T

    def body(tbl_ref, qk_ref, out_ref, slab_ref):
        h = pl.program_id(0)
        i = pl.program_id(1)

        @pl.when(i == 0)
        def _build_slab():
            ai = jax.lax.broadcasted_iota(jnp.int32, (_SUB, _SUB), 0)
            bi = jax.lax.broadcasted_iota(jnp.int32, (_SUB, _SUB), 1)
            dmat = bi - ai
            for t in range(nd):
                off = (t - (si - 1)) * _SUB
                lo = off - (_SUB - 1)
                hi = off + (_SUB - 1)
                tsegs = [s for s in segs if s[1] >= lo and s[0] <= hi]
                acc = jnp.full((_SUB, _SUB), tbl_ref[h, tsegs[0][2]], jnp.float32)
                for (ds_, _de, b_) in tsegs[1:]:
                    acc = jnp.where(dmat >= (ds_ - off), tbl_ref[h, b_], acc)
                slab_ref[t] = acc

        for it in range(rpb):
            rsl = slice(it * _SUB, (it + 1) * _SUB)
            for jt in range(sj):
                csl = slice(jt * _SUB, (jt + 1) * _SUB)
                t_dyn = jt - (i * rpb + it) + (si - 1)
                out_ref[0, rsl, csl] = qk_ref[0, rsl, csl] + slab_ref[t_dyn]

    out = pl.pallas_call(
        body,
        grid=(heads, ti),
        in_specs=[
            pl.BlockSpec(memory_space=pltpu.SMEM),
            pl.BlockSpec((1, _BLK, seq_k), lambda h, i: (h, i, 0)),
        ],
        out_specs=pl.BlockSpec((1, _BLK, seq_k), lambda h, i: (h, i, 0)),
        out_shape=jax.ShapeDtypeStruct((heads, seq_q, seq_k), jnp.float32),
        scratch_shapes=[pltpu.VMEM((nd, _SUB, _SUB), jnp.float32)],
    )(tbl, qk)
    return out.reshape(batch, heads, seq_q, seq_k)

# --- scband reference (transcript-rebuilt; emitter-appended) ---
"""Pipeline reference for scband-t5-relative-position-bias-6193342841647 (READ-ONLY COPY).

The authoritative reference and input builder live on the scoring server;
editing this copy changes nothing except your own understanding.
"""

import jax, jax.numpy as jnp
import numpy as np
import math

NUM_BUCKETS = 32
MAX_DISTANCE = 128
HEADS = 16
CAUSAL = False


def _relative_position_bucket(relative_position, causal=CAUSAL, num_buckets=NUM_BUCKETS, max_distance=MAX_DISTANCE):
    ret = jnp.zeros_like(relative_position)
    n = -relative_position
    if not causal:
        num_buckets = num_buckets // 2
        ret = ret + (n < 0).astype(jnp.int32) * num_buckets
        n = jnp.abs(n)
    else:
        n = jnp.maximum(n, jnp.zeros_like(n))
    max_exact = num_buckets // 2
    is_small = n < max_exact
    val_if_large = max_exact + (
        jnp.log(jnp.maximum(n.astype(jnp.float32), 1e-20) / max_exact)
        / math.log(max_distance / max_exact)
        * (num_buckets - max_exact)
    ).astype(jnp.int32)
    val_if_large = jnp.minimum(val_if_large, jnp.full_like(val_if_large, num_buckets - 1))
    ret = ret + jnp.where(is_small, n, val_if_large)
    return ret


def setup_inputs(seed: int = 0) -> dict:
    key = jax.random.key(seed)
    k1, k2 = jax.random.split(key)
    qk_dots = jax.random.normal(k1, (1, HEADS, 2048, 2048), dtype=jnp.float32)
    relative_attention_bias = jax.random.normal(k2, (NUM_BUCKETS, HEADS), dtype=jnp.float32)
    return {"qk_dots": qk_dots, "relative_attention_bias": relative_attention_bias}


def reference(qk_dots, relative_attention_bias):
    seq_len_q, seq_len_k = qk_dots.shape[-2], qk_dots.shape[-1]
    q_pos = jnp.arange(seq_len_q, dtype=jnp.int32)
    k_pos = jnp.arange(seq_len_k, dtype=jnp.int32)
    rel_pos = k_pos[None, :] - q_pos[:, None]
    rp_bucket = _relative_position_bucket(rel_pos, CAUSAL, NUM_BUCKETS, MAX_DISTANCE)
    values = jnp.take(relative_attention_bias, rp_bucket, axis=0)  # [i, j, h]
    values = jnp.transpose(values, (2, 0, 1))  # h i j
    return qk_dots + values

if __name__ == "__main__":
    import jax
    _d = setup_inputs()
    print(jax.jit(kernel)(*tuple(_d.values())))

</pallas_src>

<mosaic_0001>
#map = affine_map<(d0, d1) -> (0, 0)>
#map1 = affine_map<(d0, d1) -> (0)>
module attributes {stable_mosaic.version = 14 : i64} {
  func.func @sck(%arg0: i32, %arg1: i32, %arg2: memref<32768x2048xf32, #tpu.memory_space<hbm>>, %arg3: memref<528xf32, #tpu.memory_space<hbm>>, %arg4: memref<32768x2048xf32, #tpu.memory_space<hbm>>, %arg5: memref<528xf32, #tpu.memory_space<vmem>>, %arg6: memref<3072xf32, #tpu.memory_space<vmem>>, %arg7: memref<2x8x2048xf32, #tpu.memory_space<vmem>>, %arg8: memref<2x8x2048xf32, #tpu.memory_space<vmem>>, %arg9: memref<2x!tpu.dma_semaphore, #tpu.memory_space<semaphore_mem>>, %arg10: memref<2x!tpu.dma_semaphore, #tpu.memory_space<semaphore_mem>>) attributes {dimension_semantics = [#tpu.dimension_semantics<core_parallel>, #tpu.dimension_semantics<subcore_parallel>], iteration_bounds = array<i64: 2, 16>, scalar_prefetch = 0 : i64, scratch_operands = 6 : i64, tpu.core_type = #tpu.core_type<sc_vector_subcore>, window_params = [{transform_indices = #map}, {transform_indices = #map1}, {transform_indices = #map}]} {
    %mul3A = arith.constant 2 : i32
    %mul3A_0 = arith.muli %arg1, %mul3A : i32
    %add3A = arith.addi %mul3A_0, %arg0 : i32
    %jit3A = arith.constant 2 : i32
    %div3A = arith.divsi %add3A, %jit3A : i32
    %sign3A = arith.constant 0 : i32
    %sign3A_1 = arith.cmpi sgt, %add3A, %sign3A : i32
    %sign3A_2 = arith.extui %sign3A_1 : i1 to i32
    %sign3A_3 = arith.constant 0 : i32
    %sign3A_4 = arith.cmpi slt, %add3A, %sign3A_3 : i32
    %sign3A_5 = arith.extui %sign3A_4 : i1 to i32
    %sign3A_6 = arith.subi %sign3A_2, %sign3A_5 : i32
    %sign3A_7 = arith.constant 0 : i32
    %sign3A_8 = arith.cmpi sgt, %jit3A, %sign3A_7 : i32
    %sign3A_9 = arith.extui %sign3A_8 : i1 to i32
    %sign3A_10 = arith.constant 0 : i32
    %sign3A_11 = arith.cmpi slt, %jit3A, %sign3A_10 : i32
    %sign3A_12 = arith.extui %sign3A_11 : i1 to i32
    %sign3A_13 = arith.subi %sign3A_9, %sign3A_12 : i32
    %ne3A = arith.cmpi ne, %sign3A_6, %sign3A_13 : i32
    %rem3A = arith.remsi %add3A, %jit3A : i32
    %ne3A_14 = arith.constant 0 : i32
    %ne3A_15 = arith.cmpi ne, %rem3A, %ne3A_14 : i32
    %and3A = arith.andi %ne3A, %ne3A_15 : i1
    %sub3A = arith.constant 1 : i32
    %sub3A_16 = arith.subi %div3A, %sub3A : i32
    %select_n3A = arith.select %and3A, %sub3A_16, %div3A : i32
    %jit3A_17 = arith.constant 2 : i32
    %eq3A = arith.constant 0 : i32
    %eq3A_18 = arith.cmpi eq, %jit3A_17, %eq3A : i32
    %jit3A_19 = arith.constant 1 : i32
    %select_n3A_20 = arith.select %eq3A_18, %jit3A_19, %jit3A_17 : i32
    %rem3A_21 = arith.remsi %add3A, %select_n3A_20 : i32
    %ne3A_22 = arith.constant 0 : i32
    %ne3A_23 = arith.cmpi ne, %rem3A_21, %ne3A_22 : i32
    %lt3A = arith.constant 0 : i32
    %lt3A_24 = arith.cmpi slt, %rem3A_21, %lt3A : i32
    %lt3A_25 = arith.constant 0 : i32
    %lt3A_26 = arith.cmpi slt, %select_n3A_20, %lt3A_25 : i32
    %ne3A_27 = arith.xori %lt3A_24, %lt3A_26 : i1
    %and3A_28 = arith.andi %ne3A_27, %ne3A_23 : i1
    %add3A_29 = arith.addi %rem3A_21, %select_n3A_20 : i32
    %select_n3A_30 = arith.select %and3A_28, %add3A_29, %rem3A_21 : i32
    %mul3A_31 = arith.constant 1024 : i32
    %mul3A_32 = arith.muli %select_n3A_30, %mul3A_31 : i32
    %mul3A_33 = arith.constant 1024 : i32
    %mul3A_34 = arith.muli %add3A, %mul3A_33 : i32
    "tpu.region"() ({
      %run_scoped3A = tpu.sem_alloc : memref<!tpu.dma_semaphore, #tpu.memory_space<semaphore_mem>>
      tpu.enqueue_dma source(%arg3 : memref<528xf32, #tpu.memory_space<hbm>>) target(%arg5 : memref<528xf32, #tpu.memory_space<vmem>>) target_semaphore(%run_scoped3A : memref<!tpu.dma_semaphore, #tpu.memory_space<semaphore_mem>>)
      tpu.wait_dma2 semaphore(%run_scoped3A : memref<!tpu.dma_semaphore, #tpu.memory_space<semaphore_mem>>) src(%arg3 : memref<528xf32, #tpu.memory_space<hbm>>) dst(%arg5 : memref<528xf32, #tpu.memory_space<vmem>>)
      tpu.yield
    }) : () -> ()
    %add3A_35 = arith.constant 0 : i32
    %add3A_36 = arith.addi %add3A_35, %select_n3A : i32
    %get3A = arith.index_cast %add3A_36 : i32 to index
    %get3A_37 = tpu.vector_load %arg5[%get3A] {strides = array<i32>} : memref<528xf32, #tpu.memory_space<vmem>>, vector<16xf32>,
    %get3A_38 = vector.shape_cast %get3A_37 : vector<16xf32> to vector<16xf32>
    %slice3A = vector.extract_strided_slice %get3A_38 {offsets = [0], sizes = [1], strides = [1]} : vector<16xf32> to vector<1xf32>
    %squeeze3A = vector.extract %slice3A[0] : f32 from vector<1xf32>
    %add3A_39 = arith.constant 16 : i32
    %add3A_40 = arith.addi %add3A_39, %select_n3A : i32
    %get3A_41 = arith.index_cast %add3A_40 : i32 to index
    %get3A_42 = tpu.vector_load %arg5[%get3A_41] {strides = array<i32>} : memref<528xf32, #tpu.memory_space<vmem>>, vector<16xf32>,
    %get3A_43 = vector.shape_cast %get3A_42 : vector<16xf32> to vector<16xf32>
    %slice3A_44 = vector.extract_strided_slice %get3A_43 {offsets = [0], sizes = [1], strides = [1]} : vector<16xf32> to vector<1xf32>
    %squeeze3A_45 = vector.extract %slice3A_44[0] : f32 from vector<1xf32>
    %add3A_46 = arith.constant 32 : i32
    %add3A_47 = arith.addi %add3A_46, %select_n3A : i32
    %get3A_48 = arith.index_cast %add3A_47 : i32 to index
    %get3A_49 = tpu.vector_load %arg5[%get3A_48] {strides = array<i32>} : memref<528xf32, #tpu.memory_space<vmem>>, vector<16xf32>,
    %get3A_50 = vector.shape_cast %get3A_49 : vector<16xf32> to vector<16xf32>
    %slice3A_51 = vector.extract_strided_slice %get3A_50 {offsets = [0], sizes = [1], strides = [1]} : vector<16xf32> to vector<1xf32>
    %squeeze3A_52 = vector.extract %slice3A_51[0] : f32 from vector<1xf32>
    %add3A_53 = arith.constant 48 : i32
    %add3A_54 = arith.addi %add3A_53, %select_n3A : i32
    %get3A_55 = arith.index_cast %add3A_54 : i32 to index
    %get3A_56 = tpu.vector_load %arg5[%get3A_55] {strides = array<i32>} : memref<528xf32, #tpu.memory_space<vmem>>, vector<16xf32>,
    %get3A_57 = vector.shape_cast %get3A_56 : vector<16xf32> to vector<16xf32>
    %slice3A_58 = vector.extract_strided_slice %get3A_57 {offsets = [0], sizes = [1], strides = [1]} : vector<16xf32> to vector<1xf32>
    %squeeze3A_59 = vector.extract %slice3A_58[0] : f32 from vector<1xf32>
    %add3A_60 = arith.constant 64 : i32
    %add3A_61 = arith.addi %add3A_60, %select_n3A : i32
    %get3A_62 = arith.index_cast %add3A_61 : i32 to index
    %get3A_63 = tpu.vector_load %arg5[%get3A_62] {strides = array<i32>} : memref<528xf32, #tpu.memory_space<vmem>>, vector<16xf32>,
    %get3A_64 = vector.shape_cast %get3A_63 : vector<16xf32> to vector<16xf32>
    %slice3A_65 = vector.extract_strided_slice %get3A_64 {offsets = [0], sizes = [1], strides = [1]} : vector<16xf32> to vector<1xf32>
    %squeeze3A_66 = vector.extract %slice3A_65[0] : f32 from vector<1xf32>
    %add3A_67 = arith.constant 80 : i32
    %add3A_68 = arith.addi %add3A_67, %select_n3A : i32
    %get3A_69 = arith.index_cast %add3A_68 : i32 to index
    %get3A_70 = tpu.vector_load %arg5[%get3A_69] {strides = array<i32>} : memref<528xf32, #tpu.memory_space<vmem>>, vector<16xf32>,
    %get3A_71 = vector.shape_cast %get3A_70 : vector<16xf32> to vector<16xf32>
    %slice3A_72 = vector.extract_strided_slice %get3A_71 {offsets = [0], sizes = [1], strides = [1]} : vector<16xf32> to vector<1xf32>
    %squeeze3A_73 = vector.extract %slice3A_72[0] : f32 from vector<1xf32>
    %add3A_74 = arith.constant 96 : i32
    %add3A_75 = arith.addi %add3A_74, %select_n3A : i32
    %get3A_76 = arith.index_cast %add3A_75 : i32 to index
    %get3A_77 = tpu.vector_load %arg5[%get3A_76] {strides = array<i32>} : memref<528xf32, #tpu.memory_space<vmem>>, vector<16xf32>,
    %get3A_78 = vector.shape_cast %get3A_77 : vector<16xf32> to vector<16xf32>
    %slice3A_79 = vector.extract_strided_slice %get3A_78 {offsets = [0], sizes = [1], strides = [1]} : vector<16xf32> to vector<1xf32>
    %squeeze3A_80 = vector.extract %slice3A_79[0] : f32 from vector<1xf32>
    %add3A_81 = arith.constant 112 : i32
    %add3A_82 = arith.addi %add3A_81, %select_n3A : i32
    %get3A_83 = arith.index_cast %add3A_82 : i32 to index
    %get3A_84 = tpu.vector_load %arg5[%get3A_83] {strides = array<i32>} : memref<528xf32, #tpu.memory_space<vmem>>, vector<16xf32>,
    %get3A_85 = vector.shape_cast %get3A_84 : vector<16xf32> to vector<16xf32>
    %slice3A_86 = vector.extract_strided_slice %get3A_85 {offsets = [0], sizes = [1], strides = [1]} : vector<16xf32> to vector<1xf32>
    %squeeze3A_87 = vector.extract %slice3A_86[0] : f32 from vector<1xf32>
    %add3A_88 = arith.constant 128 : i32
    %add3A_89 = arith.addi %add3A_88, %select_n3A : i32
    %get3A_90 = arith.index_cast %add3A_89 : i32 to index
    %get3A_91 = tpu.vector_load %arg5[%get3A_90] {strides = array<i32>} : memref<528xf32, #tpu.memory_space<vmem>>, vector<16xf32>,
    %get3A_92 = vector.shape_cast %get3A_91 : vector<16xf32> to vector<16xf32>
    %slice3A_93 = vector.extract_strided_slice %get3A_92 {offsets = [0], sizes = [1], strides = [1]} : vector<16xf32> to vector<1xf32>
    %squeeze3A_94 = vector.extract %slice3A_93[0] : f32 from vector<1xf32>
    %add3A_95 = arith.constant 144 : i32
    %add3A_96 = arith.addi %add3A_95, %select_n3A : i32
    %get3A_97 = arith.index_cast %add3A_96 : i32 to index
    %get3A_98 = tpu.vector_load %arg5[%get3A_97] {strides = array<i32>} : memref<528xf32, #tpu.memory_space<vmem>>, vector<16xf32>,
    %get3A_99 = vector.shape_cast %get3A_98 : vector<16xf32> to vector<16xf32>
    %slice3A_100 = vector.extract_strided_slice %get3A_99 {offsets = [0], sizes = [1], strides = [1]} : vector<16xf32> to vector<1xf32>
    %squeeze3A_101 = vector.extract %slice3A_100[0] : f32 from vector<1xf32>
    %add3A_102 = arith.constant 160 : i32
    %add3A_103 = arith.addi %add3A_102, %select_n3A : i32
    %get3A_104 = arith.index_cast %add3A_103 : i32 to index
    %get3A_105 = tpu.vector_load %arg5[%get3A_104] {strides = array<i32>} : memref<528xf32, #tpu.memory_space<vmem>>, vector<16xf32>,
    %get3A_106 = vector.shape_cast %get3A_105 : vector<16xf32> to vector<16xf32>
    %slice3A_107 = vector.extract_strided_slice %get3A_106 {offsets = [0], sizes = [1], strides = [1]} : vector<16xf32> to vector<1xf32>
    %squeeze3A_108 = vector.extract %slice3A_107[0] : f32 from vector<1xf32>
    %add3A_109 = arith.constant 176 : i32
    %add3A_110 = arith.addi %add3A_109, %select_n3A : i32
    %get3A_111 = arith.index_cast %add3A_110 : i32 to index
    %get3A_112 = tpu.vector_load %arg5[%get3A_111] {strides = array<i32>} : memref<528xf32, #tpu.memory_space<vmem>>, vector<16xf32>,
    %get3A_113 = vector.shape_cast %get3A_112 : vector<16xf32> to vector<16xf32>
    %slice3A_114 = vector.extract_strided_slice %get3A_113 {offsets = [0], sizes = [1], strides = [1]} : vector<16xf32> to vector<1xf32>
    %squeeze3A_115 = vector.extract %slice3A_114[0] : f32 from vector<1xf32>
    %add3A_116 = arith.constant 192 : i32
    %add3A_117 = arith.addi %add3A_116, %select_n3A : i32
    %get3A_118 = arith.index_cast %add3A_117 : i32 to index
    %get3A_119 = tpu.vector_load %arg5[%get3A_118] {strides = array<i32>} : memref<528xf32, #tpu.memory_space<vmem>>, vector<16xf32>,
    %get3A_120 = vector.shape_cast %get3A_119 : vector<16xf32> to vector<16xf32>
    %slice3A_121 = vector.extract_strided_slice %get3A_120 {offsets = [0], sizes = [1], strides = [1]} : vector<16xf32> to vector<1xf32>
    %squeeze3A_122 = vector.extract %slice3A_121[0] : f32 from vector<1xf32>
    %add3A_123 = arith.constant 208 : i32
    %add3A_124 = arith.addi %add3A_123, %select_n3A : i32
    %get3A_125 = arith.index_cast %add3A_124 : i32 to index
    %get3A_126 = tpu.vector_load %arg5[%get3A_125] {strides = array<i32>} : memref<528xf32, #tpu.memory_space<vmem>>, vector<16xf32>,
    %get3A_127 = vector.shape_cast %get3A_126 : vector<16xf32> to vector<16xf32>
    %slice3A_128 = vector.extract_strided_slice %get3A_127 {offsets = [0], sizes = [1], strides = [1]} : vector<16xf32> to vector<1xf32>
    %squeeze3A_129 = vector.extract %slice3A_128[0] : f32 from vector<1xf32>
    %add3A_130 = arith.constant 224 : i32
    %add3A_131 = arith.addi %add3A_130, %select_n3A : i32
    %get3A_132 = arith.index_cast %add3A_131 : i32 to index
    %get3A_133 = tpu.vector_load %arg5[%get3A_132] {strides = array<i32>} : memref<528xf32, #tpu.memory_space<vmem>>, vector<16xf32>,
    %get3A_134 = vector.shape_cast %get3A_133 : vector<16xf32> to vector<16xf32>
    %slice3A_135 = vector.extract_strided_slice %get3A_134 {offsets = [0], sizes = [1], strides = [1]} : vector<16xf32> to vector<1xf32>
    %squeeze3A_136 = vector.extract %slice3A_135[0] : f32 from vector<1xf32>
    %add3A_137 = arith.constant 240 : i32
    %add3A_138 = arith.addi %add3A_137, %select_n3A : i32
    %get3A_139 = arith.index_cast %add3A_138 : i32 to index
    %get3A_140 = tpu.vector_load %arg5[%get3A_139] {strides = array<i32>} : memref<528xf32, #tpu.memory_space<vmem>>, vector<16xf32>,
    %get3A_141 = vector.shape_cast %get3A_140 : vector<16xf32> to vector<16xf32>
    %slice3A_142 = vector.extract_strided_slice %get3A_141 {offsets = [0], sizes = [1], strides = [1]} : vector<16xf32> to vector<1xf32>
    %squeeze3A_143 = vector.extract %slice3A_142[0] : f32 from vector<1xf32>
    %add3A_144 = arith.constant 256 : i32
    %add3A_145 = arith.addi %add3A_144, %select_n3A : i32
    %get3A_146 = arith.index_cast %add3A_145 : i32 to index
    %get3A_147 = tpu.vector_load %arg5[%get3A_146] {strides = array<i32>} : memref<528xf32, #tpu.memory_space<vmem>>, vector<16xf32>,
    %get3A_148 = vector.shape_cast %get3A_147 : vector<16xf32> to vector<16xf32>
    %slice3A_149 = vector.extract_strided_slice %get3A_148 {offsets = [0], sizes = [1], strides = [1]} : vector<16xf32> to vector<1xf32>
    %squeeze3A_150 = vector.extract %slice3A_149[0] : f32 from vector<1xf32>
    %add3A_151 = arith.constant 272 : i32
    %add3A_152 = arith.addi %add3A_151, %select_n3A : i32
    %get3A_153 = arith.index_cast %add3A_152 : i32 to index
    %get3A_154 = tpu.vector_load %arg5[%get3A_153] {strides = array<i32>} : memref<528xf32, #tpu.memory_space<vmem>>, vector<16xf32>,
    %get3A_155 = vector.shape_cast %get3A_154 : vector<16xf32> to vector<16xf32>
    %slice3A_156 = vector.extract_strided_slice %get3A_155 {offsets = [0], sizes = [1], strides = [1]} : vector<16xf32> to vector<1xf32>
    %squeeze3A_157 = vector.extract %slice3A_156[0] : f32 from vector<1xf32>
    %add3A_158 = arith.constant 288 : i32
    %add3A_159 = arith.addi %add3A_158, %select_n3A : i32
    %get3A_160 = arith.index_cast %add3A_159 : i32 to index
    %get3A_161 = tpu.vector_load %arg5[%get3A_160] {strides = array<i32>} : memref<528xf32, #tpu.memory_space<vmem>>, vector<16xf32>,
    %get3A_162 = vector.shape_cast %get3A_161 : vector<16xf32> to vector<16xf32>
    %slice3A_163 = vector.extract_strided_slice %get3A_162 {offsets = [0], sizes = [1], strides = [1]} : vector<16xf32> to vector<1xf32>
    %squeeze3A_164 = vector.extract %slice3A_163[0] : f32 from vector<1xf32>
    %add3A_165 = arith.constant 304 : i32
    %add3A_166 = arith.addi %add3A_165, %select_n3A : i32
    %get3A_167 = arith.index_cast %add3A_166 : i32 to index
    %get3A_168 = tpu.vector_load %arg5[%get3A_167] {strides = array<i32>} : memref<528xf32, #tpu.memory_space<vmem>>, vector<16xf32>,
    %get3A_169 = vector.shape_cast %get3A_168 : vector<16xf32> to vector<16xf32>
    %slice3A_170 = vector.extract_strided_slice %get3A_169 {offsets = [0], sizes = [1], strides = [1]} : vector<16xf32> to vector<1xf32>
    %squeeze3A_171 = vector.extract %slice3A_170[0] : f32 from vector<1xf32>
    %add3A_172 = arith.constant 320 : i32
    %add3A_173 = arith.addi %add3A_172, %select_n3A : i32
    %get3A_174 = arith.index_cast %add3A_173 : i32 to index
    %get3A_175 = tpu.vector_load %arg5[%get3A_174] {strides = array<i32>} : memref<528xf32, #tpu.memory_space<vmem>>, vector<16xf32>,
    %get3A_176 = vector.shape_cast %get3A_175 : vector<16xf32> to vector<16xf32>
    %slice3A_177 = vector.extract_strided_slice %get3A_176 {offsets = [0], sizes = [1], strides = [1]} : vector<16xf32> to vector<1xf32>
    %squeeze3A_178 = vector.extract %slice3A_177[0] : f32 from vector<1xf32>
    %add3A_179 = arith.constant 336 : i32
    %add3A_180 = arith.addi %add3A_179, %select_n3A : i32
    %get3A_181 = arith.index_cast %add3A_180 : i32 to index
    %get3A_182 = tpu.vector_load %arg5[%get3A_181] {strides = array<i32>} : memref<528xf32, #tpu.memory_space<vmem>>, vector<16xf32>,
    %get3A_183 = vector.shape_cast %get3A_182 : vector<16xf32> to vector<16xf32>
    %slice3A_184 = vector.extract_strided_slice %get3A_183 {offsets = [0], sizes = [1], strides = [1]} : vector<16xf32> to vector<1xf32>
    %squeeze3A_185 = vector.extract %slice3A_184[0] : f32 from vector<1xf32>
    %add3A_186 = arith.constant 352 : i32
    %add3A_187 = arith.addi %add3A_186, %select_n3A : i32
    %get3A_188 = arith.index_cast %add3A_187 : i32 to index
    %get3A_189 = tpu.vector_load %arg5[%get3A_188] {strides = array<i32>} : memref<528xf32, #tpu.memory_space<vmem>>, vector<16xf32>,
    %get3A_190 = vector.shape_cast %get3A_189 : vector<16xf32> to vector<16xf32>
    %slice3A_191 = vector.extract_strided_slice %get3A_190 {offsets = [0], sizes = [1], strides = [1]} : vector<16xf32> to vector<1xf32>
    %squeeze3A_192 = vector.extract %slice3A_191[0] : f32 from vector<1xf32>
    %add3A_193 = arith.constant 368 : i32
    %add3A_194 = arith.addi %add3A_193, %select_n3A : i32
    %get3A_195 = arith.index_cast %add3A_194 : i32 to index
    %get3A_196 = tpu.vector_load %arg5[%get3A_195] {strides = array<i32>} : memref<528xf32, #tpu.memory_space<vmem>>, vector<16xf32>,
    %get3A_197 = vector.shape_cast %get3A_196 : vector<16xf32> to vector<16xf32>
    %slice3A_198 = vector.extract_strided_slice %get3A_197 {offsets = [0], sizes = [1], strides = [1]} : vector<16xf32> to vector<1xf32>
    %squeeze3A_199 = vector.extract %slice3A_198[0] : f32 from vector<1xf32>
    %add3A_200 = arith.constant 384 : i32
    %add3A_201 = arith.addi %add3A_200, %select_n3A : i32
    %get3A_202 = arith.index_cast %add3A_201 : i32 to index
    %get3A_203 = tpu.vector_load %arg5[%get3A_202] {strides = array<i32>} : memref<528xf32, #tpu.memory_space<vmem>>, vector<16xf32>,
    %get3A_204 = vector.shape_cast %get3A_203 : vector<16xf32> to vector<16xf32>
    %slice3A_205 = vector.extract_strided_slice %get3A_204 {offsets = [0], sizes = [1], strides = [1]} : vector<16xf32> to vector<1xf32>
    %squeeze3A_206 = vector.extract %slice3A_205[0] : f32 from vector<1xf32>
    %add3A_207 = arith.constant 400 : i32
    %add3A_208 = arith.addi %add3A_207, %select_n3A : i32
    %get3A_209 = arith.index_cast %add3A_208 : i32 to index
    %get3A_210 = tpu.vector_load %arg5[%get3A_209] {strides = array<i32>} : memref<528xf32, #tpu.memory_space<vmem>>, vector<16xf32>,
    %get3A_211 = vector.shape_cast %get3A_210 : vector<16xf32> to vector<16xf32>
    %slice3A_212 = vector.extract_strided_slice %get3A_211 {offsets = [0], sizes = [1], strides = [1]} : vector<16xf32> to vector<1xf32>
    %squeeze3A_213 = vector.extract %slice3A_212[0] : f32 from vector<1xf32>
    %add3A_214 = arith.constant 416 : i32
    %add3A_215 = arith.addi %add3A_214, %select_n3A : i32
    %get3A_216 = arith.index_cast %add3A_215 : i32 to index
    %get3A_217 = tpu.vector_load %arg5[%get3A_216] {strides = array<i32>} : memref<528xf32, #tpu.memory_space<vmem>>, vector<16xf32>,
    %get3A_218 = vector.shape_cast %get3A_217 : vector<16xf32> to vector<16xf32>
    %slice3A_219 = vector.extract_strided_slice %get3A_218 {offsets = [0], sizes = [1], strides = [1]} : vector<16xf32> to vector<1xf32>
    %squeeze3A_220 = vector.extract %slice3A_219[0] : f32 from vector<1xf32>
    %add3A_221 = arith.constant 432 : i32
    %add3A_222 = arith.addi %add3A_221, %select_n3A : i32
    %get3A_223 = arith.index_cast %add3A_222 : i32 to index
    %get3A_224 = tpu.vector_load %arg5[%get3A_223] {strides = array<i32>} : memref<528xf32, #tpu.memory_space<vmem>>, vector<16xf32>,
    %get3A_225 = vector.shape_cast %get3A_224 : vector<16xf32> to vector<16xf32>
    %slice3A_226 = vector.extract_strided_slice %get3A_225 {offsets = [0], sizes = [1], strides = [1]} : vector<16xf32> to vector<1xf32>
    %squeeze3A_227 = vector.extract %slice3A_226[0] : f32 from vector<1xf32>
    %add3A_228 = arith.constant 448 : i32
    %add3A_229 = arith.addi %add3A_228, %select_n3A : i32
    %get3A_230 = arith.index_cast %add3A_229 : i32 to index
    %get3A_231 = tpu.vector_load %arg5[%get3A_230] {strides = array<i32>} : memref<528xf32, #tpu.memory_space<vmem>>, vector<16xf32>,
    %get3A_232 = vector.shape_cast %get3A_231 : vector<16xf32> to vector<16xf32>
    %slice3A_233 = vector.extract_strided_slice %get3A_232 {offsets = [0], sizes = [1], strides = [1]} : vector<16xf32> to vector<1xf32>
    %squeeze3A_234 = vector.extract %slice3A_233[0] : f32 from vector<1xf32>
    %add3A_235 = arith.constant 464 : i32
    %add3A_236 = arith.addi %add3A_235, %select_n3A : i32
    %get3A_237 = arith.index_cast %add3A_236 : i32 to index
    %get3A_238 = tpu.vector_load %arg5[%get3A_237] {strides = array<i32>} : memref<528xf32, #tpu.memory_space<vmem>>, vector<16xf32>,
    %get3A_239 = vector.shape_cast %get3A_238 : vector<16xf32> to vector<16xf32>
    %slice3A_240 = vector.extract_strided_slice %get3A_239 {offsets = [0], sizes = [1], strides = [1]} : vector<16xf32> to vector<1xf32>
    %squeeze3A_241 = vector.extract %slice3A_240[0] : f32 from vector<1xf32>
    %add3A_242 = arith.constant 480 : i32
    %add3A_243 = arith.addi %add3A_242, %select_n3A : i32
    %get3A_244 = arith.index_cast %add3A_243 : i32 to index
    %get3A_245 = tpu.vector_load %arg5[%get3A_244] {strides = array<i32>} : memref<528xf32, #tpu.memory_space<vmem>>, vector<16xf32>,
    %get3A_246 = vector.shape_cast %get3A_245 : vector<16xf32> to vector<16xf32>
    %slice3A_247 = vector.extract_strided_slice %get3A_246 {offsets = [0], sizes = [1], strides = [1]} : vector<16xf32> to vector<1xf32>
    %squeeze3A_248 = vector.extract %slice3A_247[0] : f32 from vector<1xf32>
    %add3A_249 = arith.constant 496 : i32
    %add3A_250 = arith.addi %add3A_249, %select_n3A : i32
    %get3A_251 = arith.index_cast %add3A_250 : i32 to index
    %get3A_252 = tpu.vector_load %arg5[%get3A_251] {strides = array<i32>} : memref<528xf32, #tpu.memory_space<vmem>>, vector<16xf32>,
    %get3A_253 = vector.shape_cast %get3A_252 : vector<16xf32> to vector<16xf32>
    %slice3A_254 = vector.extract_strided_slice %get3A_253 {offsets = [0], sizes = [1], strides = [1]} : vector<16xf32> to vector<1xf32>
    %squeeze3A_255 = vector.extract %slice3A_254[0] : f32 from vector<1xf32>
    %iota3A = tpu.iota {dimensions = array<i32: 0>} : vector<16xi32>
    %add3A_256 = arith.constant 1024 : i32
    %add3A_257 = arith.addi %mul3A_32, %add3A_256 : i32
    %sub3A_258 = arith.constant 1 : i32
    %sub3A_259 = arith.subi %add3A_257, %sub3A_258 : i32
    %neg3A = arith.constant 0 : i32
    %neg3A_260 = arith.subi %neg3A, %sub3A_259 : i32
    %scan3A = arith.constant 0 : i32
    %scan3A_261 = arith.constant 0 : i32
    %scan3A_262 = arith.constant 192 : i32
    %scan3A_263 = arith.addi %scan3A_261, %scan3A_262 : i32
    %scan3A_264 = arith.constant 1 : i32
    scf.for %scan3A_582 = %scan3A_261 to %scan3A_263 step %scan3A_264  : i32 {
      %mul3A_583 = arith.constant 16 : i32
      %mul3A_584 = arith.muli %scan3A_582, %mul3A_583 : i32
      %add3A_585 = arith.addi %neg3A_260, %mul3A_584 : i32
      %add3A_586 = vector.broadcast %add3A_585 : i32 to vector<16xi32>
      %add3A_587 = arith.addi %add3A_586, %iota3A : vector<16xi32>
      %broadcast_in_dim3A = vector.broadcast %squeeze3A_143 : f32 to vector<16xf32>
      %ge3A = arith.constant -90 : i32
      %ge3A_588 = vector.broadcast %ge3A : i32 to vector<16xi32>
      %ge3A_589 = arith.cmpi sge, %add3A_587, %ge3A_588 : vector<16xi32>
      %broadcast_in_dim3A_590 = vector.broadcast %squeeze3A_136 : f32 to vector<16xf32>
      %select_n3A_591 = arith.select %ge3A_589, %broadcast_in_dim3A_590, %broadcast_in_dim3A : vector<16xi1>, vector<16xf32>
      %ge3A_592 = arith.constant -63 : i32
      %ge3A_593 = vector.broadcast %ge3A_592 : i32 to vector<16xi32>
      %ge3A_594 = arith.cmpi sge, %add3A_587, %ge3A_593 : vector<16xi32>
      %broadcast_in_dim3A_595 = vector.broadcast %squeeze3A_129 : f32 to vector<16xf32>
      %select_n3A_596 = arith.select %ge3A_594, %broadcast_in_dim3A_595, %select_n3A_591 : vector<16xi1>, vector<16xf32>
      %ge3A_597 = arith.constant -45 : i32
      %ge3A_598 = vector.broadcast %ge3A_597 : i32 to vector<16xi32>
      %ge3A_599 = arith.cmpi sge, %add3A_587, %ge3A_598 : vector<16xi32>
      %broadcast_in_dim3A_600 = vector.broadcast %squeeze3A_122 : f32 to vector<16xf32>
      %select_n3A_601 = arith.select %ge3A_599, %broadcast_in_dim3A_600, %select_n3A_596 : vector<16xi1>, vector<16xf32>
      %ge3A_602 = arith.constant -31 : i32
      %ge3A_603 = vector.broadcast %ge3A_602 : i32 to vector<16xi32>
      %ge3A_604 = arith.cmpi sge, %add3A_587, %ge3A_603 : vector<16xi32>
      %broadcast_in_dim3A_605 = vector.broadcast %squeeze3A_115 : f32 to vector<16xf32>
      %select_n3A_606 = arith.select %ge3A_604, %broadcast_in_dim3A_605, %select_n3A_601 : vector<16xi1>, vector<16xf32>
      %ge3A_607 = arith.constant -22 : i32
      %ge3A_608 = vector.broadcast %ge3A_607 : i32 to vector<16xi32>
      %ge3A_609 = arith.cmpi sge, %add3A_587, %ge3A_608 : vector<16xi32>
      %broadcast_in_dim3A_610 = vector.broadcast %squeeze3A_108 : f32 to vector<16xf32>
      %select_n3A_611 = arith.select %ge3A_609, %broadcast_in_dim3A_610, %select_n3A_606 : vector<16xi1>, vector<16xf32>
      %ge3A_612 = arith.constant -15 : i32
      %ge3A_613 = vector.broadcast %ge3A_612 : i32 to vector<16xi32>
      %ge3A_614 = arith.cmpi sge, %add3A_587, %ge3A_613 : vector<16xi32>
      %broadcast_in_dim3A_615 = vector.broadcast %squeeze3A_101 : f32 to vector<16xf32>
      %select_n3A_616 = arith.select %ge3A_614, %broadcast_in_dim3A_615, %select_n3A_611 : vector<16xi1>, vector<16xf32>
      %ge3A_617 = arith.constant -11 : i32
      %ge3A_618 = vector.broadcast %ge3A_617 : i32 to vector<16xi32>
      %ge3A_619 = arith.cmpi sge, %add3A_587, %ge3A_618 : vector<16xi32>
      %broadcast_in_dim3A_620 = vector.broadcast %squeeze3A_94 : f32 to vector<16xf32>
      %select_n3A_621 = arith.select %ge3A_619, %broadcast_in_dim3A_620, %select_n3A_616 : vector<16xi1>, vector<16xf32>
      %ge3A_622 = arith.constant -7 : i32
      %ge3A_623 = vector.broadcast %ge3A_622 : i32 to vector<16xi32>
      %ge3A_624 = arith.cmpi sge, %add3A_587, %ge3A_623 : vector<16xi32>
      %broadcast_in_dim3A_625 = vector.broadcast %squeeze3A_87 : f32 to vector<16xf32>
      %select_n3A_626 = arith.select %ge3A_624, %broadcast_in_dim3A_625, %select_n3A_621 : vector<16xi1>, vector<16xf32>
      %ge3A_627 = arith.constant -6 : i32
      %ge3A_628 = vector.broadcast %ge3A_627 : i32 to vector<16xi32>
      %ge3A_629 = arith.cmpi sge, %add3A_587, %ge3A_628 : vector<16xi32>
      %broadcast_in_dim3A_630 = vector.broadcast %squeeze3A_80 : f32 to vector<16xf32>
      %select_n3A_631 = arith.select %ge3A_629, %broadcast_in_dim3A_630, %select_n3A_626 : vector<16xi1>, vector<16xf32>
      %ge3A_632 = arith.constant -5 : i32
      %ge3A_633 = vector.broadcast %ge3A_632 : i32 to vector<16xi32>
      %ge3A_634 = arith.cmpi sge, %add3A_587, %ge3A_633 : vector<16xi32>
      %broadcast_in_dim3A_635 = vector.broadcast %squeeze3A_73 : f32 to vector<16xf32>
      %select_n3A_636 = arith.select %ge3A_634, %broadcast_in_dim3A_635, %select_n3A_631 : vector<16xi1>, vector<16xf32>
      %ge3A_637 = arith.constant -4 : i32
      %ge3A_638 = vector.broadcast %ge3A_637 : i32 to vector<16xi32>
      %ge3A_639 = arith.cmpi sge, %add3A_587, %ge3A_638 : vector<16xi32>
      %broadcast_in_dim3A_640 = vector.broadcast %squeeze3A_66 : f32 to vector<16xf32>
      %select_n3A_641 = arith.select %ge3A_639, %broadcast_in_dim3A_640, %select_n3A_636 : vector<16xi1>, vector<16xf32>
      %ge3A_642 = arith.constant -3 : i32
      %ge3A_643 = vector.broadcast %ge3A_642 : i32 to vector<16xi32>
      %ge3A_644 = arith.cmpi sge, %add3A_587, %ge3A_643 : vector<16xi32>
      %broadcast_in_dim3A_645 = vector.broadcast %squeeze3A_59 : f32 to vector<16xf32>
      %select_n3A_646 = arith.select %ge3A_644, %broadcast_in_dim3A_645, %select_n3A_641 : vector<16xi1>, vector<16xf32>
      %ge3A_647 = arith.constant -2 : i32
      %ge3A_648 = vector.broadcast %ge3A_647 : i32 to vector<16xi32>
      %ge3A_649 = arith.cmpi sge, %add3A_587, %ge3A_648 : vector<16xi32>
      %broadcast_in_dim3A_650 = vector.broadcast %squeeze3A_52 : f32 to vector<16xf32>
      %select_n3A_651 = arith.select %ge3A_649, %broadcast_in_dim3A_650, %select_n3A_646 : vector<16xi1>, vector<16xf32>
      %ge3A_652 = arith.constant -1 : i32
      %ge3A_653 = vector.broadcast %ge3A_652 : i32 to vector<16xi32>
      %ge3A_654 = arith.cmpi sge, %add3A_587, %ge3A_653 : vector<16xi32>
      %broadcast_in_dim3A_655 = vector.broadcast %squeeze3A_45 : f32 to vector<16xf32>
      %select_n3A_656 = arith.select %ge3A_654, %broadcast_in_dim3A_655, %select_n3A_651 : vector<16xi1>, vector<16xf32>
      %ge3A_657 = arith.constant 0 : i32
      %ge3A_658 = vector.broadcast %ge3A_657 : i32 to vector<16xi32>
      %ge3A_659 = arith.cmpi sge, %add3A_587, %ge3A_658 : vector<16xi32>
      %broadcast_in_dim3A_660 = vector.broadcast %squeeze3A : f32 to vector<16xf32>
      %select_n3A_661 = arith.select %ge3A_659, %broadcast_in_dim3A_660, %select_n3A_656 : vector<16xi1>, vector<16xf32>
      %ge3A_662 = arith.constant 1 : i32
      %ge3A_663 = vector.broadcast %ge3A_662 : i32 to vector<16xi32>
      %ge3A_664 = arith.cmpi sge, %add3A_587, %ge3A_663 : vector<16xi32>
      %broadcast_in_dim3A_665 = vector.broadcast %squeeze3A_157 : f32 to vector<16xf32>
      %select_n3A_666 = arith.select %ge3A_664, %broadcast_in_dim3A_665, %select_n3A_661 : vector<16xi1>, vector<16xf32>
      %ge3A_667 = arith.constant 2 : i32
      %ge3A_668 = vector.broadcast %ge3A_667 : i32 to vector<16xi32>
      %ge3A_669 = arith.cmpi sge, %add3A_587, %ge3A_668 : vector<16xi32>
      %broadcast_in_dim3A_670 = vector.broadcast %squeeze3A_164 : f32 to vector<16xf32>
      %select_n3A_671 = arith.select %ge3A_669, %broadcast_in_dim3A_670, %select_n3A_666 : vector<16xi1>, vector<16xf32>
      %ge3A_672 = arith.constant 3 : i32
      %ge3A_673 = vector.broadcast %ge3A_672 : i32 to vector<16xi32>
      %ge3A_674 = arith.cmpi sge, %add3A_587, %ge3A_673 : vector<16xi32>
      %broadcast_in_dim3A_675 = vector.broadcast %squeeze3A_171 : f32 to vector<16xf32>
      %select_n3A_676 = arith.select %ge3A_674, %broadcast_in_dim3A_675, %select_n3A_671 : vector<16xi1>, vector<16xf32>
      %ge3A_677 = arith.constant 4 : i32
      %ge3A_678 = vector.broadcast %ge3A_677 : i32 to vector<16xi32>
      %ge3A_679 = arith.cmpi sge, %add3A_587, %ge3A_678 : vector<16xi32>
      %broadcast_in_dim3A_680 = vector.broadcast %squeeze3A_178 : f32 to vector<16xf32>
      %select_n3A_681 = arith.select %ge3A_679, %broadcast_in_dim3A_680, %select_n3A_676 : vector<16xi1>, vector<16xf32>
      %ge3A_682 = arith.constant 5 : i32
      %ge3A_683 = vector.broadcast %ge3A_682 : i32 to vector<16xi32>
      %ge3A_684 = arith.cmpi sge, %add3A_587, %ge3A_683 : vector<16xi32>
      %broadcast_in_dim3A_685 = vector.broadcast %squeeze3A_185 : f32 to vector<16xf32>
      %select_n3A_686 = arith.select %ge3A_684, %broadcast_in_dim3A_685, %select_n3A_681 : vector<16xi1>, vector<16xf32>
      %ge3A_687 = arith.constant 6 : i32
      %ge3A_688 = vector.broadcast %ge3A_687 : i32 to vector<16xi32>
      %ge3A_689 = arith.cmpi sge, %add3A_587, %ge3A_688 : vector<16xi32>
      %broadcast_in_dim3A_690 = vector.broadcast %squeeze3A_192 : f32 to vector<16xf32>
      %select_n3A_691 = arith.select %ge3A_689, %broadcast_in_dim3A_690, %select_n3A_686 : vector<16xi1>, vector<16xf32>
      %ge3A_692 = arith.constant 7 : i32
      %ge3A_693 = vector.broadcast %ge3A_692 : i32 to vector<16xi32>
      %ge3A_694 = arith.cmpi sge, %add3A_587, %ge3A_693 : vector<16xi32>
      %broadcast_in_dim3A_695 = vector.broadcast %squeeze3A_199 : f32 to vector<16xf32>
      %select_n3A_696 = arith.select %ge3A_694, %broadcast_in_dim3A_695, %select_n3A_691 : vector<16xi1>, vector<16xf32>
      %ge3A_697 = arith.constant 8 : i32
      %ge3A_698 = vector.broadcast %ge3A_697 : i32 to vector<16xi32>
      %ge3A_699 = arith.cmpi sge, %add3A_587, %ge3A_698 : vector<16xi32>
      %broadcast_in_dim3A_700 = vector.broadcast %squeeze3A_206 : f32 to vector<16xf32>
      %select_n3A_701 = arith.select %ge3A_699, %broadcast_in_dim3A_700, %select_n3A_696 : vector<16xi1>, vector<16xf32>
      %ge3A_702 = arith.constant 12 : i32
      %ge3A_703 = vector.broadcast %ge3A_702 : i32 to vector<16xi32>
      %ge3A_704 = arith.cmpi sge, %add3A_587, %ge3A_703 : vector<16xi32>
      %broadcast_in_dim3A_705 = vector.broadcast %squeeze3A_213 : f32 to vector<16xf32>
      %select_n3A_706 = arith.select %ge3A_704, %broadcast_in_dim3A_705, %select_n3A_701 : vector<16xi1>, vector<16xf32>
      %ge3A_707 = arith.constant 16 : i32
      %ge3A_708 = vector.broadcast %ge3A_707 : i32 to vector<16xi32>
      %ge3A_709 = arith.cmpi sge, %add3A_587, %ge3A_708 : vector<16xi32>
      %broadcast_in_dim3A_710 = vector.broadcast %squeeze3A_220 : f32 to vector<16xf32>
      %select_n3A_711 = arith.select %ge3A_709, %broadcast_in_dim3A_710, %select_n3A_706 : vector<16xi1>, vector<16xf32>
      %ge3A_712 = arith.constant 23 : i32
      %ge3A_713 = vector.broadcast %ge3A_712 : i32 to vector<16xi32>
      %ge3A_714 = arith.cmpi sge, %add3A_587, %ge3A_713 : vector<16xi32>
      %broadcast_in_dim3A_715 = vector.broadcast %squeeze3A_227 : f32 to vector<16xf32>
      %select_n3A_716 = arith.select %ge3A_714, %broadcast_in_dim3A_715, %select_n3A_711 : vector<16xi1>, vector<16xf32>
      %ge3A_717 = arith.constant 32 : i32
      %ge3A_718 = vector.broadcast %ge3A_717 : i32 to vector<16xi32>
      %ge3A_719 = arith.cmpi sge, %add3A_587, %ge3A_718 : vector<16xi32>
      %broadcast_in_dim3A_720 = vector.broadcast %squeeze3A_234 : f32 to vector<16xf32>
      %select_n3A_721 = arith.select %ge3A_719, %broadcast_in_dim3A_720, %select_n3A_716 : vector<16xi1>, vector<16xf32>
      %ge3A_722 = arith.constant 46 : i32
      %ge3A_723 = vector.broadcast %ge3A_722 : i32 to vector<16xi32>
      %ge3A_724 = arith.cmpi sge, %add3A_587, %ge3A_723 : vector<16xi32>
      %broadcast_in_dim3A_725 = vector.broadcast %squeeze3A_241 : f32 to vector<16xf32>
      %select_n3A_726 = arith.select %ge3A_724, %broadcast_in_dim3A_725, %select_n3A_721 : vector<16xi1>, vector<16xf32>
      %ge3A_727 = arith.constant 64 : i32
      %ge3A_728 = vector.broadcast %ge3A_727 : i32 to vector<16xi32>
      %ge3A_729 = arith.cmpi sge, %add3A_587, %ge3A_728 : vector<16xi32>
      %broadcast_in_dim3A_730 = vector.broadcast %squeeze3A_248 : f32 to vector<16xf32>
      %select_n3A_731 = arith.select %ge3A_729, %broadcast_in_dim3A_730, %select_n3A_726 : vector<16xi1>, vector<16xf32>
      %ge3A_732 = arith.constant 91 : i32
      %ge3A_733 = vector.broadcast %ge3A_732 : i32 to vector<16xi32>
      %ge3A_734 = arith.cmpi sge, %add3A_587, %ge3A_733 : vector<16xi32>
      %broadcast_in_dim3A_735 = vector.broadcast %squeeze3A_255 : f32 to vector<16xf32>
      %select_n3A_736 = arith.select %ge3A_734, %broadcast_in_dim3A_735, %select_n3A_731 : vector<16xi1>, vector<16xf32>
      %mul3A_737 = arith.constant 16 : i32
      %mul3A_738 = arith.muli %scan3A_582, %mul3A_737 : i32
      %swap3A = arith.index_cast %mul3A_738 : i32 to index
      %swap3A_739 = tpu.vector_load %arg6[%swap3A] {strides = array<i32>} : memref<3072xf32, #tpu.memory_space<vmem>>, vector<16xf32>,
      %swap3A_740 = vector.shape_cast %swap3A_739 : vector<16xf32> to vector<16xf32>
      %swap3A_741 = vector.shape_cast %select_n3A_736 : vector<16xf32> to vector<16xf32>
      tpu.vector_store %arg6[%swap3A], %swap3A_741 {strides = array<i32>} : memref<3072xf32, #tpu.memory_space<vmem>>, vector<16xf32>,
    }
    %scan3A_265 = arith.constant 192 : i32
    %add3A_266 = arith.constant 0 : i32
    %add3A_267 = arith.addi %mul3A_34, %add3A_266 : i32
    %dma_start3A = arith.constant 0 : i32
    %dma_start3A_268 = arith.constant 0 : i32
    %dma_start3A_269 = arith.constant 0 : i32
    %dma_start3A_270 = arith.constant 0 : i32
    %dma_start3A_271 = tpu.memref_slice %arg7[%dma_start3A, %dma_start3A_269, %dma_start3A_270] : memref<2x8x2048xf32, #tpu.memory_space<vmem>> -> memref<1x8x2048xf32, #tpu.memory_space<vmem>>
    %dma_start3A_272 = tpu.memref_squeeze %dma_start3A_271 : memref<1x8x2048xf32, #tpu.memory_space<vmem>> -> memref<8x2048xf32, #tpu.memory_space<vmem>>
    %dma_start3A_273 = arith.constant 0 : i32
    %dma_start3A_274 = tpu.memref_slice %arg2[%add3A_267, %dma_start3A_273] : memref<32768x2048xf32, #tpu.memory_space<hbm>> -> memref<8x2048xf32, #tpu.memory_space<hbm>>
    %dma_start3A_275 = tpu.memref_slice %arg9[%dma_start3A_268] : memref<2x!tpu.dma_semaphore, #tpu.memory_space<semaphore_mem>> -> memref<1x!tpu.dma_semaphore, #tpu.memory_space<semaphore_mem>>
    %dma_start3A_276 = tpu.memref_squeeze %dma_start3A_275 : memref<1x!tpu.dma_semaphore, #tpu.memory_space<semaphore_mem>> -> memref<!tpu.dma_semaphore, #tpu.memory_space<semaphore_mem>>
    %dma_start3A_277 = arith.constant 0 : i32
    %dma_start3A_278 = arith.constant 0 : i32
    %dma_start3A_279 = tpu.memref_slice %arg7[%dma_start3A, %dma_start3A_277, %dma_start3A_278] : memref<2x8x2048xf32, #tpu.memory_space<vmem>> -> memref<1x8x2048xf32, #tpu.memory_space<vmem>>
    %dma_start3A_280 = tpu.memref_squeeze %dma_start3A_279 : memref<1x8x2048xf32, #tpu.memory_space<vmem>> -> memref<8x2048xf32, #tpu.memory_space<vmem>>
    %dma_start3A_281 = arith.constant 0 : i32
    %dma_start3A_282 = tpu.memref_slice %arg2[%add3A_267, %dma_start3A_281] : memref<32768x2048xf32, #tpu.memory_space<hbm>> -> memref<8x2048xf32, #tpu.memory_space<hbm>>
    tpu.enqueue_dma source(%dma_start3A_282 : memref<8x2048xf32, #tpu.memory_space<hbm>>) target(%dma_start3A_280 : memref<8x2048xf32, #tpu.memory_space<vmem>>) target_semaphore(%dma_start3A_276 : memref<!tpu.dma_semaphore, #tpu.memory_space<semaphore_mem>>)
    %add3A_283 = arith.constant 8 : i32
    %add3A_284 = arith.addi %mul3A_34, %add3A_283 : i32
    %dma_start3A_285 = arith.constant 1 : i32
    %dma_start3A_286 = arith.constant 1 : i32
    %dma_start3A_287 = arith.constant 0 : i32
    %dma_start3A_288 = arith.constant 0 : i32
    %dma_start3A_289 = tpu.memref_slice %arg7[%dma_start3A_285, %dma_start3A_287, %dma_start3A_288] : memref<2x8x2048xf32, #tpu.memory_space<vmem>> -> memref<1x8x2048xf32, #tpu.memory_space<vmem>>
    %dma_start3A_290 = tpu.memref_squeeze %dma_start3A_289 : memref<1x8x2048xf32, #tpu.memory_space<vmem>> -> memref<8x2048xf32, #tpu.memory_space<vmem>>
    %dma_start3A_291 = arith.constant 0 : i32
    %dma_start3A_292 = tpu.memref_slice %arg2[%add3A_284, %dma_start3A_291] : memref<32768x2048xf32, #tpu.memory_space<hbm>> -> memref<8x2048xf32, #tpu.memory_space<hbm>>
    %dma_start3A_293 = tpu.memref_slice %arg9[%dma_start3A_286] : memref<2x!tpu.dma_semaphore, #tpu.memory_space<semaphore_mem>> -> memref<1x!tpu.dma_semaphore, #tpu.memory_space<semaphore_mem>>
    %dma_start3A_294 = tpu.memref_squeeze %dma_start3A_293 : memref<1x!tpu.dma_semaphore, #tpu.memory_space<semaphore_mem>> -> memref<!tpu.dma_semaphore, #tpu.memory_space<semaphore_mem>>
    %dma_start3A_295 = arith.constant 0 : i32
    %dma_start3A_296 = arith.constant 0 : i32
    %dma_start3A_297 = tpu.memref_slice %arg7[%dma_start3A_285, %dma_start3A_295, %dma_start3A_296] : memref<2x8x2048xf32, #tpu.memory_space<vmem>> -> memref<1x8x2048xf32, #tpu.memory_space<vmem>>
    %dma_start3A_298 = tpu.memref_squeeze %dma_start3A_297 : memref<1x8x2048xf32, #tpu.memory_space<vmem>> -> memref<8x2048xf32, #tpu.memory_space<vmem>>
    %dma_start3A_299 = arith.constant 0 : i32
    %dma_start3A_300 = tpu.memref_slice %arg2[%add3A_284, %dma_start3A_299] : memref<32768x2048xf32, #tpu.memory_space<hbm>> -> memref<8x2048xf32, #tpu.memory_space<hbm>>
    tpu.enqueue_dma source(%dma_start3A_300 : memref<8x2048xf32, #tpu.memory_space<hbm>>) target(%dma_start3A_298 : memref<8x2048xf32, #tpu.memory_space<vmem>>) target_semaphore(%dma_start3A_294 : memref<!tpu.dma_semaphore, #tpu.memory_space<semaphore_mem>>)
    %add3A_301 = arith.constant 0 : i32
    %add3A_302 = arith.addi %mul3A_34, %add3A_301 : i32
    %dma_wait3A = arith.constant 0 : i32
    %dma_wait3A_303 = arith.constant 0 : i32
    %dma_wait3A_304 = arith.constant 0 : i32
    %dma_wait3A_305 = arith.constant 0 : i32
    %dma_wait3A_306 = tpu.memref_slice %arg7[%dma_wait3A, %dma_wait3A_304, %dma_wait3A_305] : memref<2x8x2048xf32, #tpu.memory_space<vmem>> -> memref<1x8x2048xf32, #tpu.memory_space<vmem>>
    %dma_wait3A_307 = tpu.memref_squeeze %dma_wait3A_306 : memref<1x8x2048xf32, #tpu.memory_space<vmem>> -> memref<8x2048xf32, #tpu.memory_space<vmem>>
    %dma_wait3A_308 = arith.constant 0 : i32
    %dma_wait3A_309 = tpu.memref_slice %arg2[%add3A_302, %dma_wait3A_308] : memref<32768x2048xf32, #tpu.memory_space<hbm>> -> memref<8x2048xf32, #tpu.memory_space<hbm>>
    %dma_wait3A_310 = tpu.memref_slice %arg9[%dma_wait3A_303] : memref<2x!tpu.dma_semaphore, #tpu.memory_space<semaphore_mem>> -> memref<1x!tpu.dma_semaphore, #tpu.memory_space<semaphore_mem>>
    %dma_wait3A_311 = tpu.memref_squeeze %dma_wait3A_310 : memref<1x!tpu.dma_semaphore, #tpu.memory_space<semaphore_mem>> -> memref<!tpu.dma_semaphore, #tpu.memory_space<semaphore_mem>>
    %dma_wait3A_312 = arith.constant 0 : i32
    %dma_wait3A_313 = arith.constant 0 : i32
    %dma_wait3A_314 = tpu.memref_slice %arg7[%dma_wait3A, %dma_wait3A_312, %dma_wait3A_313] : memref<2x8x2048xf32, #tpu.memory_space<vmem>> -> memref<1x8x2048xf32, #tpu.memory_space<vmem>>
    %dma_wait3A_315 = tpu.memref_squeeze %dma_wait3A_314 : memref<1x8x2048xf32, #tpu.memory_space<vmem>> -> memref<8x2048xf32, #tpu.memory_space<vmem>>
    %dma_wait3A_316 = arith.constant 0 : i32
    %dma_wait3A_317 = tpu.memref_slice %arg2[%add3A_302, %dma_wait3A_316] : memref<32768x2048xf32, #tpu.memory_space<hbm>> -> memref<8x2048xf32, #tpu.memory_space<hbm>>
    tpu.wait_dma2 semaphore(%dma_wait3A_311 : memref<!tpu.dma_semaphore, #tpu.memory_space<semaphore_mem>>) src(%dma_wait3A_317 : memref<8x2048xf32, #tpu.memory_space<hbm>>) dst(%dma_wait3A_315 : memref<8x2048xf32, #tpu.memory_space<vmem>>)
    %scan3A_318 = arith.constant 0 : i32
    %scan3A_319 = arith.constant 0 : i32
    %scan3A_320 = arith.constant 8 : i32
    %scan3A_321 = arith.addi %scan3A_319, %scan3A_320 : i32
    %scan3A_322 = arith.constant 1 : i32
    scf.for %scan3A_582 = %scan3A_319 to %scan3A_321 step %scan3A_322  : i32 {
      %add3A_583 = arith.constant 0 : i32
      %add3A_584 = arith.addi %add3A_583, %scan3A_582 : i32
      %sub3A_585 = arith.constant 1023 : i32
      %sub3A_586 = arith.subi %sub3A_585, %add3A_584 : i32
      %scan3A_587 = arith.constant 0 : i32
      %scan3A_588 = arith.constant 0 : i32
      %scan3A_589 = arith.constant 128 : i32
      %scan3A_590 = arith.addi %scan3A_588, %scan3A_589 : i32
      %scan3A_591 = arith.constant 8 : i32
      scf.for %scan3A_593 = %scan3A_588 to %scan3A_590 step %scan3A_591  : i32 {
        %mul3A_594 = arith.constant 16 : i32
        %mul3A_595 = arith.muli %scan3A_593, %mul3A_594 : i32
        %get3A_596 = arith.constant 0 : i32
        %get3A_597 = arith.index_cast %get3A_596 : i32 to index
        %get3A_598 = arith.index_cast %scan3A_582 : i32 to index
        %get3A_599 = arith.index_cast %mul3A_595 : i32 to index
        %get3A_600 = tpu.vector_load %arg7[%get3A_597, %get3A_598, %get3A_599] {strides = array<i32>} : memref<2x8x2048xf32, #tpu.memory_space<vmem>>, vector<1x1x16xf32>,
        %get3A_601 = vector.shape_cast %get3A_600 : vector<1x1x16xf32> to vector<16xf32>
        %add3A_602 = arith.addi %sub3A_586, %mul3A_595 : i32
        %get3A_603 = arith.index_cast %add3A_602 : i32 to index
        %get3A_604 = tpu.vector_load %arg6[%get3A_603] {strides = array<i32>} : memref<3072xf32, #tpu.memory_space<vmem>>, vector<16xf32>,
        %get3A_605 = vector.shape_cast %get3A_604 : vector<16xf32> to vector<16xf32>
        %add3A_606 = arith.addf %get3A_601, %get3A_605 : vector<16xf32>
        %swap3A = arith.constant 0 : i32
        %swap3A_607 = arith.index_cast %swap3A : i32 to index
        %swap3A_608 = arith.index_cast %scan3A_582 : i32 to index
        %swap3A_609 = arith.index_cast %mul3A_595 : i32 to index
        %swap3A_610 = tpu.vector_load %arg8[%swap3A_607, %swap3A_608, %swap3A_609] {strides = array<i32>} : memref<2x8x2048xf32, #tpu.memory_space<vmem>>, vector<1x1x16xf32>,
        %swap3A_611 = vector.shape_cast %swap3A_610 : vector<1x1x16xf32> to vector<16xf32>
        %swap3A_612 = vector.shape_cast %add3A_606 : vector<16xf32> to vector<1x1x16xf32>
        tpu.vector_store %arg8[%swap3A_607, %swap3A_608, %swap3A_609], %swap3A_612 {strides = array<i32>} : memref<2x8x2048xf32, #tpu.memory_space<vmem>>, vector<1x1x16xf32>,
        %scan3A_613 = arith.constant 1 : i32
        %scan3A_614 = arith.addi %scan3A_593, %scan3A_613 : i32
        %mul3A_615 = arith.constant 16 : i32
        %mul3A_616 = arith.muli %scan3A_614, %mul3A_615 : i32
        %get3A_617 = arith.constant 0 : i32
        %get3A_618 = arith.index_cast %get3A_617 : i32 to index
        %get3A_619 = arith.index_cast %scan3A_582 : i32 to index
        %get3A_620 = arith.index_cast %mul3A_616 : i32 to index
        %get3A_621 = tpu.vector_load %arg7[%get3A_618, %get3A_619, %get3A_620] {strides = array<i32>} : memref<2x8x2048xf32, #tpu.memory_space<vmem>>, vector<1x1x16xf32>,
        %get3A_622 = vector.shape_cast %get3A_621 : vector<1x1x16xf32> to vector<16xf32>
        %add3A_623 = arith.addi %sub3A_586, %mul3A_616 : i32
        %get3A_624 = arith.index_cast %add3A_623 : i32 to index
        %get3A_625 = tpu.vector_load %arg6[%get3A_624] {strides = array<i32>} : memref<3072xf32, #tpu.memory_space<vmem>>, vector<16xf32>,
        %get3A_626 = vector.shape_cast %get3A_625 : vector<16xf32> to vector<16xf32>
        %add3A_627 = arith.addf %get3A_622, %get3A_626 : vector<16xf32>
        %swap3A_628 = arith.constant 0 : i32
        %swap3A_629 = arith.index_cast %swap3A_628 : i32 to index
        %swap3A_630 = arith.index_cast %scan3A_582 : i32 to index
        %swap3A_631 = arith.index_cast %mul3A_616 : i32 to index
        %swap3A_632 = tpu.vector_load %arg8[%swap3A_629, %swap3A_630, %swap3A_631] {strides = array<i32>} : memref<2x8x2048xf32, #tpu.memory_space<vmem>>, vector<1x1x16xf32>,
        %swap3A_633 = vector.shape_cast %swap3A_632 : vector<1x1x16xf32> to vector<16xf32>
        %swap3A_634 = vector.shape_cast %add3A_627 : vector<16xf32> to vector<1x1x16xf32>
        tpu.vector_store %arg8[%swap3A_629, %swap3A_630, %swap3A_631], %swap3A_634 {strides = array<i32>} : memref<2x8x2048xf32, #tpu.memory_space<vmem>>, vector<1x1x16xf32>,
        %scan3A_635 = arith.constant 2 : i32
        %scan3A_636 = arith.addi %scan3A_593, %scan3A_635 : i32
        %mul3A_637 = arith.constant 16 : i32
        %mul3A_638 = arith.muli %scan3A_636, %mul3A_637 : i32
        %get3A_639 = arith.constant 0 : i32
        %get3A_640 = arith.index_cast %get3A_639 : i32 to index
        %get3A_641 = arith.index_cast %scan3A_582 : i32 to index
        %get3A_642 = arith.index_cast %mul3A_638 : i32 to index
        %get3A_643 = tpu.vector_load %arg7[%get3A_640, %get3A_641, %get3A_642] {strides = array<i32>} : memref<2x8x2048xf32, #tpu.memory_space<vmem>>, vector<1x1x16xf32>,
        %get3A_644 = vector.shape_cast %get3A_643 : vector<1x1x16xf32> to vector<16xf32>
        %add3A_645 = arith.addi %sub3A_586, %mul3A_638 : i32
        %get3A_646 = arith.index_cast %add3A_645 : i32 to index
        %get3A_647 = tpu.vector_load %arg6[%get3A_646] {strides = array<i32>} : memref<3072xf32, #tpu.memory_space<vmem>>, vector<16xf32>,
        %get3A_648 = vector.shape_cast %get3A_647 : vector<16xf32> to vector<16xf32>
        %add3A_649 = arith.addf %get3A_644, %get3A_648 : vector<16xf32>
        %swap3A_650 = arith.constant 0 : i32
        %swap3A_651 = arith.index_cast %swap3A_650 : i32 to index
        %swap3A_652 = arith.index_cast %scan3A_582 : i32 to index
        %swap3A_653 = arith.index_cast %mul3A_638 : i32 to index
        %swap3A_654 = tpu.vector_load %arg8[%swap3A_651, %swap3A_652, %swap3A_653] {strides = array<i32>} : memref<2x8x2048xf32, #tpu.memory_space<vmem>>, vector<1x1x16xf32>,
        %swap3A_655 = vector.shape_cast %swap3A_654 : vector<1x1x16xf32> to vector<16xf32>
        %swap3A_656 = vector.shape_cast %add3A_649 : vector<16xf32> to vector<1x1x16xf32>
        tpu.vector_store %arg8[%swap3A_651, %swap3A_652, %swap3A_653], %swap3A_656 {strides = array<i32>} : memref<2x8x2048xf32, #tpu.memory_space<vmem>>, vector<1x1x16xf32>,
        %scan3A_657 = arith.constant 3 : i32
        %scan3A_658 = arith.addi %scan3A_593, %scan3A_657 : i32
        %mul3A_659 = arith.constant 16 : i32
        %mul3A_660 = arith.muli %scan3A_658, %mul3A_659 : i32
        %get3A_661 = arith.constant 0 : i32
        %get3A_662 = arith.index_cast %get3A_661 : i32 to index
        %get3A_663 = arith.index_cast %scan3A_582 : i32 to index
        %get3A_664 = arith.index_cast %mul3A_660 : i32 to index
        %get3A_665 = tpu.vector_load %arg7[%get3A_662, %get3A_663, %get3A_664] {strides = array<i32>} : memref<2x8x2048xf32, #tpu.memory_space<vmem>>, vector<1x1x16xf32>,
        %get3A_666 = vector.shape_cast %get3A_665 : vector<1x1x16xf32> to vector<16xf32>
        %add3A_667 = arith.addi %sub3A_586, %mul3A_660 : i32
        %get3A_668 = arith.index_cast %add3A_667 : i32 to index
        %get3A_669 = tpu.vector_load %arg6[%get3A_668] {strides = array<i32>} : memref<3072xf32, #tpu.memory_space<vmem>>, vector<16xf32>,
        %get3A_670 = vector.shape_cast %get3A_669 : vector<16xf32> to vector<16xf32>
        %add3A_671 = arith.addf %get3A_666, %get3A_670 : vector<16xf32>
        %swap3A_672 = arith.constant 0 : i32
        %swap3A_673 = arith.index_cast %swap3A_672 : i32 to index
        %swap3A_674 = arith.index_cast %scan3A_582 : i32 to index
        %swap3A_675 = arith.index_cast %mul3A_660 : i32 to index
        %swap3A_676 = tpu.vector_load %arg8[%swap3A_673, %swap3A_674, %swap3A_675] {strides = array<i32>} : memref<2x8x2048xf32, #tpu.memory_space<vmem>>, vector<1x1x16xf32>,
        %swap3A_677 = vector.shape_cast %swap3A_676 : vector<1x1x16xf32> to vector<16xf32>
        %swap3A_678 = vector.shape_cast %add3A_671 : vector<16xf32> to vector<1x1x16xf32>
        tpu.vector_store %arg8[%swap3A_673, %swap3A_674, %swap3A_675], %swap3A_678 {strides = array<i32>} : memref<2x8x2048xf32, #tpu.memory_space<vmem>>, vector<1x1x16xf32>,
        %scan3A_679 = arith.constant 4 : i32
        %scan3A_680 = arith.addi %scan3A_593, %scan3A_679 : i32
        %mul3A_681 = arith.constant 16 : i32
        %mul3A_682 = arith.muli %scan3A_680, %mul3A_681 : i32
        %get3A_683 = arith.constant 0 : i32
        %get3A_684 = arith.index_cast %get3A_683 : i32 to index
        %get3A_685 = arith.index_cast %scan3A_582 : i32 to index
        %get3A_686 = arith.index_cast %mul3A_682 : i32 to index
        %get3A_687 = tpu.vector_load %arg7[%get3A_684, %get3A_685, %get3A_686] {strides = array<i32>} : memref<2x8x2048xf32, #tpu.memory_space<vmem>>, vector<1x1x16xf32>,
        %get3A_688 = vector.shape_cast %get3A_687 : vector<1x1x16xf32> to vector<16xf32>
        %add3A_689 = arith.addi %sub3A_586, %mul3A_682 : i32
        %get3A_690 = arith.index_cast %add3A_689 : i32 to index
        %get3A_691 = tpu.vector_load %arg6[%get3A_690] {strides = array<i32>} : memref<3072xf32, #tpu.memory_space<vmem>>, vector<16xf32>,
        %get3A_692 = vector.shape_cast %get3A_691 : vector<16xf32> to vector<16xf32>
        %add3A_693 = arith.addf %get3A_688, %get3A_692 : vector<16xf32>
        %swap3A_694 = arith.constant 0 : i32
        %swap3A_695 = arith.index_cast %swap3A_694 : i32 to index
        %swap3A_696 = arith.index_cast %scan3A_582 : i32 to index
        %swap3A_697 = arith.index_cast %mul3A_682 : i32 to index
        %swap3A_698 = tpu.vector_load %arg8[%swap3A_695, %swap3A_696, %swap3A_697] {strides = array<i32>} : memref<2x8x2048xf32, #tpu.memory_space<vmem>>, vector<1x1x16xf32>,
        %swap3A_699 = vector.shape_cast %swap3A_698 : vector<1x1x16xf32> to vector<16xf32>
        %swap3A_700 = vector.shape_cast %add3A_693 : vector<16xf32> to vector<1x1x16xf32>
        tpu.vector_store %arg8[%swap3A_695, %swap3A_696, %swap3A_697], %swap3A_700 {strides = array<i32>} : memref<2x8x2048xf32, #tpu.memory_space<vmem>>, vector<1x1x16xf32>,
        %scan3A_701 = arith.constant 5 : i32
        %scan3A_702 = arith.addi %scan3A_593, %scan3A_701 : i32
        %mul3A_703 = arith.constant 16 : i32
        %mul3A_704 = arith.muli %scan3A_702, %mul3A_703 : i32
        %get3A_705 = arith.constant 0 : i32
        %get3A_706 = arith.index_cast %get3A_705 : i32 to index
        %get3A_707 = arith.index_cast %scan3A_582 : i32 to index
        %get3A_708 = arith.index_cast %mul3A_704 : i32 to index
        %get3A_709 = tpu.vector_load %arg7[%get3A_706, %get3A_707, %get3A_708] {strides = array<i32>} : memref<2x8x2048xf32, #tpu.memory_space<vmem>>, vector<1x1x16xf32>,
        %get3A_710 = vector.shape_cast %get3A_709 : vector<1x1x16xf32> to vector<16xf32>
        %add3A_711 = arith.addi %sub3A_586, %mul3A_704 : i32
        %get3A_712 = arith.index_cast %add3A_711 : i32 to index
        %get3A_713 = tpu.vector_load %arg6[%get3A_712] {strides = array<i32>} : memref<3072xf32, #tpu.memory_space<vmem>>, vector<16xf32>,
        %get3A_714 = vector.shape_cast %get3A_713 : vector<16xf32> to vector<16xf32>
        %add3A_715 = arith.addf %get3A_710, %get3A_714 : vector<16xf32>
        %swap3A_716 = arith.constant 0 : i32
        %swap3A_717 = arith.index_cast %swap3A_716 : i32 to index
        %swap3A_718 = arith.index_cast %scan3A_582 : i32 to index
        %swap3A_719 = arith.index_cast %mul3A_704 : i32 to index
        %swap3A_720 = tpu.vector_load %arg8[%swap3A_717, %swap3A_718, %swap3A_719] {strides = array<i32>} : memref<2x8x2048xf32, #tpu.memory_space<vmem>>, vector<1x1x16xf32>,
        %swap3A_721 = vector.shape_cast %swap3A_720 : vector<1x1x16xf32> to vector<16xf32>
        %swap3A_722 = vector.shape_cast %add3A_715 : vector<16xf32> to vector<1x1x16xf32>
        tpu.vector_store %arg8[%swap3A_717, %swap3A_718, %swap3A_719], %swap3A_722 {strides = array<i32>} : memref<2x8x2048xf32, #tpu.memory_space<vmem>>, vector<1x1x16xf32>,
        %scan3A_723 = arith.constant 6 : i32
        %scan3A_724 = arith.addi %scan3A_593, %scan3A_723 : i32
        %mul3A_725 = arith.constant 16 : i32
        %mul3A_726 = arith.muli %scan3A_724, %mul3A_725 : i32
        %get3A_727 = arith.constant 0 : i32
        %get3A_728 = arith.index_cast %get3A_727 : i32 to index
        %get3A_729 = arith.index_cast %scan3A_582 : i32 to index
        %get3A_730 = arith.index_cast %mul3A_726 : i32 to index
        %get3A_731 = tpu.vector_load %arg7[%get3A_728, %get3A_729, %get3A_730] {strides = array<i32>} : memref<2x8x2048xf32, #tpu.memory_space<vmem>>, vector<1x1x16xf32>,
        %get3A_732 = vector.shape_cast %get3A_731 : vector<1x1x16xf32> to vector<16xf32>
        %add3A_733 = arith.addi %sub3A_586, %mul3A_726 : i32
        %get3A_734 = arith.index_cast %add3A_733 : i32 to index
        %get3A_735 = tpu.vector_load %arg6[%get3A_734] {strides = array<i32>} : memref<3072xf32, #tpu.memory_space<vmem>>, vector<16xf32>,
        %get3A_736 = vector.shape_cast %get3A_735 : vector<16xf32> to vector<16xf32>
        %add3A_737 = arith.addf %get3A_732, %get3A_736 : vector<16xf32>
        %swap3A_738 = arith.constant 0 : i32
        %swap3A_739 = arith.index_cast %swap3A_738 : i32 to index
        %swap3A_740 = arith.index_cast %scan3A_582 : i32 to index
        %swap3A_741 = arith.index_cast %mul3A_726 : i32 to index
        %swap3A_742 = tpu.vector_load %arg8[%swap3A_739, %swap3A_740, %swap3A_741] {strides = array<i32>} : memref<2x8x2048xf32, #tpu.memory_space<vmem>>, vector<1x1x16xf32>,
        %swap3A_743 = vector.shape_cast %swap3A_742 : vector<1x1x16xf32> to vector<16xf32>
        %swap3A_744 = vector.shape_cast %add3A_737 : vector<16xf32> to vector<1x1x16xf32>
        tpu.vector_store %arg8[%swap3A_739, %swap3A_740, %swap3A_741], %swap3A_744 {strides = array<i32>} : memref<2x8x2048xf32, #tpu.memory_space<vmem>>, vector<1x1x16xf32>,
        %scan3A_745 = arith.constant 7 : i32
        %scan3A_746 = arith.addi %scan3A_593, %scan3A_745 : i32
        %mul3A_747 = arith.constant 16 : i32
        %mul3A_748 = arith.muli %scan3A_746, %mul3A_747 : i32
        %get3A_749 = arith.constant 0 : i32
        %get3A_750 = arith.index_cast %get3A_749 : i32 to index
        %get3A_751 = arith.index_cast %scan3A_582 : i32 to index
        %get3A_752 = arith.index_cast %mul3A_748 : i32 to index
        %get3A_753 = tpu.vector_load %arg7[%get3A_750, %get3A_751, %get3A_752] {strides = array<i32>} : memref<2x8x2048xf32, #tpu.memory_space<vmem>>, vector<1x1x16xf32>,
        %get3A_754 = vector.shape_cast %get3A_753 : vector<1x1x16xf32> to vector<16xf32>
        %add3A_755 = arith.addi %sub3A_586, %mul3A_748 : i32
        %get3A_756 = arith.index_cast %add3A_755 : i32 to index
        %get3A_757 = tpu.vector_load %arg6[%get3A_756] {strides = array<i32>} : memref<3072xf32, #tpu.memory_space<vmem>>, vector<16xf32>,
        %get3A_758 = vector.shape_cast %get3A_757 : vector<16xf32> to vector<16xf32>
        %add3A_759 = arith.addf %get3A_754, %get3A_758 : vector<16xf32>
        %swap3A_760 = arith.constant 0 : i32
        %swap3A_761 = arith.index_cast %swap3A_760 : i32 to index
        %swap3A_762 = arith.index_cast %scan3A_582 : i32 to index
        %swap3A_763 = arith.index_cast %mul3A_748 : i32 to index
        %swap3A_764 = tpu.vector_load %arg8[%swap3A_761, %swap3A_762, %swap3A_763] {strides = array<i32>} : memref<2x8x2048xf32, #tpu.memory_space<vmem>>, vector<1x1x16xf32>,
        %swap3A_765 = vector.shape_cast %swap3A_764 : vector<1x1x16xf32> to vector<16xf32>
        %swap3A_766 = vector.shape_cast %add3A_759 : vector<16xf32> to vector<1x1x16xf32>
        tpu.vector_store %arg8[%swap3A_761, %swap3A_762, %swap3A_763], %swap3A_766 {strides = array<i32>} : memref<2x8x2048xf32, #tpu.memory_space<vmem>>, vector<1x1x16xf32>,
      }
      %scan3A_592 = arith.constant 128 : i32
    }
    %scan3A_323 = arith.constant 8 : i32
    %add3A_324 = arith.constant 0 : i32
    %add3A_325 = arith.addi %mul3A_34, %add3A_324 : i32
    %dma_start3A_326 = arith.constant 0 : i32
    %dma_start3A_327 = arith.constant 0 : i32
    %dma_start3A_328 = arith.constant 0 : i32
    %dma_start3A_329 = arith.constant 0 : i32
    %dma_start3A_330 = tpu.memref_slice %arg8[%dma_start3A_326, %dma_start3A_328, %dma_start3A_329] : memref<2x8x2048xf32, #tpu.memory_space<vmem>> -> memref<1x8x2048xf32, #tpu.memory_space<vmem>>
    %dma_start3A_331 = tpu.memref_squeeze %dma_start3A_330 : memref<1x8x2048xf32, #tpu.memory_space<vmem>> -> memref<8x2048xf32, #tpu.memory_space<vmem>>
    %dma_start3A_332 = arith.constant 0 : i32
    %dma_start3A_333 = tpu.memref_slice %arg4[%add3A_325, %dma_start3A_332] : memref<32768x2048xf32, #tpu.memory_space<hbm>> -> memref<8x2048xf32, #tpu.memory_space<hbm>>
    %dma_start3A_334 = tpu.memref_slice %arg10[%dma_start3A_327] : memref<2x!tpu.dma_semaphore, #tpu.memory_space<semaphore_mem>> -> memref<1x!tpu.dma_semaphore, #tpu.memory_space<semaphore_mem>>
    %dma_start3A_335 = tpu.memref_squeeze %dma_start3A_334 : memref<1x!tpu.dma_semaphore, #tpu.memory_space<semaphore_mem>> -> memref<!tpu.dma_semaphore, #tpu.memory_space<semaphore_mem>>
    %dma_start3A_336 = arith.constant 0 : i32
    %dma_start3A_337 = tpu.memref_slice %arg4[%add3A_325, %dma_start3A_336] : memref<32768x2048xf32, #tpu.memory_space<hbm>> -> memref<8x2048xf32, #tpu.memory_space<hbm>>
    %dma_start3A_338 = arith.constant 0 : i32
    %dma_start3A_339 = arith.constant 0 : i32
    %dma_start3A_340 = tpu.memref_slice %arg8[%dma_start3A_326, %dma_start3A_338, %dma_start3A_339] : memref<2x8x2048xf32, #tpu.memory_space<vmem>> -> memref<1x8x2048xf32, #tpu.memory_space<vmem>>
    %dma_start3A_341 = tpu.memref_squeeze %dma_start3A_340 : memref<1x8x2048xf32, #tpu.memory_space<vmem>> -> memref<8x2048xf32, #tpu.memory_space<vmem>>
    tpu.enqueue_dma source(%dma_start3A_341 : memref<8x2048xf32, #tpu.memory_space<vmem>>) target(%dma_start3A_337 : memref<8x2048xf32, #tpu.memory_space<hbm>>) target_semaphore(%dma_start3A_335 : memref<!tpu.dma_semaphore, #tpu.memory_space<semaphore_mem>>)
    %add3A_342 = arith.constant 16 : i32
    %add3A_343 = arith.addi %mul3A_34, %add3A_342 : i32
    %dma_start3A_344 = arith.constant 0 : i32
    %dma_start3A_345 = arith.constant 0 : i32
    %dma_start3A_346 = arith.constant 0 : i32
    %dma_start3A_347 = arith.constant 0 : i32
    %dma_start3A_348 = tpu.memref_slice %arg7[%dma_start3A_344, %dma_start3A_346, %dma_start3A_347] : memref<2x8x2048xf32, #tpu.memory_space<vmem>> -> memref<1x8x2048xf32, #tpu.memory_space<vmem>>
    %dma_start3A_349 = tpu.memref_squeeze %dma_start3A_348 : memref<1x8x2048xf32, #tpu.memory_space<vmem>> -> memref<8x2048xf32, #tpu.memory_space<vmem>>
    %dma_start3A_350 = arith.constant 0 : i32
    %dma_start3A_351 = tpu.memref_slice %arg2[%add3A_343, %dma_start3A_350] : memref<32768x2048xf32, #tpu.memory_space<hbm>> -> memref<8x2048xf32, #tpu.memory_space<hbm>>
    %dma_start3A_352 = tpu.memref_slice %arg9[%dma_start3A_345] : memref<2x!tpu.dma_semaphore, #tpu.memory_space<semaphore_mem>> -> memref<1x!tpu.dma_semaphore, #tpu.memory_space<semaphore_mem>>
    %dma_start3A_353 = tpu.memref_squeeze %dma_start3A_352 : memref<1x!tpu.dma_semaphore, #tpu.memory_space<semaphore_mem>> -> memref<!tpu.dma_semaphore, #tpu.memory_space<semaphore_mem>>
    %dma_start3A_354 = arith.constant 0 : i32
    %dma_start3A_355 = arith.constant 0 : i32
    %dma_start3A_356 = tpu.memref_slice %arg7[%dma_start3A_344, %dma_start3A_354, %dma_start3A_355] : memref<2x8x2048xf32, #tpu.memory_space<vmem>> -> memref<1x8x2048xf32, #tpu.memory_space<vmem>>
    %dma_start3A_357 = tpu.memref_squeeze %dma_start3A_356 : memref<1x8x2048xf32, #tpu.memory_space<vmem>> -> memref<8x2048xf32, #tpu.memory_space<vmem>>
    %dma_start3A_358 = arith.constant 0 : i32
    %dma_start3A_359 = tpu.memref_slice %arg2[%add3A_343, %dma_start3A_358] : memref<32768x2048xf32, #tpu.memory_space<hbm>> -> memref<8x2048xf32, #tpu.memory_space<hbm>>
    tpu.enqueue_dma source(%dma_start3A_359 : memref<8x2048xf32, #tpu.memory_space<hbm>>) target(%dma_start3A_357 : memref<8x2048xf32, #tpu.memory_space<vmem>>) target_semaphore(%dma_start3A_353 : memref<!tpu.dma_semaphore, #tpu.memory_space<semaphore_mem>>)
    %add3A_360 = arith.constant 8 : i32
    %add3A_361 = arith.addi %mul3A_34, %add3A_360 : i32
    %dma_wait3A_362 = arith.constant 1 : i32
    %dma_wait3A_363 = arith.constant 1 : i32
    %dma_wait3A_364 = arith.constant 0 : i32
    %dma_wait3A_365 = arith.constant 0 : i32
    %dma_wait3A_366 = tpu.memref_slice %arg7[%dma_wait3A_362, %dma_wait3A_364, %dma_wait3A_365] : memref<2x8x2048xf32, #tpu.memory_space<vmem>> -> memref<1x8x2048xf32, #tpu.memory_space<vmem>>
    %dma_wait3A_367 = tpu.memref_squeeze %dma_wait3A_366 : memref<1x8x2048xf32, #tpu.memory_space<vmem>> -> memref<8x2048xf32, #tpu.memory_space<vmem>>
    %dma_wait3A_368 = arith.constant 0 : i32
    %dma_wait3A_369 = tpu.memref_slice %arg2[%add3A_361, %dma_wait3A_368] : memref<32768x2048xf32, #tpu.memory_space<hbm>> -> memref<8x2048xf32, #tpu.memory_space<hbm>>
    %dma_wait3A_370 = tpu.memref_slice %arg9[%dma_wait3A_363] : memref<2x!tpu.dma_semaphore, #tpu.memory_space<semaphore_mem>> -> memref<1x!tpu.dma_semaphore, #tpu.memory_space<semaphore_mem>>
    %dma_wait3A_371 = tpu.memref_squeeze %dma_wait3A_370 : memref<1x!tpu.dma_semaphore, #tpu.memory_space<semaphore_mem>> -> memref<!tpu.dma_semaphore, #tpu.memory_space<semaphore_mem>>
    %dma_wait3A_372 = arith.constant 0 : i32
    %dma_wait3A_373 = arith.constant 0 : i32
    %dma_wait3A_374 = tpu.memref_slice %arg7[%dma_wait3A_362, %dma_wait3A_372, %dma_wait3A_373] : memref<2x8x2048xf32, #tpu.memory_space<vmem>> -> memref<1x8x2048xf32, #tpu.memory_space<vmem>>
    %dma_wait3A_375 = tpu.memref_squeeze %dma_wait3A_374 : memref<1x8x2048xf32, #tpu.memory_space<vmem>> -> memref<8x2048xf32, #tpu.memory_space<vmem>>
    %dma_wait3A_376 = arith.constant 0 : i32
    %dma_wait3A_377 = tpu.memref_slice %arg2[%add3A_361, %dma_wait3A_376] : memref<32768x2048xf32, #tpu.memory_space<hbm>> -> memref<8x2048xf32, #tpu.memory_space<hbm>>
    tpu.wait_dma2 semaphore(%dma_wait3A_371 : memref<!tpu.dma_semaphore, #tpu.memory_space<semaphore_mem>>) src(%dma_wait3A_377 : memref<8x2048xf32, #tpu.memory_space<hbm>>) dst(%dma_wait3A_375 : memref<8x2048xf32, #tpu.memory_space<vmem>>)
    %scan3A_378 = arith.constant 0 : i32
    %scan3A_379 = arith.constant 0 : i32
    %scan3A_380 = arith.constant 8 : i32
    %scan3A_381 = arith.addi %scan3A_379, %scan3A_380 : i32
    %scan3A_382 = arith.constant 1 : i32
    scf.for %scan3A_582 = %scan3A_379 to %scan3A_381 step %scan3A_382  : i32 {
      %add3A_583 = arith.constant 8 : i32
      %add3A_584 = arith.addi %add3A_583, %scan3A_582 : i32
      %sub3A_585 = arith.constant 1023 : i32
      %sub3A_586 = arith.subi %sub3A_585, %add3A_584 : i32
      %scan3A_587 = arith.constant 0 : i32
      %scan3A_588 = arith.constant 0 : i32
      %scan3A_589 = arith.constant 128 : i32
      %scan3A_590 = arith.addi %scan3A_588, %scan3A_589 : i32
      %scan3A_591 = arith.constant 8 : i32
      scf.for %scan3A_593 = %scan3A_588 to %scan3A_590 step %scan3A_591  : i32 {
        %mul3A_594 = arith.constant 16 : i32
        %mul3A_595 = arith.muli %scan3A_593, %mul3A_594 : i32
        %get3A_596 = arith.constant 1 : i32
        %get3A_597 = arith.index_cast %get3A_596 : i32 to index
        %get3A_598 = arith.index_cast %scan3A_582 : i32 to index
        %get3A_599 = arith.index_cast %mul3A_595 : i32 to index
        %get3A_600 = tpu.vector_load %arg7[%get3A_597, %get3A_598, %get3A_599] {strides = array<i32>} : memref<2x8x2048xf32, #tpu.memory_space<vmem>>, vector<1x1x16xf32>,
        %get3A_601 = vector.shape_cast %get3A_600 : vector<1x1x16xf32> to vector<16xf32>
        %add3A_602 = arith.addi %sub3A_586, %mul3A_595 : i32
        %get3A_603 = arith.index_cast %add3A_602 : i32 to index
        %get3A_604 = tpu.vector_load %arg6[%get3A_603] {strides = array<i32>} : memref<3072xf32, #tpu.memory_space<vmem>>, vector<16xf32>,
        %get3A_605 = vector.shape_cast %get3A_604 : vector<16xf32> to vector<16xf32>
        %add3A_606 = arith.addf %get3A_601, %get3A_605 : vector<16xf32>
        %swap3A = arith.constant 1 : i32
        %swap3A_607 = arith.index_cast %swap3A : i32 to index
        %swap3A_608 = arith.index_cast %scan3A_582 : i32 to index
        %swap3A_609 = arith.index_cast %mul3A_595 : i32 to index
        %swap3A_610 = tpu.vector_load %arg8[%swap3A_607, %swap3A_608, %swap3A_609] {strides = array<i32>} : memref<2x8x2048xf32, #tpu.memory_space<vmem>>, vector<1x1x16xf32>,
        %swap3A_611 = vector.shape_cast %swap3A_610 : vector<1x1x16xf32> to vector<16xf32>
        %swap3A_612 = vector.shape_cast %add3A_606 : vector<16xf32> to vector<1x1x16xf32>
        tpu.vector_store %arg8[%swap3A_607, %swap3A_608, %swap3A_609], %swap3A_612 {strides = array<i32>} : memref<2x8x2048xf32, #tpu.memory_space<vmem>>, vector<1x1x16xf32>,
        %scan3A_613 = arith.constant 1 : i32
        %scan3A_614 = arith.addi %scan3A_593, %scan3A_613 : i32
        %mul3A_615 = arith.constant 16 : i32
        %mul3A_616 = arith.muli %scan3A_614, %mul3A_615 : i32
        %get3A_617 = arith.constant 1 : i32
        %get3A_618 = arith.index_cast %get3A_617 : i32 to index
        %get3A_619 = arith.index_cast %scan3A_582 : i32 to index
        %get3A_620 = arith.index_cast %mul3A_616 : i32 to index
        %get3A_621 = tpu.vector_load %arg7[%get3A_618, %get3A_619, %get3A_620] {strides = array<i32>} : memref<2x8x2048xf32, #tpu.memory_space<vmem>>, vector<1x1x16xf32>,
        %get3A_622 = vector.shape_cast %get3A_621 : vector<1x1x16xf32> to vector<16xf32>
        %add3A_623 = arith.addi %sub3A_586, %mul3A_616 : i32
        %get3A_624 = arith.index_cast %add3A_623 : i32 to index
        %get3A_625 = tpu.vector_load %arg6[%get3A_624] {strides = array<i32>} : memref<3072xf32, #tpu.memory_space<vmem>>, vector<16xf32>,
        %get3A_626 = vector.shape_cast %get3A_625 : vector<16xf32> to vector<16xf32>
        %add3A_627 = arith.addf %get3A_622, %get3A_626 : vector<16xf32>
        %swap3A_628 = arith.constant 1 : i32
        %swap3A_629 = arith.index_cast %swap3A_628 : i32 to index
        %swap3A_630 = arith.index_cast %scan3A_582 : i32 to index
        %swap3A_631 = arith.index_cast %mul3A_616 : i32 to index
        %swap3A_632 = tpu.vector_load %arg8[%swap3A_629, %swap3A_630, %swap3A_631] {strides = array<i32>} : memref<2x8x2048xf32, #tpu.memory_space<vmem>>, vector<1x1x16xf32>,
        %swap3A_633 = vector.shape_cast %swap3A_632 : vector<1x1x16xf32> to vector<16xf32>
        %swap3A_634 = vector.shape_cast %add3A_627 : vector<16xf32> to vector<1x1x16xf32>
        tpu.vector_store %arg8[%swap3A_629, %swap3A_630, %swap3A_631], %swap3A_634 {strides = array<i32>} : memref<2x8x2048xf32, #tpu.memory_space<vmem>>, vector<1x1x16xf32>,
        %scan3A_635 = arith.constant 2 : i32
        %scan3A_636 = arith.addi %scan3A_593, %scan3A_635 : i32
        %mul3A_637 = arith.constant 16 : i32
        %mul3A_638 = arith.muli %scan3A_636, %mul3A_637 : i32
        %get3A_639 = arith.constant 1 : i32
        %get3A_640 = arith.index_cast %get3A_639 : i32 to index
        %get3A_641 = arith.index_cast %scan3A_582 : i32 to index
        %get3A_642 = arith.index_cast %mul3A_638 : i32 to index
        %get3A_643 = tpu.vector_load %arg7[%get3A_640, %get3A_641, %get3A_642] {strides = array<i32>} : memref<2x8x2048xf32, #tpu.memory_space<vmem>>, vector<1x1x16xf32>,
        %get3A_644 = vector.shape_cast %get3A_643 : vector<1x1x16xf32> to vector<16xf32>
        %add3A_645 = arith.addi %sub3A_586, %mul3A_638 : i32
        %get3A_646 = arith.index_cast %add3A_645 : i32 to index
        %get3A_647 = tpu.vector_load %arg6[%get3A_646] {strides = array<i32>} : memref<3072xf32, #tpu.memory_space<vmem>>, vector<16xf32>,
        %get3A_648 = vector.shape_cast %get3A_647 : vector<16xf32> to vector<16xf32>
        %add3A_649 = arith.addf %get3A_644, %get3A_648 : vector<16xf32>
        %swap3A_650 = arith.constant 1 : i32
        %swap3A_651 = arith.index_cast %swap3A_650 : i32 to index
        %swap3A_652 = arith.index_cast %scan3A_582 : i32 to index
        %swap3A_653 = arith.index_cast %mul3A_638 : i32 to index
        %swap3A_654 = tpu.vector_load %arg8[%swap3A_651, %swap3A_652, %swap3A_653] {strides = array<i32>} : memref<2x8x2048xf32, #tpu.memory_space<vmem>>, vector<1x1x16xf32>,
        %swap3A_655 = vector.shape_cast %swap3A_654 : vector<1x1x16xf32> to vector<16xf32>
        %swap3A_656 = vector.shape_cast %add3A_649 : vector<16xf32> to vector<1x1x16xf32>
        tpu.vector_store %arg8[%swap3A_651, %swap3A_652, %swap3A_653], %swap3A_656 {strides = array<i32>} : memref<2x8x2048xf32, #tpu.memory_space<vmem>>, vector<1x1x16xf32>,
        %scan3A_657 = arith.constant 3 : i32
        %scan3A_658 = arith.addi %scan3A_593, %scan3A_657 : i32
        %mul3A_659 = arith.constant 16 : i32
        %mul3A_660 = arith.muli %scan3A_658, %mul3A_659 : i32
        %get3A_661 = arith.constant 1 : i32
        %get3A_662 = arith.index_cast %get3A_661 : i32 to index
        %get3A_663 = arith.index_cast %scan3A_582 : i32 to index
        %get3A_664 = arith.index_cast %mul3A_660 : i32 to index
        %get3A_665 = tpu.vector_load %arg7[%get3A_662, %get3A_663, %get3A_664] {strides = array<i32>} : memref<2x8x2048xf32, #tpu.memory_space<vmem>>, vector<1x1x16xf32>,
        %get3A_666 = vector.shape_cast %get3A_665 : vector<1x1x16xf32> to vector<16xf32>
        %add3A_667 = arith.addi %sub3A_586, %mul3A_660 : i32
        %get3A_668 = arith.index_cast %add3A_667 : i32 to index
        %get3A_669 = tpu.vector_load %arg6[%get3A_668] {strides = array<i32>} : memref<3072xf32, #tpu.memory_space<vmem>>, vector<16xf32>,
        %get3A_670 = vector.shape_cast %get3A_669 : vector<16xf32> to vector<16xf32>
        %add3A_671 = arith.addf %get3A_666, %get3A_670 : vector<16xf32>
        %swap3A_672 = arith.constant 1 : i32
        %swap3A_673 = arith.index_cast %swap3A_672 : i32 to index
        %swap3A_674 = arith.index_cast %scan3A_582 : i32 to index
        %swap3A_675 = arith.index_cast %mul3A_660 : i32 to index
        %swap3A_676 = tpu.vector_load %arg8[%swap3A_673, %swap3A_674, %swap3A_675] {strides = array<i32>} : memref<2x8x2048xf32, #tpu.memory_space<vmem>>, vector<1x1x16xf32>,
        %swap3A_677 = vector.shape_cast %swap3A_676 : vector<1x1x16xf32> to vector<16xf32>
        %swap3A_678 = vector.shape_cast %add3A_671 : vector<16xf32> to vector<1x1x16xf32>
        tpu.vector_store %arg8[%swap3A_673, %swap3A_674, %swap3A_675], %swap3A_678 {strides = array<i32>} : memref<2x8x2048xf32, #tpu.memory_space<vmem>>, vector<1x1x16xf32>,
        %scan3A_679 = arith.constant 4 : i32
        %scan3A_680 = arith.addi %scan3A_593, %scan3A_679 : i32
        %mul3A_681 = arith.constant 16 : i32
        %mul3A_682 = arith.muli %scan3A_680, %mul3A_681 : i32
        %get3A_683 = arith.constant 1 : i32
        %get3A_684 = arith.index_cast %get3A_683 : i32 to index
        %get3A_685 = arith.index_cast %scan3A_582 : i32 to index
        %get3A_686 = arith.index_cast %mul3A_682 : i32 to index
        %get3A_687 = tpu.vector_load %arg7[%get3A_684, %get3A_685, %get3A_686] {strides = array<i32>} : memref<2x8x2048xf32, #tpu.memory_space<vmem>>, vector<1x1x16xf32>,
        %get3A_688 = vector.shape_cast %get3A_687 : vector<1x1x16xf32> to vector<16xf32>
        %add3A_689 = arith.addi %sub3A_586, %mul3A_682 : i32
        %get3A_690 = arith.index_cast %add3A_689 : i32 to index
        %get3A_691 = tpu.vector_load %arg6[%get3A_690] {strides = array<i32>} : memref<3072xf32, #tpu.memory_space<vmem>>, vector<16xf32>,
        %get3A_692 = vector.shape_cast %get3A_691 : vector<16xf32> to vector<16xf32>
        %add3A_693 = arith.addf %get3A_688, %get3A_692 : vector<16xf32>
        %swap3A_694 = arith.constant 1 : i32
        %swap3A_695 = arith.index_cast %swap3A_694 : i32 to index
        %swap3A_696 = arith.index_cast %scan3A_582 : i32 to index
        %swap3A_697 = arith.index_cast %mul3A_682 : i32 to index
        %swap3A_698 = tpu.vector_load %arg8[%swap3A_695, %swap3A_696, %swap3A_697] {strides = array<i32>} : memref<2x8x2048xf32, #tpu.memory_space<vmem>>, vector<1x1x16xf32>,
        %swap3A_699 = vector.shape_cast %swap3A_698 : vector<1x1x16xf32> to vector<16xf32>
        %swap3A_700 = vector.shape_cast %add3A_693 : vector<16xf32> to vector<1x1x16xf32>
        tpu.vector_store %arg8[%swap3A_695, %swap3A_696, %swap3A_697], %swap3A_700 {strides = array<i32>} : memref<2x8x2048xf32, #tpu.memory_space<vmem>>, vector<1x1x16xf32>,
        %scan3A_701 = arith.constant 5 : i32
        %scan3A_702 = arith.addi %scan3A_593, %scan3A_701 : i32
        %mul3A_703 = arith.constant 16 : i32
        %mul3A_704 = arith.muli %scan3A_702, %mul3A_703 : i32
        %get3A_705 = arith.constant 1 : i32
        %get3A_706 = arith.index_cast %get3A_705 : i32 to index
        %get3A_707 = arith.index_cast %scan3A_582 : i32 to index
        %get3A_708 = arith.index_cast %mul3A_704 : i32 to index
        %get3A_709 = tpu.vector_load %arg7[%get3A_706, %get3A_707, %get3A_708] {strides = array<i32>} : memref<2x8x2048xf32, #tpu.memory_space<vmem>>, vector<1x1x16xf32>,
        %get3A_710 = vector.shape_cast %get3A_709 : vector<1x1x16xf32> to vector<16xf32>
        %add3A_711 = arith.addi %sub3A_586, %mul3A_704 : i32
        %get3A_712 = arith.index_cast %add3A_711 : i32 to index
        %get3A_713 = tpu.vector_load %arg6[%get3A_712] {strides = array<i32>} : memref<3072xf32, #tpu.memory_space<vmem>>, vector<16xf32>,
        %get3A_714 = vector.shape_cast %get3A_713 : vector<16xf32> to vector<16xf32>
        %add3A_715 = arith.addf %get3A_710, %get3A_714 : vector<16xf32>
        %swap3A_716 = arith.constant 1 : i32
        %swap3A_717 = arith.index_cast %swap3A_716 : i32 to index
        %swap3A_718 = arith.index_cast %scan3A_582 : i32 to index
        %swap3A_719 = arith.index_cast %mul3A_704 : i32 to index
        %swap3A_720 = tpu.vector_load %arg8[%swap3A_717, %swap3A_718, %swap3A_719] {strides = array<i32>} : memref<2x8x2048xf32, #tpu.memory_space<vmem>>, vector<1x1x16xf32>,
        %swap3A_721 = vector.shape_cast %swap3A_720 : vector<1x1x16xf32> to vector<16xf32>
        %swap3A_722 = vector.shape_cast %add3A_715 : vector<16xf32> to vector<1x1x16xf32>
        tpu.vector_store %arg8[%swap3A_717, %swap3A_718, %swap3A_719], %swap3A_722 {strides = array<i32>} : memref<2x8x2048xf32, #tpu.memory_space<vmem>>, vector<1x1x16xf32>,
        %scan3A_723 = arith.constant 6 : i32
        %scan3A_724 = arith.addi %scan3A_593, %scan3A_723 : i32
        %mul3A_725 = arith.constant 16 : i32
        %mul3A_726 = arith.muli %scan3A_724, %mul3A_725 : i32
        %get3A_727 = arith.constant 1 : i32
        %get3A_728 = arith.index_cast %get3A_727 : i32 to index
        %get3A_729 = arith.index_cast %scan3A_582 : i32 to index
        %get3A_730 = arith.index_cast %mul3A_726 : i32 to index
        %get3A_731 = tpu.vector_load %arg7[%get3A_728, %get3A_729, %get3A_730] {strides = array<i32>} : memref<2x8x2048xf32, #tpu.memory_space<vmem>>, vector<1x1x16xf32>,
        %get3A_732 = vector.shape_cast %get3A_731 : vector<1x1x16xf32> to vector<16xf32>
        %add3A_733 = arith.addi %sub3A_586, %mul3A_726 : i32
        %get3A_734 = arith.index_cast %add3A_733 : i32 to index
        %get3A_735 = tpu.vector_load %arg6[%get3A_734] {strides = array<i32>} : memref<3072xf32, #tpu.memory_space<vmem>>, vector<16xf32>,
        %get3A_736 = vector.shape_cast %get3A_735 : vector<16xf32> to vector<16xf32>
        %add3A_737 = arith.addf %get3A_732, %get3A_736 : vector<16xf32>
        %swap3A_738 = arith.constant 1 : i32
        %swap3A_739 = arith.index_cast %swap3A_738 : i32 to index
        %swap3A_740 = arith.index_cast %scan3A_582 : i32 to index
        %swap3A_741 = arith.index_cast %mul3A_726 : i32 to index
        %swap3A_742 = tpu.vector_load %arg8[%swap3A_739, %swap3A_740, %swap3A_741] {strides = array<i32>} : memref<2x8x2048xf32, #tpu.memory_space<vmem>>, vector<1x1x16xf32>,
        %swap3A_743 = vector.shape_cast %swap3A_742 : vector<1x1x16xf32> to vector<16xf32>
        %swap3A_744 = vector.shape_cast %add3A_737 : vector<16xf32> to vector<1x1x16xf32>
        tpu.vector_store %arg8[%swap3A_739, %swap3A_740, %swap3A_741], %swap3A_744 {strides = array<i32>} : memref<2x8x2048xf32, #tpu.memory_space<vmem>>, vector<1x1x16xf32>,
        %scan3A_745 = arith.constant 7 : i32
        %scan3A_746 = arith.addi %scan3A_593, %scan3A_745 : i32
        %mul3A_747 = arith.constant 16 : i32
        %mul3A_748 = arith.muli %scan3A_746, %mul3A_747 : i32
        %get3A_749 = arith.constant 1 : i32
        %get3A_750 = arith.index_cast %get3A_749 : i32 to index
        %get3A_751 = arith.index_cast %scan3A_582 : i32 to index
        %get3A_752 = arith.index_cast %mul3A_748 : i32 to index
        %get3A_753 = tpu.vector_load %arg7[%get3A_750, %get3A_751, %get3A_752] {strides = array<i32>} : memref<2x8x2048xf32, #tpu.memory_space<vmem>>, vector<1x1x16xf32>,
        %get3A_754 = vector.shape_cast %get3A_753 : vector<1x1x16xf32> to vector<16xf32>
        %add3A_755 = arith.addi %sub3A_586, %mul3A_748 : i32
        %get3A_756 = arith.index_cast %add3A_755 : i32 to index
        %get3A_757 = tpu.vector_load %arg6[%get3A_756] {strides = array<i32>} : memref<3072xf32, #tpu.memory_space<vmem>>, vector<16xf32>,
        %get3A_758 = vector.shape_cast %get3A_757 : vector<16xf32> to vector<16xf32>
        %add3A_759 = arith.addf %get3A_754, %get3A_758 : vector<16xf32>
        %swap3A_760 = arith.constant 1 : i32
        %swap3A_761 = arith.index_cast %swap3A_760 : i32 to index
        %swap3A_762 = arith.index_cast %scan3A_582 : i32 to index
        %swap3A_763 = arith.index_cast %mul3A_748 : i32 to index
        %swap3A_764 = tpu.vector_load %arg8[%swap3A_761, %swap3A_762, %swap3A_763] {strides = array<i32>} : memref<2x8x2048xf32, #tpu.memory_space<vmem>>, vector<1x1x16xf32>,
        %swap3A_765 = vector.shape_cast %swap3A_764 : vector<1x1x16xf32> to vector<16xf32>
        %swap3A_766 = vector.shape_cast %add3A_759 : vector<16xf32> to vector<1x1x16xf32>
        tpu.vector_store %arg8[%swap3A_761, %swap3A_762, %swap3A_763], %swap3A_766 {strides = array<i32>} : memref<2x8x2048xf32, #tpu.memory_space<vmem>>, vector<1x1x16xf32>,
      }
      %scan3A_592 = arith.constant 128 : i32
    }
    %scan3A_383 = arith.constant 8 : i32
    %add3A_384 = arith.constant 8 : i32
    %add3A_385 = arith.addi %mul3A_34, %add3A_384 : i32
    %dma_start3A_386 = arith.constant 1 : i32
    %dma_start3A_387 = arith.constant 1 : i32
    %dma_start3A_388 = arith.constant 0 : i32
    %dma_start3A_389 = arith.constant 0 : i32
    %dma_start3A_390 = tpu.memref_slice %arg8[%dma_start3A_386, %dma_start3A_388, %dma_start3A_389] : memref<2x8x2048xf32, #tpu.memory_space<vmem>> -> memref<1x8x2048xf32, #tpu.memory_space<vmem>>
    %dma_start3A_391 = tpu.memref_squeeze %dma_start3A_390 : memref<1x8x2048xf32, #tpu.memory_space<vmem>> -> memref<8x2048xf32, #tpu.memory_space<vmem>>
    %dma_start3A_392 = arith.constant 0 : i32
    %dma_start3A_393 = tpu.memref_slice %arg4[%add3A_385, %dma_start3A_392] : memref<32768x2048xf32, #tpu.memory_space<hbm>> -> memref<8x2048xf32, #tpu.memory_space<hbm>>
    %dma_start3A_394 = tpu.memref_slice %arg10[%dma_start3A_387] : memref<2x!tpu.dma_semaphore, #tpu.memory_space<semaphore_mem>> -> memref<1x!tpu.dma_semaphore, #tpu.memory_space<semaphore_mem>>
    %dma_start3A_395 = tpu.memref_squeeze %dma_start3A_394 : memref<1x!tpu.dma_semaphore, #tpu.memory_space<semaphore_mem>> -> memref<!tpu.dma_semaphore, #tpu.memory_space<semaphore_mem>>
    %dma_start3A_396 = arith.constant 0 : i32
    %dma_start3A_397 = tpu.memref_slice %arg4[%add3A_385, %dma_start3A_396] : memref<32768x2048xf32, #tpu.memory_space<hbm>> -> memref<8x2048xf32, #tpu.memory_space<hbm>>
    %dma_start3A_398 = arith.constant 0 : i32
    %dma_start3A_399 = arith.constant 0 : i32
    %dma_start3A_400 = tpu.memref_slice %arg8[%dma_start3A_386, %dma_start3A_398, %dma_start3A_399] : memref<2x8x2048xf32, #tpu.memory_space<vmem>> -> memref<1x8x2048xf32, #tpu.memory_space<vmem>>
    %dma_start3A_401 = tpu.memref_squeeze %dma_start3A_400 : memref<1x8x2048xf32, #tpu.memory_space<vmem>> -> memref<8x2048xf32, #tpu.memory_space<vmem>>
    tpu.enqueue_dma source(%dma_start3A_401 : memref<8x2048xf32, #tpu.memory_space<vmem>>) target(%dma_start3A_397 : memref<8x2048xf32, #tpu.memory_space<hbm>>) target_semaphore(%dma_start3A_395 : memref<!tpu.dma_semaphore, #tpu.memory_space<semaphore_mem>>)
    %add3A_402 = arith.constant 24 : i32
    %add3A_403 = arith.addi %mul3A_34, %add3A_402 : i32
    %dma_start3A_404 = arith.constant 1 : i32
    %dma_start3A_405 = arith.constant 1 : i32
    %dma_start3A_406 = arith.constant 0 : i32
    %dma_start3A_407 = arith.constant 0 : i32
    %dma_start3A_408 = tpu.memref_slice %arg7[%dma_start3A_404, %dma_start3A_406, %dma_start3A_407] : memref<2x8x2048xf32, #tpu.memory_space<vmem>> -> memref<1x8x2048xf32, #tpu.memory_space<vmem>>
    %dma_start3A_409 = tpu.memref_squeeze %dma_start3A_408 : memref<1x8x2048xf32, #tpu.memory_space<vmem>> -> memref<8x2048xf32, #tpu.memory_space<vmem>>
    %dma_start3A_410 = arith.constant 0 : i32
    %dma_start3A_411 = tpu.memref_slice %arg2[%add3A_403, %dma_start3A_410] : memref<32768x2048xf32, #tpu.memory_space<hbm>> -> memref<8x2048xf32, #tpu.memory_space<hbm>>
    %dma_start3A_412 = tpu.memref_slice %arg9[%dma_start3A_405] : memref<2x!tpu.dma_semaphore, #tpu.memory_space<semaphore_mem>> -> memref<1x!tpu.dma_semaphore, #tpu.memory_space<semaphore_mem>>
    %dma_start3A_413 = tpu.memref_squeeze %dma_start3A_412 : memref<1x!tpu.dma_semaphore, #tpu.memory_space<semaphore_mem>> -> memref<!tpu.dma_semaphore, #tpu.memory_space<semaphore_mem>>
    %dma_start3A_414 = arith.constant 0 : i32
    %dma_start3A_415 = arith.constant 0 : i32
    %dma_start3A_416 = tpu.memref_slice %arg7[%dma_start3A_404, %dma_start3A_414, %dma_start3A_415] : memref<2x8x2048xf32, #tpu.memory_space<vmem>> -> memref<1x8x2048xf32, #tpu.memory_space<vmem>>
    %dma_start3A_417 = tpu.memref_squeeze %dma_start3A_416 : memref<1x8x2048xf32, #tpu.memory_space<vmem>> -> memref<8x2048xf32, #tpu.memory_space<vmem>>
    %dma_start3A_418 = arith.constant 0 : i32
    %dma_start3A_419 = tpu.memref_slice %arg2[%add3A_403, %dma_start3A_418] : memref<32768x2048xf32, #tpu.memory_space<hbm>> -> memref<8x2048xf32, #tpu.memory_space<hbm>>
    tpu.enqueue_dma source(%dma_start3A_419 : memref<8x2048xf32, #tpu.memory_space<hbm>>) target(%dma_start3A_417 : memref<8x2048xf32, #tpu.memory_space<vmem>>) target_semaphore(%dma_start3A_413 : memref<!tpu.dma_semaphore, #tpu.memory_space<semaphore_mem>>)
    %scan3A_420 = arith.constant 0 : i32
    %scan3A_421 = arith.constant 1 : i32
    %scan3A_422 = arith.constant 62 : i32
    %scan3A_423 = arith.addi %scan3A_421, %scan3A_422 : i32
    %scan3A_424 = arith.constant 1 : i32
    scf.for %scan3A_582 = %scan3A_421 to %scan3A_423 step %scan3A_424  : i32 {
      %mul3A_583 = arith.constant 2 : i32
      %mul3A_584 = arith.muli %scan3A_582, %mul3A_583 : i32
      %add3A_585 = arith.constant 0 : i32
      %add3A_586 = arith.addi %mul3A_584, %add3A_585 : i32
      %mul3A_587 = arith.constant 8 : i32
      %mul3A_588 = arith.muli %add3A_586, %mul3A_587 : i32
      %add3A_589 = arith.addi %mul3A_34, %mul3A_588 : i32
      %dma_wait3A_590 = arith.constant 0 : i32
      %dma_wait3A_591 = arith.constant 0 : i32
      %dma_wait3A_592 = arith.constant 0 : i32
      %dma_wait3A_593 = arith.constant 0 : i32
      %dma_wait3A_594 = tpu.memref_slice %arg7[%dma_wait3A_590, %dma_wait3A_592, %dma_wait3A_593] : memref<2x8x2048xf32, #tpu.memory_space<vmem>> -> memref<1x8x2048xf32, #tpu.memory_space<vmem>>
      %dma_wait3A_595 = tpu.memref_squeeze %dma_wait3A_594 : memref<1x8x2048xf32, #tpu.memory_space<vmem>> -> memref<8x2048xf32, #tpu.memory_space<vmem>>
      %dma_wait3A_596 = arith.constant 0 : i32
      %dma_wait3A_597 = tpu.memref_slice %arg2[%add3A_589, %dma_wait3A_596] : memref<32768x2048xf32, #tpu.memory_space<hbm>> -> memref<8x2048xf32, #tpu.memory_space<hbm>>
      %dma_wait3A_598 = tpu.memref_slice %arg9[%dma_wait3A_591] : memref<2x!tpu.dma_semaphore, #tpu.memory_space<semaphore_mem>> -> memref<1x!tpu.dma_semaphore, #tpu.memory_space<semaphore_mem>>
      %dma_wait3A_599 = tpu.memref_squeeze %dma_wait3A_598 : memref<1x!tpu.dma_semaphore, #tpu.memory_space<semaphore_mem>> -> memref<!tpu.dma_semaphore, #tpu.memory_space<semaphore_mem>>
      %dma_wait3A_600 = arith.constant 0 : i32
      %dma_wait3A_601 = arith.constant 0 : i32
      %dma_wait3A_602 = tpu.memref_slice %arg7[%dma_wait3A_590, %dma_wait3A_600, %dma_wait3A_601] : memref<2x8x2048xf32, #tpu.memory_space<vmem>> -> memref<1x8x2048xf32, #tpu.memory_space<vmem>>
      %dma_wait3A_603 = tpu.memref_squeeze %dma_wait3A_602 : memref<1x8x2048xf32, #tpu.memory_space<vmem>> -> memref<8x2048xf32, #tpu.memory_space<vmem>>
      %dma_wait3A_604 = arith.constant 0 : i32
      %dma_wait3A_605 = tpu.memref_slice %arg2[%add3A_589, %dma_wait3A_604] : memref<32768x2048xf32, #tpu.memory_space<hbm>> -> memref<8x2048xf32, #tpu.memory_space<hbm>>
      tpu.wait_dma2 semaphore(%dma_wait3A_599 : memref<!tpu.dma_semaphore, #tpu.memory_space<semaphore_mem>>) src(%dma_wait3A_605 : memref<8x2048xf32, #tpu.memory_space<hbm>>) dst(%dma_wait3A_603 : memref<8x2048xf32, #tpu.memory_space<vmem>>)
      %sub3A_606 = arith.constant 2 : i32
      %sub3A_607 = arith.subi %add3A_586, %sub3A_606 : i32
      %mul3A_608 = arith.constant 8 : i32
      %mul3A_609 = arith.muli %sub3A_607, %mul3A_608 : i32
      %add3A_610 = arith.addi %mul3A_34, %mul3A_609 : i32
      %dma_wait3A_611 = arith.constant 0 : i32
      %dma_wait3A_612 = arith.constant 0 : i32
      %dma_wait3A_613 = arith.constant 0 : i32
      %dma_wait3A_614 = arith.constant 0 : i32
      %dma_wait3A_615 = tpu.memref_slice %arg8[%dma_wait3A_611, %dma_wait3A_613, %dma_wait3A_614] : memref<2x8x2048xf32, #tpu.memory_space<vmem>> -> memref<1x8x2048xf32, #tpu.memory_space<vmem>>
      %dma_wait3A_616 = tpu.memref_squeeze %dma_wait3A_615 : memref<1x8x2048xf32, #tpu.memory_space<vmem>> -> memref<8x2048xf32, #tpu.memory_space<vmem>>
      %dma_wait3A_617 = arith.constant 0 : i32
      %dma_wait3A_618 = tpu.memref_slice %arg4[%add3A_610, %dma_wait3A_617] : memref<32768x2048xf32, #tpu.memory_space<hbm>> -> memref<8x2048xf32, #tpu.memory_space<hbm>>
      %dma_wait3A_619 = tpu.memref_slice %arg10[%dma_wait3A_612] : memref<2x!tpu.dma_semaphore, #tpu.memory_space<semaphore_mem>> -> memref<1x!tpu.dma_semaphore, #tpu.memory_space<semaphore_mem>>
      %dma_wait3A_620 = tpu.memref_squeeze %dma_wait3A_619 : memref<1x!tpu.dma_semaphore, #tpu.memory_space<semaphore_mem>> -> memref<!tpu.dma_semaphore, #tpu.memory_space<semaphore_mem>>
      %dma_wait3A_621 = arith.constant 0 : i32
      %dma_wait3A_622 = tpu.memref_slice %arg4[%add3A_610, %dma_wait3A_621] : memref<32768x2048xf32, #tpu.memory_space<hbm>> -> memref<8x2048xf32, #tpu.memory_space<hbm>>
      %dma_wait3A_623 = arith.constant 0 : i32
      %dma_wait3A_624 = arith.constant 0 : i32
      %dma_wait3A_625 = tpu.memref_slice %arg8[%dma_wait3A_611, %dma_wait3A_623, %dma_wait3A_624] : memref<2x8x2048xf32, #tpu.memory_space<vmem>> -> memref<1x8x2048xf32, #tpu.memory_space<vmem>>
      %dma_wait3A_626 = tpu.memref_squeeze %dma_wait3A_625 : memref<1x8x2048xf32, #tpu.memory_space<vmem>> -> memref<8x2048xf32, #tpu.memory_space<vmem>>
      tpu.wait_dma2 semaphore(%dma_wait3A_620 : memref<!tpu.dma_semaphore, #tpu.memory_space<semaphore_mem>>) src(%dma_wait3A_626 : memref<8x2048xf32, #tpu.memory_space<vmem>>) dst(%dma_wait3A_622 : memref<8x2048xf32, #tpu.memory_space<hbm>>)
      %scan3A_627 = arith.constant 0 : i32
      %scan3A_628 = arith.constant 0 : i32
      %scan3A_629 = arith.constant 8 : i32
      %scan3A_630 = arith.addi %scan3A_628, %scan3A_629 : i32
      %scan3A_631 = arith.constant 1 : i32
      scf.for %scan3A_763 = %scan3A_628 to %scan3A_630 step %scan3A_631  : i32 {
        %mul3A_764 = arith.constant 8 : i32
        %mul3A_765 = arith.muli %add3A_586, %mul3A_764 : i32
        %add3A_766 = arith.addi %mul3A_765, %scan3A_763 : i32
        %sub3A_767 = arith.constant 1023 : i32
        %sub3A_768 = arith.subi %sub3A_767, %add3A_766 : i32
        %scan3A_769 = arith.constant 0 : i32
        %scan3A_770 = arith.constant 0 : i32
        %scan3A_771 = arith.constant 128 : i32
        %scan3A_772 = arith.addi %scan3A_770, %scan3A_771 : i32
        %scan3A_773 = arith.constant 8 : i32
        scf.for %scan3A_775 = %scan3A_770 to %scan3A_772 step %scan3A_773  : i32 {
          %mul3A_776 = arith.constant 16 : i32
          %mul3A_777 = arith.muli %scan3A_775, %mul3A_776 : i32
          %get3A_778 = arith.constant 0 : i32
          %get3A_779 = arith.index_cast %get3A_778 : i32 to index
          %get3A_780 = arith.index_cast %scan3A_763 : i32 to index
          %get3A_781 = arith.index_cast %mul3A_777 : i32 to index
          %get3A_782 = tpu.vector_load %arg7[%get3A_779, %get3A_780, %get3A_781] {strides = array<i32>} : memref<2x8x2048xf32, #tpu.memory_space<vmem>>, vector<1x1x16xf32>,
          %get3A_783 = vector.shape_cast %get3A_782 : vector<1x1x16xf32> to vector<16xf32>
          %add3A_784 = arith.addi %sub3A_768, %mul3A_777 : i32
          %get3A_785 = arith.index_cast %add3A_784 : i32 to index
          %get3A_786 = tpu.vector_load %arg6[%get3A_785] {strides = array<i32>} : memref<3072xf32, #tpu.memory_space<vmem>>, vector<16xf32>,
          %get3A_787 = vector.shape_cast %get3A_786 : vector<16xf32> to vector<16xf32>
          %add3A_788 = arith.addf %get3A_783, %get3A_787 : vector<16xf32>
          %swap3A = arith.constant 0 : i32
          %swap3A_789 = arith.index_cast %swap3A : i32 to index
          %swap3A_790 = arith.index_cast %scan3A_763 : i32 to index
          %swap3A_791 = arith.index_cast %mul3A_777 : i32 to index
          %swap3A_792 = tpu.vector_load %arg8[%swap3A_789, %swap3A_790, %swap3A_791] {strides = array<i32>} : memref<2x8x2048xf32, #tpu.memory_space<vmem>>, vector<1x1x16xf32>,
          %swap3A_793 = vector.shape_cast %swap3A_792 : vector<1x1x16xf32> to vector<16xf32>
          %swap3A_794 = vector.shape_cast %add3A_788 : vector<16xf32> to vector<1x1x16xf32>
          tpu.vector_store %arg8[%swap3A_789, %swap3A_790, %swap3A_791], %swap3A_794 {strides = array<i32>} : memref<2x8x2048xf32, #tpu.memory_space<vmem>>, vector<1x1x16xf32>,
          %scan3A_795 = arith.constant 1 : i32
          %scan3A_796 = arith.addi %scan3A_775, %scan3A_795 : i32
          %mul3A_797 = arith.constant 16 : i32
          %mul3A_798 = arith.muli %scan3A_796, %mul3A_797 : i32
          %get3A_799 = arith.constant 0 : i32
          %get3A_800 = arith.index_cast %get3A_799 : i32 to index
          %get3A_801 = arith.index_cast %scan3A_763 : i32 to index
          %get3A_802 = arith.index_cast %mul3A_798 : i32 to index
          %get3A_803 = tpu.vector_load %arg7[%get3A_800, %get3A_801, %get3A_802] {strides = array<i32>} : memref<2x8x2048xf32, #tpu.memory_space<vmem>>, vector<1x1x16xf32>,
          %get3A_804 = vector.shape_cast %get3A_803 : vector<1x1x16xf32> to vector<16xf32>
          %add3A_805 = arith.addi %sub3A_768, %mul3A_798 : i32
          %get3A_806 = arith.index_cast %add3A_805 : i32 to index
          %get3A_807 = tpu.vector_load %arg6[%get3A_806] {strides = array<i32>} : memref<3072xf32, #tpu.memory_space<vmem>>, vector<16xf32>,
          %get3A_808 = vector.shape_cast %get3A_807 : vector<16xf32> to vector<16xf32>
          %add3A_809 = arith.addf %get3A_804, %get3A_808 : vector<16xf32>
          %swap3A_810 = arith.constant 0 : i32
          %swap3A_811 = arith.index_cast %swap3A_810 : i32 to index
          %swap3A_812 = arith.index_cast %scan3A_763 : i32 to index
          %swap3A_813 = arith.index_cast %mul3A_798 : i32 to index
          %swap3A_814 = tpu.vector_load %arg8[%swap3A_811, %swap3A_812, %swap3A_813] {strides = array<i32>} : memref<2x8x2048xf32, #tpu.memory_space<vmem>>, vector<1x1x16xf32>,
          %swap3A_815 = vector.shape_cast %swap3A_814 : vector<1x1x16xf32> to vector<16xf32>
          %swap3A_816 = vector.shape_cast %add3A_809 : vector<16xf32> to vector<1x1x16xf32>
          tpu.vector_store %arg8[%swap3A_811, %swap3A_812, %swap3A_813], %swap3A_816 {strides = array<i32>} : memref<2x8x2048xf32, #tpu.memory_space<vmem>>, vector<1x1x16xf32>,
          %scan3A_817 = arith.constant 2 : i32
          %scan3A_818 = arith.addi %scan3A_775, %scan3A_817 : i32
          %mul3A_819 = arith.constant 16 : i32
          %mul3A_820 = arith.muli %scan3A_818, %mul3A_819 : i32
          %get3A_821 = arith.constant 0 : i32
          %get3A_822 = arith.index_cast %get3A_821 : i32 to index
          %get3A_823 = arith.index_cast %scan3A_763 : i32 to index
          %get3A_824 = arith.index_cast %mul3A_820 : i32 to index
          %get3A_825 = tpu.vector_load %arg7[%get3A_822, %get3A_823, %get3A_824] {strides = array<i32>} : memref<2x8x2048xf32, #tpu.memory_space<vmem>>, vector<1x1x16xf32>,
          %get3A_826 = vector.shape_cast %get3A_825 : vector<1x1x16xf32> to vector<16xf32>
          %add3A_827 = arith.addi %sub3A_768, %mul3A_820 : i32
          %get3A_828 = arith.index_cast %add3A_827 : i32 to index
          %get3A_829 = tpu.vector_load %arg6[%get3A_828] {strides = array<i32>} : memref<3072xf32, #tpu.memory_space<vmem>>, vector<16xf32>,
          %get3A_830 = vector.shape_cast %get3A_829 : vector<16xf32> to vector<16xf32>
          %add3A_831 = arith.addf %get3A_826, %get3A_830 : vector<16xf32>
          %swap3A_832 = arith.constant 0 : i32
          %swap3A_833 = arith.index_cast %swap3A_832 : i32 to index
          %swap3A_834 = arith.index_cast %scan3A_763 : i32 to index
          %swap3A_835 = arith.index_cast %mul3A_820 : i32 to index
          %swap3A_836 = tpu.vector_load %arg8[%swap3A_833, %swap3A_834, %swap3A_835] {strides = array<i32>} : memref<2x8x2048xf32, #tpu.memory_space<vmem>>, vector<1x1x16xf32>,
          %swap3A_837 = vector.shape_cast %swap3A_836 : vector<1x1x16xf32> to vector<16xf32>
          %swap3A_838 = vector.shape_cast %add3A_831 : vector<16xf32> to vector<1x1x16xf32>
          tpu.vector_store %arg8[%swap3A_833, %swap3A_834, %swap3A_835], %swap3A_838 {strides = array<i32>} : memref<2x8x2048xf32, #tpu.memory_space<vmem>>, vector<1x1x16xf32>,
          %scan3A_839 = arith.constant 3 : i32
          %scan3A_840 = arith.addi %scan3A_775, %scan3A_839 : i32
          %mul3A_841 = arith.constant 16 : i32
          %mul3A_842 = arith.muli %scan3A_840, %mul3A_841 : i32
          %get3A_843 = arith.constant 0 : i32
          %get3A_844 = arith.index_cast %get3A_843 : i32 to index
          %get3A_845 = arith.index_cast %scan3A_763 : i32 to index
          %get3A_846 = arith.index_cast %mul3A_842 : i32 to index
          %get3A_847 = tpu.vector_load %arg7[%get3A_844, %get3A_845, %get3A_846] {strides = array<i32>} : memref<2x8x2048xf32, #tpu.memory_space<vmem>>, vector<1x1x16xf32>,
          %get3A_848 = vector.shape_cast %get3A_847 : vector<1x1x16xf32> to vector<16xf32>
          %add3A_849 = arith.addi %sub3A_768, %mul3A_842 : i32
          %get3A_850 = arith.index_cast %add3A_849 : i32 to index
          %get3A_851 = tpu.vector_load %arg6[%get3A_850] {strides = array<i32>} : memref<3072xf32, #tpu.memory_space<vmem>>, vector<16xf32>,
          %get3A_852 = vector.shape_cast %get3A_851 : vector<16xf32> to vector<16xf32>
          %add3A_853 = arith.addf %get3A_848, %get3A_852 : vector<16xf32>
          %swap3A_854 = arith.constant 0 : i32
          %swap3A_855 = arith.index_cast %swap3A_854 : i32 to index
          %swap3A_856 = arith.index_cast %scan3A_763 : i32 to index
          %swap3A_857 = arith.index_cast %mul3A_842 : i32 to index
          %swap3A_858 = tpu.vector_load %arg8[%swap3A_855, %swap3A_856, %swap3A_857] {strides = array<i32>} : memref<2x8x2048xf32, #tpu.memory_space<vmem>>, vector<1x1x16xf32>,
          %swap3A_859 = vector.shape_cast %swap3A_858 : vector<1x1x16xf32> to vector<16xf32>
          %swap3A_860 = vector.shape_cast %add3A_853 : vector<16xf32> to vector<1x1x16xf32>
          tpu.vector_store %arg8[%swap3A_855, %swap3A_856, %swap3A_857], %swap3A_860 {strides = array<i32>} : memref<2x8x2048xf32, #tpu.memory_space<vmem>>, vector<1x1x16xf32>,
          %scan3A_861 = arith.constant 4 : i32
          %scan3A_862 = arith.addi %scan3A_775, %scan3A_861 : i32
          %mul3A_863 = arith.constant 16 : i32
          %mul3A_864 = arith.muli %scan3A_862, %mul3A_863 : i32
          %get3A_865 = arith.constant 0 : i32
          %get3A_866 = arith.index_cast %get3A_865 : i32 to index
          %get3A_867 = arith.index_cast %scan3A_763 : i32 to index
          %get3A_868 = arith.index_cast %mul3A_864 : i32 to index
          %get3A_869 = tpu.vector_load %arg7[%get3A_866, %get3A_867, %get3A_868] {strides = array<i32>} : memref<2x8x2048xf32, #tpu.memory_space<vmem>>, vector<1x1x16xf32>,
          %get3A_870 = vector.shape_cast %get3A_869 : vector<1x1x16xf32> to vector<16xf32>
          %add3A_871 = arith.addi %sub3A_768, %mul3A_864 : i32
          %get3A_872 = arith.index_cast %add3A_871 : i32 to index
          %get3A_873 = tpu.vector_load %arg6[%get3A_872] {strides = array<i32>} : memref<3072xf32, #tpu.memory_space<vmem>>, vector<16xf32>,
          %get3A_874 = vector.shape_cast %get3A_873 : vector<16xf32> to vector<16xf32>
          %add3A_875 = arith.addf %get3A_870, %get3A_874 : vector<16xf32>
          %swap3A_876 = arith.constant 0 : i32
          %swap3A_877 = arith.index_cast %swap3A_876 : i32 to index
          %swap3A_878 = arith.index_cast %scan3A_763 : i32 to index
          %swap3A_879 = arith.index_cast %mul3A_864 : i32 to index
          %swap3A_880 = tpu.vector_load %arg8[%swap3A_877, %swap3A_878, %swap3A_879] {strides = array<i32>} : memref<2x8x2048xf32, #tpu.memory_space<vmem>>, vector<1x1x16xf32>,
          %swap3A_881 = vector.shape_cast %swap3A_880 : vector<1x1x16xf32> to vector<16xf32>
          %swap3A_882 = vector.shape_cast %add3A_875 : vector<16xf32> to vector<1x1x16xf32>
          tpu.vector_store %arg8[%swap3A_877, %swap3A_878, %swap3A_879], %swap3A_882 {strides = array<i32>} : memref<2x8x2048xf32, #tpu.memory_space<vmem>>, vector<1x1x16xf32>,
          %scan3A_883 = arith.constant 5 : i32
          %scan3A_884 = arith.addi %scan3A_775, %scan3A_883 : i32
          %mul3A_885 = arith.constant 16 : i32
          %mul3A_886 = arith.muli %scan3A_884, %mul3A_885 : i32
          %get3A_887 = arith.constant 0 : i32
          %get3A_888 = arith.index_cast %get3A_887 : i32 to index
          %get3A_889 = arith.index_cast %scan3A_763 : i32 to index
          %get3A_890 = arith.index_cast %mul3A_886 : i32 to index
          %get3A_891 = tpu.vector_load %arg7[%get3A_888, %get3A_889, %get3A_890] {strides = array<i32>} : memref<2x8x2048xf32, #tpu.memory_space<vmem>>, vector<1x1x16xf32>,
          %get3A_892 = vector.shape_cast %get3A_891 : vector<1x1x16xf32> to vector<16xf32>
          %add3A_893 = arith.addi %sub3A_768, %mul3A_886 : i32
          %get3A_894 = arith.index_cast %add3A_893 : i32 to index
          %get3A_895 = tpu.vector_load %arg6[%get3A_894] {strides = array<i32>} : memref<3072xf32, #tpu.memory_space<vmem>>, vector<16xf32>,
          %get3A_896 = vector.shape_cast %get3A_895 : vector<16xf32> to vector<16xf32>
          %add3A_897 = arith.addf %get3A_892, %get3A_896 : vector<16xf32>
          %swap3A_898 = arith.constant 0 : i32
          %swap3A_899 = arith.index_cast %swap3A_898 : i32 to index
          %swap3A_900 = arith.index_cast %scan3A_763 : i32 to index
          %swap3A_901 = arith.index_cast %mul3A_886 : i32 to index
          %swap3A_902 = tpu.vector_load %arg8[%swap3A_899, %swap3A_900, %swap3A_901] {strides = array<i32>} : memref<2x8x2048xf32, #tpu.memory_space<vmem>>, vector<1x1x16xf32>,
          %swap3A_903 = vector.shape_cast %swap3A_902 : vector<1x1x16xf32> to vector<16xf32>
          %swap3A_904 = vector.shape_cast %add3A_897 : vector<16xf32> to vector<1x1x16xf32>
          tpu.vector_store %arg8[%swap3A_899, %swap3A_900, %swap3A_901], %swap3A_904 {strides = array<i32>} : memref<2x8x2048xf32, #tpu.memory_space<vmem>>, vector<1x1x16xf32>,
          %scan3A_905 = arith.constant 6 : i32
          %scan3A_906 = arith.addi %scan3A_775, %scan3A_905 : i32
          %mul3A_907 = arith.constant 16 : i32
          %mul3A_908 = arith.muli %scan3A_906, %mul3A_907 : i32
          %get3A_909 = arith.constant 0 : i32
          %get3A_910 = arith.index_cast %get3A_909 : i32 to index
          %get3A_911 = arith.index_cast %scan3A_763 : i32 to index
          %get3A_912 = arith.index_cast %mul3A_908 : i32 to index
          %get3A_913 = tpu.vector_load %arg7[%get3A_910, %get3A_911, %get3A_912] {strides = array<i32>} : memref<2x8x2048xf32, #tpu.memory_space<vmem>>, vector<1x1x16xf32>,
          %get3A_914 = vector.shape_cast %get3A_913 : vector<1x1x16xf32> to vector<16xf32>
          %add3A_915 = arith.addi %sub3A_768, %mul3A_908 : i32
          %get3A_916 = arith.index_cast %add3A_915 : i32 to index
          %get3A_917 = tpu.vector_load %arg6[%get3A_916] {strides = array<i32>} : memref<3072xf32, #tpu.memory_space<vmem>>, vector<16xf32>,
          %get3A_918 = vector.shape_cast %get3A_917 : vector<16xf32> to vector<16xf32>
          %add3A_919 = arith.addf %get3A_914, %get3A_918 : vector<16xf32>
          %swap3A_920 = arith.constant 0 : i32
          %swap3A_921 = arith.index_cast %swap3A_920 : i32 to index
          %swap3A_922 = arith.index_cast %scan3A_763 : i32 to index
          %swap3A_923 = arith.index_cast %mul3A_908 : i32 to index
          %swap3A_924 = tpu.vector_load %arg8[%swap3A_921, %swap3A_922, %swap3A_923] {strides = array<i32>} : memref<2x8x2048xf32, #tpu.memory_space<vmem>>, vector<1x1x16xf32>,
          %swap3A_925 = vector.shape_cast %swap3A_924 : vector<1x1x16xf32> to vector<16xf32>
          %swap3A_926 = vector.shape_cast %add3A_919 : vector<16xf32> to vector<1x1x16xf32>
          tpu.vector_store %arg8[%swap3A_921, %swap3A_922, %swap3A_923], %swap3A_926 {strides = array<i32>} : memref<2x8x2048xf32, #tpu.memory_space<vmem>>, vector<1x1x16xf32>,
          %scan3A_927 = arith.constant 7 : i32
          %scan3A_928 = arith.addi %scan3A_775, %scan3A_927 : i32
          %mul3A_929 = arith.constant 16 : i32
          %mul3A_930 = arith.muli %scan3A_928, %mul3A_929 : i32
          %get3A_931 = arith.constant 0 : i32
          %get3A_932 = arith.index_cast %get3A_931 : i32 to index
          %get3A_933 = arith.index_cast %scan3A_763 : i32 to index
          %get3A_934 = arith.index_cast %mul3A_930 : i32 to index
          %get3A_935 = tpu.vector_load %arg7[%get3A_932, %get3A_933, %get3A_934] {strides = array<i32>} : memref<2x8x2048xf32, #tpu.memory_space<vmem>>, vector<1x1x16xf32>,
          %get3A_936 = vector.shape_cast %get3A_935 : vector<1x1x16xf32> to vector<16xf32>
          %add3A_937 = arith.addi %sub3A_768, %mul3A_930 : i32
          %get3A_938 = arith.index_cast %add3A_937 : i32 to index
          %get3A_939 = tpu.vector_load %arg6[%get3A_938] {strides = array<i32>} : memref<3072xf32, #tpu.memory_space<vmem>>, vector<16xf32>,
          %get3A_940 = vector.shape_cast %get3A_939 : vector<16xf32> to vector<16xf32>
          %add3A_941 = arith.addf %get3A_936, %get3A_940 : vector<16xf32>
          %swap3A_942 = arith.constant 0 : i32
          %swap3A_943 = arith.index_cast %swap3A_942 : i32 to index
          %swap3A_944 = arith.index_cast %scan3A_763 : i32 to index
          %swap3A_945 = arith.index_cast %mul3A_930 : i32 to index
          %swap3A_946 = tpu.vector_load %arg8[%swap3A_943, %swap3A_944, %swap3A_945] {strides = array<i32>} : memref<2x8x2048xf32, #tpu.memory_space<vmem>>, vector<1x1x16xf32>,
          %swap3A_947 = vector.shape_cast %swap3A_946 : vector<1x1x16xf32> to vector<16xf32>
          %swap3A_948 = vector.shape_cast %add3A_941 : vector<16xf32> to vector<1x1x16xf32>
          tpu.vector_store %arg8[%swap3A_943, %swap3A_944, %swap3A_945], %swap3A_948 {strides = array<i32>} : memref<2x8x2048xf32, #tpu.memory_space<vmem>>, vector<1x1x16xf32>,
        }
        %scan3A_774 = arith.constant 128 : i32
      }
      %scan3A_632 = arith.constant 8 : i32
      %mul3A_633 = arith.constant 8 : i32
      %mul3A_634 = arith.muli %add3A_586, %mul3A_633 : i32
      %add3A_635 = arith.addi %mul3A_34, %mul3A_634 : i32
      %dma_start3A_636 = arith.constant 0 : i32
      %dma_start3A_637 = arith.constant 0 : i32
      %dma_start3A_638 = arith.constant 0 : i32
      %dma_start3A_639 = arith.constant 0 : i32
      %dma_start3A_640 = tpu.memref_slice %arg8[%dma_start3A_636, %dma_start3A_638, %dma_start3A_639] : memref<2x8x2048xf32, #tpu.memory_space<vmem>> -> memref<1x8x2048xf32, #tpu.memory_space<vmem>>
      %dma_start3A_641 = tpu.memref_squeeze %dma_start3A_640 : memref<1x8x2048xf32, #tpu.memory_space<vmem>> -> memref<8x2048xf32, #tpu.memory_space<vmem>>
      %dma_start3A_642 = arith.constant 0 : i32
      %dma_start3A_643 = tpu.memref_slice %arg4[%add3A_635, %dma_start3A_642] : memref<32768x2048xf32, #tpu.memory_space<hbm>> -> memref<8x2048xf32, #tpu.memory_space<hbm>>
      %dma_start3A_644 = tpu.memref_slice %arg10[%dma_start3A_637] : memref<2x!tpu.dma_semaphore, #tpu.memory_space<semaphore_mem>> -> memref<1x!tpu.dma_semaphore, #tpu.memory_space<semaphore_mem>>
      %dma_start3A_645 = tpu.memref_squeeze %dma_start3A_644 : memref<1x!tpu.dma_semaphore, #tpu.memory_space<semaphore_mem>> -> memref<!tpu.dma_semaphore, #tpu.memory_space<semaphore_mem>>
      %dma_start3A_646 = arith.constant 0 : i32
      %dma_start3A_647 = tpu.memref_slice %arg4[%add3A_635, %dma_start3A_646] : memref<32768x2048xf32, #tpu.memory_space<hbm>> -> memref<8x2048xf32, #tpu.memory_space<hbm>>
      %dma_start3A_648 = arith.constant 0 : i32
      %dma_start3A_649 = arith.constant 0 : i32
      %dma_start3A_650 = tpu.memref_slice %arg8[%dma_start3A_636, %dma_start3A_648, %dma_start3A_649] : memref<2x8x2048xf32, #tpu.memory_space<vmem>> -> memref<1x8x2048xf32, #tpu.memory_space<vmem>>
      %dma_start3A_651 = tpu.memref_squeeze %dma_start3A_650 : memref<1x8x2048xf32, #tpu.memory_space<vmem>> -> memref<8x2048xf32, #tpu.memory_space<vmem>>
      tpu.enqueue_dma source(%dma_start3A_651 : memref<8x2048xf32, #tpu.memory_space<vmem>>) target(%dma_start3A_647 : memref<8x2048xf32, #tpu.memory_space<hbm>>) target_semaphore(%dma_start3A_645 : memref<!tpu.dma_semaphore, #tpu.memory_space<semaphore_mem>>)
      %add3A_652 = arith.constant 2 : i32
      %add3A_653 = arith.addi %add3A_586, %add3A_652 : i32
      %mul3A_654 = arith.constant 8 : i32
      %mul3A_655 = arith.muli %add3A_653, %mul3A_654 : i32
      %add3A_656 = arith.addi %mul3A_34, %mul3A_655 : i32
      %dma_start3A_657 = arith.constant 0 : i32
      %dma_start3A_658 = arith.constant 0 : i32
      %dma_start3A_659 = arith.constant 0 : i32
      %dma_start3A_660 = arith.constant 0 : i32
      %dma_start3A_661 = tpu.memref_slice %arg7[%dma_start3A_657, %dma_start3A_659, %dma_start3A_660] : memref<2x8x2048xf32, #tpu.memory_space<vmem>> -> memref<1x8x2048xf32, #tpu.memory_space<vmem>>
      %dma_start3A_662 = tpu.memref_squeeze %dma_start3A_661 : memref<1x8x2048xf32, #tpu.memory_space<vmem>> -> memref<8x2048xf32, #tpu.memory_space<vmem>>
      %dma_start3A_663 = arith.constant 0 : i32
      %dma_start3A_664 = tpu.memref_slice %arg2[%add3A_656, %dma_start3A_663] : memref<32768x2048xf32, #tpu.memory_space<hbm>> -> memref<8x2048xf32, #tpu.memory_space<hbm>>
      %dma_start3A_665 = tpu.memref_slice %arg9[%dma_start3A_658] : memref<2x!tpu.dma_semaphore, #tpu.memory_space<semaphore_mem>> -> memref<1x!tpu.dma_semaphore, #tpu.memory_space<semaphore_mem>>
      %dma_start3A_666 = tpu.memref_squeeze %dma_start3A_665 : memref<1x!tpu.dma_semaphore, #tpu.memory_space<semaphore_mem>> -> memref<!tpu.dma_semaphore, #tpu.memory_space<semaphore_mem>>
      %dma_start3A_667 = arith.constant 0 : i32
      %dma_start3A_668 = arith.constant 0 : i32
      %dma_start3A_669 = tpu.memref_slice %arg7[%dma_start3A_657, %dma_start3A_667, %dma_start3A_668] : memref<2x8x2048xf32, #tpu.memory_space<vmem>> -> memref<1x8x2048xf32, #tpu.memory_space<vmem>>
      %dma_start3A_670 = tpu.memref_squeeze %dma_start3A_669 : memref<1x8x2048xf32, #tpu.memory_space<vmem>> -> memref<8x2048xf32, #tpu.memory_space<vmem>>
      %dma_start3A_671 = arith.constant 0 : i32
      %dma_start3A_672 = tpu.memref_slice %arg2[%add3A_656, %dma_start3A_671] : memref<32768x2048xf32, #tpu.memory_space<hbm>> -> memref<8x2048xf32, #tpu.memory_space<hbm>>
      tpu.enqueue_dma source(%dma_start3A_672 : memref<8x2048xf32, #tpu.memory_space<hbm>>) target(%dma_start3A_670 : memref<8x2048xf32, #tpu.memory_space<vmem>>) target_semaphore(%dma_start3A_666 : memref<!tpu.dma_semaphore, #tpu.memory_space<semaphore_mem>>)
      %mul3A_673 = arith.constant 2 : i32
      %mul3A_674 = arith.muli %scan3A_582, %mul3A_673 : i32
      %add3A_675 = arith.constant 1 : i32
      %add3A_676 = arith.addi %mul3A_674, %add3A_675 : i32
      %mul3A_677 = arith.constant 8 : i32
      %mul3A_678 = arith.muli %add3A_676, %mul3A_677 : i32
      %add3A_679 = arith.addi %mul3A_34, %mul3A_678 : i32
      %dma_wait3A_680 = arith.constant 1 : i32
      %dma_wait3A_681 = arith.constant 1 : i32
      %dma_wait3A_682 = arith.constant 0 : i32
      %dma_wait3A_683 = arith.constant 0 : i32
      %dma_wait3A_684 = tpu.memref_slice %arg7[%dma_wait3A_680, %dma_wait3A_682, %dma_wait3A_683] : memref<2x8x2048xf32, #tpu.memory_space<vmem>> -> memref<1x8x2048xf32, #tpu.memory_space<vmem>>
      %dma_wait3A_685 = tpu.memref_squeeze %dma_wait3A_684 : memref<1x8x2048xf32, #tpu.memory_space<vmem>> -> memref<8x2048xf32, #tpu.memory_space<vmem>>
      %dma_wait3A_686 = arith.constant 0 : i32
      %dma_wait3A_687 = tpu.memref_slice %arg2[%add3A_679, %dma_wait3A_686] : memref<32768x2048xf32, #tpu.memory_space<hbm>> -> memref<8x2048xf32, #tpu.memory_space<hbm>>
      %dma_wait3A_688 = tpu.memref_slice %arg9[%dma_wait3A_681] : memref<2x!tpu.dma_semaphore, #tpu.memory_space<semaphore_mem>> -> memref<1x!tpu.dma_semaphore, #tpu.memory_space<semaphore_mem>>
      %dma_wait3A_689 = tpu.memref_squeeze %dma_wait3A_688 : memref<1x!tpu.dma_semaphore, #tpu.memory_space<semaphore_mem>> -> memref<!tpu.dma_semaphore, #tpu.memory_space<semaphore_mem>>
      %dma_wait3A_690 = arith.constant 0 : i32
      %dma_wait3A_691 = arith.constant 0 : i32
      %dma_wait3A_692 = tpu.memref_slice %arg7[%dma_wait3A_680, %dma_wait3A_690, %dma_wait3A_691] : memref<2x8x2048xf32, #tpu.memory_space<vmem>> -> memref<1x8x2048xf32, #tpu.memory_space<vmem>>
      %dma_wait3A_693 = tpu.memref_squeeze %dma_wait3A_692 : memref<1x8x2048xf32, #tpu.memory_space<vmem>> -> memref<8x2048xf32, #tpu.memory_space<vmem>>
      %dma_wait3A_694 = arith.constant 0 : i32
      %dma_wait3A_695 = tpu.memref_slice %arg2[%add3A_679, %dma_wait3A_694] : memref<32768x2048xf32, #tpu.memory_space<hbm>> -> memref<8x2048xf32, #tpu.memory_space<hbm>>
      tpu.wait_dma2 semaphore(%dma_wait3A_689 : memref<!tpu.dma_semaphore, #tpu.memory_space<semaphore_mem>>) src(%dma_wait3A_695 : memref<8x2048xf32, #tpu.memory_space<hbm>>) dst(%dma_wait3A_693 : memref<8x2048xf32, #tpu.memory_space<vmem>>)
      %sub3A_696 = arith.constant 2 : i32
      %sub3A_697 = arith.subi %add3A_676, %sub3A_696 : i32
      %mul3A_698 = arith.constant 8 : i32
      %mul3A_699 = arith.muli %sub3A_697, %mul3A_698 : i32
      %add3A_700 = arith.addi %mul3A_34, %mul3A_699 : i32
      %dma_wait3A_701 = arith.constant 1 : i32
      %dma_wait3A_702 = arith.constant 1 : i32
      %dma_wait3A_703 = arith.constant 0 : i32
      %dma_wait3A_704 = arith.constant 0 : i32
      %dma_wait3A_705 = tpu.memref_slice %arg8[%dma_wait3A_701, %dma_wait3A_703, %dma_wait3A_704] : memref<2x8x2048xf32, #tpu.memory_space<vmem>> -> memref<1x8x2048xf32, #tpu.memory_space<vmem>>
      %dma_wait3A_706 = tpu.memref_squeeze %dma_wait3A_705 : memref<1x8x2048xf32, #tpu.memory_space<vmem>> -> memref<8x2048xf32, #tpu.memory_space<vmem>>
      %dma_wait3A_707 = arith.constant 0 : i32
      %dma_wait3A_708 = tpu.memref_slice %arg4[%add3A_700, %dma_wait3A_707] : memref<32768x2048xf32, #tpu.memory_space<hbm>> -> memref<8x2048xf32, #tpu.memory_space<hbm>>
      %dma_wait3A_709 = tpu.memref_slice %arg10[%dma_wait3A_702] : memref<2x!tpu.dma_semaphore, #tpu.memory_space<semaphore_mem>> -> memref<1x!tpu.dma_semaphore, #tpu.memory_space<semaphore_mem>>
      %dma_wait3A_710 = tpu.memref_squeeze %dma_wait3A_709 : memref<1x!tpu.dma_semaphore, #tpu.memory_space<semaphore_mem>> -> memref<!tpu.dma_semaphore, #tpu.memory_space<semaphore_mem>>
      %dma_wait3A_711 = arith.constant 0 : i32
      %dma_wait3A_712 = tpu.memref_slice %arg4[%add3A_700, %dma_wait3A_711] : memref<32768x2048xf32, #tpu.memory_space<hbm>> -> memref<8x2048xf32, #tpu.memory_space<hbm>>
      %dma_wait3A_713 = arith.constant 0 : i32
      %dma_wait3A_714 = arith.constant 0 : i32
      %dma_wait3A_715 = tpu.memref_slice %arg8[%dma_wait3A_701, %dma_wait3A_713, %dma_wait3A_714] : memref<2x8x2048xf32, #tpu.memory_space<vmem>> -> memref<1x8x2048xf32, #tpu.memory_space<vmem>>
      %dma_wait3A_716 = tpu.memref_squeeze %dma_wait3A_715 : memref<1x8x2048xf32, #tpu.memory_space<vmem>> -> memref<8x2048xf32, #tpu.memory_space<vmem>>
      tpu.wait_dma2 semaphore(%dma_wait3A_710 : memref<!tpu.dma_semaphore, #tpu.memory_space<semaphore_mem>>) src(%dma_wait3A_716 : memref<8x2048xf32, #tpu.memory_space<vmem>>) dst(%dma_wait3A_712 : memref<8x2048xf32, #tpu.memory_space<hbm>>)
      %scan3A_717 = arith.constant 0 : i32
      %scan3A_718 = arith.constant 0 : i32
      %scan3A_719 = arith.constant 8 : i32
      %scan3A_720 = arith.addi %scan3A_718, %scan3A_719 : i32
      %scan3A_721 = arith.constant 1 : i32
      scf.for %scan3A_763 = %scan3A_718 to %scan3A_720 step %scan3A_721  : i32 {
        %mul3A_764 = arith.constant 8 : i32
        %mul3A_765 = arith.muli %add3A_676, %mul3A_764 : i32
        %add3A_766 = arith.addi %mul3A_765, %scan3A_763 : i32
        %sub3A_767 = arith.constant 1023 : i32
        %sub3A_768 = arith.subi %sub3A_767, %add3A_766 : i32
        %scan3A_769 = arith.constant 0 : i32
        %scan3A_770 = arith.constant 0 : i32
        %scan3A_771 = arith.constant 128 : i32
        %scan3A_772 = arith.addi %scan3A_770, %scan3A_771 : i32
        %scan3A_773 = arith.constant 8 : i32
        scf.for %scan3A_775 = %scan3A_770 to %scan3A_772 step %scan3A_773  : i32 {
          %mul3A_776 = arith.constant 16 : i32
          %mul3A_777 = arith.muli %scan3A_775, %mul3A_776 : i32
          %get3A_778 = arith.constant 1 : i32
          %get3A_779 = arith.index_cast %get3A_778 : i32 to index
          %get3A_780 = arith.index_cast %scan3A_763 : i32 to index
          %get3A_781 = arith.index_cast %mul3A_777 : i32 to index
          %get3A_782 = tpu.vector_load %arg7[%get3A_779, %get3A_780, %get3A_781] {strides = array<i32>} : memref<2x8x2048xf32, #tpu.memory_space<vmem>>, vector<1x1x16xf32>,
          %get3A_783 = vector.shape_cast %get3A_782 : vector<1x1x16xf32> to vector<16xf32>
          %add3A_784 = arith.addi %sub3A_768, %mul3A_777 : i32
          %get3A_785 = arith.index_cast %add3A_784 : i32 to index
          %get3A_786 = tpu.vector_load %arg6[%get3A_785] {strides = array<i32>} : memref<3072xf32, #tpu.memory_space<vmem>>, vector<16xf32>,
          %get3A_787 = vector.shape_cast %get3A_786 : vector<16xf32> to vector<16xf32>
          %add3A_788 = arith.addf %get3A_783, %get3A_787 : vector<16xf32>
          %swap3A = arith.constant 1 : i32
          %swap3A_789 = arith.index_cast %swap3A : i32 to index
          %swap3A_790 = arith.index_cast %scan3A_763 : i32 to index
          %swap3A_791 = arith.index_cast %mul3A_777 : i32 to index
          %swap3A_792 = tpu.vector_load %arg8[%swap3A_789, %swap3A_790, %swap3A_791] {strides = array<i32>} : memref<2x8x2048xf32, #tpu.memory_space<vmem>>, vector<1x1x16xf32>,
          %swap3A_793 = vector.shape_cast %swap3A_792 : vector<1x1x16xf32> to vector<16xf32>
          %swap3A_794 = vector.shape_cast %add3A_788 : vector<16xf32> to vector<1x1x16xf32>
          tpu.vector_store %arg8[%swap3A_789, %swap3A_790, %swap3A_791], %swap3A_794 {strides = array<i32>} : memref<2x8x2048xf32, #tpu.memory_space<vmem>>, vector<1x1x16xf32>,
          %scan3A_795 = arith.constant 1 : i32
          %scan3A_796 = arith.addi %scan3A_775, %scan3A_795 : i32
          %mul3A_797 = arith.constant 16 : i32
          %mul3A_798 = arith.muli %scan3A_796, %mul3A_797 : i32
          %get3A_799 = arith.constant 1 : i32
          %get3A_800 = arith.index_cast %get3A_799 : i32 to index
          %get3A_801 = arith.index_cast %scan3A_763 : i32 to index
          %get3A_802 = arith.index_cast %mul3A_798 : i32 to index
          %get3A_803 = tpu.vector_load %arg7[%get3A_800, %get3A_801, %get3A_802] {strides = array<i32>} : memref<2x8x2048xf32, #tpu.memory_space<vmem>>, vector<1x1x16xf32>,
          %get3A_804 = vector.shape_cast %get3A_803 : vector<1x1x16xf32> to vector<16xf32>
          %add3A_805 = arith.addi %sub3A_768, %mul3A_798 : i32
          %get3A_806 = arith.index_cast %add3A_805 : i32 to index
          %get3A_807 = tpu.vector_load %arg6[%get3A_806] {strides = array<i32>} : memref<3072xf32, #tpu.memory_space<vmem>>, vector<16xf32>,
          %get3A_808 = vector.shape_cast %get3A_807 : vector<16xf32> to vector<16xf32>
          %add3A_809 = arith.addf %get3A_804, %get3A_808 : vector<16xf32>
          %swap3A_810 = arith.constant 1 : i32
          %swap3A_811 = arith.index_cast %swap3A_810 : i32 to index
          %swap3A_812 = arith.index_cast %scan3A_763 : i32 to index
          %swap3A_813 = arith.index_cast %mul3A_798 : i32 to index
          %swap3A_814 = tpu.vector_load %arg8[%swap3A_811, %swap3A_812, %swap3A_813] {strides = array<i32>} : memref<2x8x2048xf32, #tpu.memory_space<vmem>>, vector<1x1x16xf32>,
          %swap3A_815 = vector.shape_cast %swap3A_814 : vector<1x1x16xf32> to vector<16xf32>
          %swap3A_816 = vector.shape_cast %add3A_809 : vector<16xf32> to vector<1x1x16xf32>
          tpu.vector_store %arg8[%swap3A_811, %swap3A_812, %swap3A_813], %swap3A_816 {strides = array<i32>} : memref<2x8x2048xf32, #tpu.memory_space<vmem>>, vector<1x1x16xf32>,
          %scan3A_817 = arith.constant 2 : i32
          %scan3A_818 = arith.addi %scan3A_775, %scan3A_817 : i32
          %mul3A_819 = arith.constant 16 : i32
          %mul3A_820 = arith.muli %scan3A_818, %mul3A_819 : i32
          %get3A_821 = arith.constant 1 : i32
          %get3A_822 = arith.index_cast %get3A_821 : i32 to index
          %get3A_823 = arith.index_cast %scan3A_763 : i32 to index
          %get3A_824 = arith.index_cast %mul3A_820 : i32 to index
          %get3A_825 = tpu.vector_load %arg7[%get3A_822, %get3A_823, %get3A_824] {strides = array<i32>} : memref<2x8x2048xf32, #tpu.memory_space<vmem>>, vector<1x1x16xf32>,
          %get3A_826 = vector.shape_cast %get3A_825 : vector<1x1x16xf32> to vector<16xf32>
          %add3A_827 = arith.addi %sub3A_768, %mul3A_820 : i32
          %get3A_828 = arith.index_cast %add3A_827 : i32 to index
          %get3A_829 = tpu.vector_load %arg6[%get3A_828] {strides = array<i32>} : memref<3072xf32, #tpu.memory_space<vmem>>, vector<16xf32>,
          %get3A_830 = vector.shape_cast %get3A_829 : vector<16xf32> to vector<16xf32>
          %add3A_831 = arith.addf %get3A_826, %get3A_830 : vector<16xf32>
          %swap3A_832 = arith.constant 1 : i32
          %swap3A_833 = arith.index_cast %swap3A_832 : i32 to index
          %swap3A_834 = arith.index_cast %scan3A_763 : i32 to index
          %swap3A_835 = arith.index_cast %mul3A_820 : i32 to index
          %swap3A_836 = tpu.vector_load %arg8[%swap3A_833, %swap3A_834, %swap3A_835] {strides = array<i32>} : memref<2x8x2048xf32, #tpu.memory_space<vmem>>, vector<1x1x16xf32>,
          %swap3A_837 = vector.shape_cast %swap3A_836 : vector<1x1x16xf32> to vector<16xf32>
          %swap3A_838 = vector.shape_cast %add3A_831 : vector<16xf32> to vector<1x1x16xf32>
          tpu.vector_store %arg8[%swap3A_833, %swap3A_834, %swap3A_835], %swap3A_838 {strides = array<i32>} : memref<2x8x2048xf32, #tpu.memory_space<vmem>>, vector<1x1x16xf32>,
          %scan3A_839 = arith.constant 3 : i32
          %scan3A_840 = arith.addi %scan3A_775, %scan3A_839 : i32
          %mul3A_841 = arith.constant 16 : i32
          %mul3A_842 = arith.muli %scan3A_840, %mul3A_841 : i32
          %get3A_843 = arith.constant 1 : i32
          %get3A_844 = arith.index_cast %get3A_843 : i32 to index
          %get3A_845 = arith.index_cast %scan3A_763 : i32 to index
          %get3A_846 = arith.index_cast %mul3A_842 : i32 to index
          %get3A_847 = tpu.vector_load %arg7[%get3A_844, %get3A_845, %get3A_846] {strides = array<i32>} : memref<2x8x2048xf32, #tpu.memory_space<vmem>>, vector<1x1x16xf32>,
          %get3A_848 = vector.shape_cast %get3A_847 : vector<1x1x16xf32> to vector<16xf32>
          %add3A_849 = arith.addi %sub3A_768, %mul3A_842 : i32
          %get3A_850 = arith.index_cast %add3A_849 : i32 to index
          %get3A_851 = tpu.vector_load %arg6[%get3A_850] {strides = array<i32>} : memref<3072xf32, #tpu.memory_space<vmem>>, vector<16xf32>,
          %get3A_852 = vector.shape_cast %get3A_851 : vector<16xf32> to vector<16xf32>
          %add3A_853 = arith.addf %get3A_848, %get3A_852 : vector<16xf32>
          %swap3A_854 = arith.constant 1 : i32
          %swap3A_855 = arith.index_cast %swap3A_854 : i32 to index
          %swap3A_856 = arith.index_cast %scan3A_763 : i32 to index
          %swap3A_857 = arith.index_cast %mul3A_842 : i32 to index
          %swap3A_858 = tpu.vector_load %arg8[%swap3A_855, %swap3A_856, %swap3A_857] {strides = array<i32>} : memref<2x8x2048xf32, #tpu.memory_space<vmem>>, vector<1x1x16xf32>,
          %swap3A_859 = vector.shape_cast %swap3A_858 : vector<1x1x16xf32> to vector<16xf32>
          %swap3A_860 = vector.shape_cast %add3A_853 : vector<16xf32> to vector<1x1x16xf32>
          tpu.vector_store %arg8[%swap3A_855, %swap3A_856, %swap3A_857], %swap3A_860 {strides = array<i32>} : memref<2x8x2048xf32, #tpu.memory_space<vmem>>, vector<1x1x16xf32>,
          %scan3A_861 = arith.constant 4 : i32
          %scan3A_862 = arith.addi %scan3A_775, %scan3A_861 : i32
          %mul3A_863 = arith.constant 16 : i32
          %mul3A_864 = arith.muli %scan3A_862, %mul3A_863 : i32
          %get3A_865 = arith.constant 1 : i32
          %get3A_866 = arith.index_cast %get3A_865 : i32 to index
          %get3A_867 = arith.index_cast %scan3A_763 : i32 to index
          %get3A_868 = arith.index_cast %mul3A_864 : i32 to index
          %get3A_869 = tpu.vector_load %arg7[%get3A_866, %get3A_867, %get3A_868] {strides = array<i32>} : memref<2x8x2048xf32, #tpu.memory_space<vmem>>, vector<1x1x16xf32>,
          %get3A_870 = vector.shape_cast %get3A_869 : vector<1x1x16xf32> to vector<16xf32>
          %add3A_871 = arith.addi %sub3A_768, %mul3A_864 : i32
          %get3A_872 = arith.index_cast %add3A_871 : i32 to index
          %get3A_873 = tpu.vector_load %arg6[%get3A_872] {strides = array<i32>} : memref<3072xf32, #tpu.memory_space<vmem>>, vector<16xf32>,
          %get3A_874 = vector.shape_cast %get3A_873 : vector<16xf32> to vector<16xf32>
          %add3A_875 = arith.addf %get3A_870, %get3A_874 : vector<16xf32>
          %swap3A_876 = arith.constant 1 : i32
          %swap3A_877 = arith.index_cast %swap3A_876 : i32 to index
          %swap3A_878 = arith.index_cast %scan3A_763 : i32 to index
          %swap3A_879 = arith.index_cast %mul3A_864 : i32 to index
          %swap3A_880 = tpu.vector_load %arg8[%swap3A_877, %swap3A_878, %swap3A_879] {strides = array<i32>} : memref<2x8x2048xf32, #tpu.memory_space<vmem>>, vector<1x1x16xf32>,
          %swap3A_881 = vector.shape_cast %swap3A_880 : vector<1x1x16xf32> to vector<16xf32>
          %swap3A_882 = vector.shape_cast %add3A_875 : vector<16xf32> to vector<1x1x16xf32>
          tpu.vector_store %arg8[%swap3A_877, %swap3A_878, %swap3A_879], %swap3A_882 {strides = array<i32>} : memref<2x8x2048xf32, #tpu.memory_space<vmem>>, vector<1x1x16xf32>,
          %scan3A_883 = arith.constant 5 : i32
          %scan3A_884 = arith.addi %scan3A_775, %scan3A_883 : i32
          %mul3A_885 = arith.constant 16 : i32
          %mul3A_886 = arith.muli %scan3A_884, %mul3A_885 : i32
          %get3A_887 = arith.constant 1 : i32
          %get3A_888 = arith.index_cast %get3A_887 : i32 to index
          %get3A_889 = arith.index_cast %scan3A_763 : i32 to index
          %get3A_890 = arith.index_cast %mul3A_886 : i32 to index
          %get3A_891 = tpu.vector_load %arg7[%get3A_888, %get3A_889, %get3A_890] {strides = array<i32>} : memref<2x8x2048xf32, #tpu.memory_space<vmem>>, vector<1x1x16xf32>,
          %get3A_892 = vector.shape_cast %get3A_891 : vector<1x1x16xf32> to vector<16xf32>
          %add3A_893 = arith.addi %sub3A_768, %mul3A_886 : i32
          %get3A_894 = arith.index_cast %add3A_893 : i32 to index
          %get3A_895 = tpu.vector_load %arg6[%get3A_894] {strides = array<i32>} : memref<3072xf32, #tpu.memory_space<vmem>>, vector<16xf32>,
          %get3A_896 = vector.shape_cast %get3A_895 : vector<16xf32> to vector<16xf32>
          %add3A_897 = arith.addf %get3A_892, %get3A_896 : vector<16xf32>
          %swap3A_898 = arith.constant 1 : i32
          %swap3A_899 = arith.index_cast %swap3A_898 : i32 to index
          %swap3A_900 = arith.index_cast %scan3A_763 : i32 to index
          %swap3A_901 = arith.index_cast %mul3A_886 : i32 to index
          %swap3A_902 = tpu.vector_load %arg8[%swap3A_899, %swap3A_900, %swap3A_901] {strides = array<i32>} : memref<2x8x2048xf32, #tpu.memory_space<vmem>>, vector<1x1x16xf32>,
          %swap3A_903 = vector.shape_cast %swap3A_902 : vector<1x1x16xf32> to vector<16xf32>
          %swap3A_904 = vector.shape_cast %add3A_897 : vector<16xf32> to vector<1x1x16xf32>
          tpu.vector_store %arg8[%swap3A_899, %swap3A_900, %swap3A_901], %swap3A_904 {strides = array<i32>} : memref<2x8x2048xf32, #tpu.memory_space<vmem>>, vector<1x1x16xf32>,
          %scan3A_905 = arith.constant 6 : i32
          %scan3A_906 = arith.addi %scan3A_775, %scan3A_905 : i32
          %mul3A_907 = arith.constant 16 : i32
          %mul3A_908 = arith.muli %scan3A_906, %mul3A_907 : i32
          %get3A_909 = arith.constant 1 : i32
          %get3A_910 = arith.index_cast %get3A_909 : i32 to index
          %get3A_911 = arith.index_cast %scan3A_763 : i32 to index
          %get3A_912 = arith.index_cast %mul3A_908 : i32 to index
          %get3A_913 = tpu.vector_load %arg7[%get3A_910, %get3A_911, %get3A_912] {strides = array<i32>} : memref<2x8x2048xf32, #tpu.memory_space<vmem>>, vector<1x1x16xf32>,
          %get3A_914 = vector.shape_cast %get3A_913 : vector<1x1x16xf32> to vector<16xf32>
          %add3A_915 = arith.addi %sub3A_768, %mul3A_908 : i32
          %get3A_916 = arith.index_cast %add3A_915 : i32 to index
          %get3A_917 = tpu.vector_load %arg6[%get3A_916] {strides = array<i32>} : memref<3072xf32, #tpu.memory_space<vmem>>, vector<16xf32>,
          %get3A_918 = vector.shape_cast %get3A_917 : vector<16xf32> to vector<16xf32>
          %add3A_919 = arith.addf %get3A_914, %get3A_918 : vector<16xf32>
          %swap3A_920 = arith.constant 1 : i32
          %swap3A_921 = arith.index_cast %swap3A_920 : i32 to index
          %swap3A_922 = arith.index_cast %scan3A_763 : i32 to index
          %swap3A_923 = arith.index_cast %mul3A_908 : i32 to index
          %swap3A_924 = tpu.vector_load %arg8[%swap3A_921, %swap3A_922, %swap3A_923] {strides = array<i32>} : memref<2x8x2048xf32, #tpu.memory_space<vmem>>, vector<1x1x16xf32>,
          %swap3A_925 = vector.shape_cast %swap3A_924 : vector<1x1x16xf32> to vector<16xf32>
          %swap3A_926 = vector.shape_cast %add3A_919 : vector<16xf32> to vector<1x1x16xf32>
          tpu.vector_store %arg8[%swap3A_921, %swap3A_922, %swap3A_923], %swap3A_926 {strides = array<i32>} : memref<2x8x2048xf32, #tpu.memory_space<vmem>>, vector<1x1x16xf32>,
          %scan3A_927 = arith.constant 7 : i32
          %scan3A_928 = arith.addi %scan3A_775, %scan3A_927 : i32
          %mul3A_929 = arith.constant 16 : i32
          %mul3A_930 = arith.muli %scan3A_928, %mul3A_929 : i32
          %get3A_931 = arith.constant 1 : i32
          %get3A_932 = arith.index_cast %get3A_931 : i32 to index
          %get3A_933 = arith.index_cast %scan3A_763 : i32 to index
          %get3A_934 = arith.index_cast %mul3A_930 : i32 to index
          %get3A_935 = tpu.vector_load %arg7[%get3A_932, %get3A_933, %get3A_934] {strides = array<i32>} : memref<2x8x2048xf32, #tpu.memory_space<vmem>>, vector<1x1x16xf32>,
          %get3A_936 = vector.shape_cast %get3A_935 : vector<1x1x16xf32> to vector<16xf32>
          %add3A_937 = arith.addi %sub3A_768, %mul3A_930 : i32
          %get3A_938 = arith.index_cast %add3A_937 : i32 to index
          %get3A_939 = tpu.vector_load %arg6[%get3A_938] {strides = array<i32>} : memref<3072xf32, #tpu.memory_space<vmem>>, vector<16xf32>,
          %get3A_940 = vector.shape_cast %get3A_939 : vector<16xf32> to vector<16xf32>
          %add3A_941 = arith.addf %get3A_936, %get3A_940 : vector<16xf32>
          %swap3A_942 = arith.constant 1 : i32
          %swap3A_943 = arith.index_cast %swap3A_942 : i32 to index
          %swap3A_944 = arith.index_cast %scan3A_763 : i32 to index
          %swap3A_945 = arith.index_cast %mul3A_930 : i32 to index
          %swap3A_946 = tpu.vector_load %arg8[%swap3A_943, %swap3A_944, %swap3A_945] {strides = array<i32>} : memref<2x8x2048xf32, #tpu.memory_space<vmem>>, vector<1x1x16xf32>,
          %swap3A_947 = vector.shape_cast %swap3A_946 : vector<1x1x16xf32> to vector<16xf32>
          %swap3A_948 = vector.shape_cast %add3A_941 : vector<16xf32> to vector<1x1x16xf32>
          tpu.vector_store %arg8[%swap3A_943, %swap3A_944, %swap3A_945], %swap3A_948 {strides = array<i32>} : memref<2x8x2048xf32, #tpu.memory_space<vmem>>, vector<1x1x16xf32>,
        }
        %scan3A_774 = arith.constant 128 : i32
      }
      %scan3A_722 = arith.constant 8 : i32
      %mul3A_723 = arith.constant 8 : i32
      %mul3A_724 = arith.muli %add3A_676, %mul3A_723 : i32
      %add3A_725 = arith.addi %mul3A_34, %mul3A_724 : i32
      %dma_start3A_726 = arith.constant 1 : i32
      %dma_start3A_727 = arith.constant 1 : i32
      %dma_start3A_728 = arith.constant 0 : i32
      %dma_start3A_729 = arith.constant 0 : i32
      %dma_start3A_730 = tpu.memref_slice %arg8[%dma_start3A_726, %dma_start3A_728, %dma_start3A_729] : memref<2x8x2048xf32, #tpu.memory_space<vmem>> -> memref<1x8x2048xf32, #tpu.memory_space<vmem>>
      %dma_start3A_731 = tpu.memref_squeeze %dma_start3A_730 : memref<1x8x2048xf32, #tpu.memory_space<vmem>> -> memref<8x2048xf32, #tpu.memory_space<vmem>>
      %dma_start3A_732 = arith.constant 0 : i32
      %dma_start3A_733 = tpu.memref_slice %arg4[%add3A_725, %dma_start3A_732] : memref<32768x2048xf32, #tpu.memory_space<hbm>> -> memref<8x2048xf32, #tpu.memory_space<hbm>>
      %dma_start3A_734 = tpu.memref_slice %arg10[%dma_start3A_727] : memref<2x!tpu.dma_semaphore, #tpu.memory_space<semaphore_mem>> -> memref<1x!tpu.dma_semaphore, #tpu.memory_space<semaphore_mem>>
      %dma_start3A_735 = tpu.memref_squeeze %dma_start3A_734 : memref<1x!tpu.dma_semaphore, #tpu.memory_space<semaphore_mem>> -> memref<!tpu.dma_semaphore, #tpu.memory_space<semaphore_mem>>
      %dma_start3A_736 = arith.constant 0 : i32
      %dma_start3A_737 = tpu.memref_slice %arg4[%add3A_725, %dma_start3A_736] : memref<32768x2048xf32, #tpu.memory_space<hbm>> -> memref<8x2048xf32, #tpu.memory_space<hbm>>
      %dma_start3A_738 = arith.constant 0 : i32
      %dma_start3A_739 = arith.constant 0 : i32
      %dma_start3A_740 = tpu.memref_slice %arg8[%dma_start3A_726, %dma_start3A_738, %dma_start3A_739] : memref<2x8x2048xf32, #tpu.memory_space<vmem>> -> memref<1x8x2048xf32, #tpu.memory_space<vmem>>
      %dma_start3A_741 = tpu.memref_squeeze %dma_start3A_740 : memref<1x8x2048xf32, #tpu.memory_space<vmem>> -> memref<8x2048xf32, #tpu.memory_space<vmem>>
      tpu.enqueue_dma source(%dma_start3A_741 : memref<8x2048xf32, #tpu.memory_space<vmem>>) target(%dma_start3A_737 : memref<8x2048xf32, #tpu.memory_space<hbm>>) target_semaphore(%dma_start3A_735 : memref<!tpu.dma_semaphore, #tpu.memory_space<semaphore_mem>>)
      %add3A_742 = arith.constant 2 : i32
      %add3A_743 = arith.addi %add3A_676, %add3A_742 : i32
      %mul3A_744 = arith.constant 8 : i32
      %mul3A_745 = arith.muli %add3A_743, %mul3A_744 : i32
      %add3A_746 = arith.addi %mul3A_34, %mul3A_745 : i32
      %dma_start3A_747 = arith.constant 1 : i32
      %dma_start3A_748 = arith.constant 1 : i32
      %dma_start3A_749 = arith.constant 0 : i32
      %dma_start3A_750 = arith.constant 0 : i32
      %dma_start3A_751 = tpu.memref_slice %arg7[%dma_start3A_747, %dma_start3A_749, %dma_start3A_750] : memref<2x8x2048xf32, #tpu.memory_space<vmem>> -> memref<1x8x2048xf32, #tpu.memory_space<vmem>>
      %dma_start3A_752 = tpu.memref_squeeze %dma_start3A_751 : memref<1x8x2048xf32, #tpu.memory_space<vmem>> -> memref<8x2048xf32, #tpu.memory_space<vmem>>
      %dma_start3A_753 = arith.constant 0 : i32
      %dma_start3A_754 = tpu.memref_slice %arg2[%add3A_746, %dma_start3A_753] : memref<32768x2048xf32, #tpu.memory_space<hbm>> -> memref<8x2048xf32, #tpu.memory_space<hbm>>
      %dma_start3A_755 = tpu.memref_slice %arg9[%dma_start3A_748] : memref<2x!tpu.dma_semaphore, #tpu.memory_space<semaphore_mem>> -> memref<1x!tpu.dma_semaphore, #tpu.memory_space<semaphore_mem>>
      %dma_start3A_756 = tpu.memref_squeeze %dma_start3A_755 : memref<1x!tpu.dma_semaphore, #tpu.memory_space<semaphore_mem>> -> memref<!tpu.dma_semaphore, #tpu.memory_space<semaphore_mem>>
      %dma_start3A_757 = arith.constant 0 : i32
      %dma_start3A_758 = arith.constant 0 : i32
      %dma_start3A_759 = tpu.memref_slice %arg7[%dma_start3A_747, %dma_start3A_757, %dma_start3A_758] : memref<2x8x2048xf32, #tpu.memory_space<vmem>> -> memref<1x8x2048xf32, #tpu.memory_space<vmem>>
      %dma_start3A_760 = tpu.memref_squeeze %dma_start3A_759 : memref<1x8x2048xf32, #tpu.memory_space<vmem>> -> memref<8x2048xf32, #tpu.memory_space<vmem>>
      %dma_start3A_761 = arith.constant 0 : i32
      %dma_start3A_762 = tpu.memref_slice %arg2[%add3A_746, %dma_start3A_761] : memref<32768x2048xf32, #tpu.memory_space<hbm>> -> memref<8x2048xf32, #tpu.memory_space<hbm>>
      tpu.enqueue_dma source(%dma_start3A_762 : memref<8x2048xf32, #tpu.memory_space<hbm>>) target(%dma_start3A_760 : memref<8x2048xf32, #tpu.memory_space<vmem>>) target_semaphore(%dma_start3A_756 : memref<!tpu.dma_semaphore, #tpu.memory_space<semaphore_mem>>)
    }
    %scan3A_425 = arith.constant 62 : i32
    %add3A_426 = arith.constant 1008 : i32
    %add3A_427 = arith.addi %mul3A_34, %add3A_426 : i32
    %dma_wait3A_428 = arith.constant 0 : i32
    %dma_wait3A_429 = arith.constant 0 : i32
    %dma_wait3A_430 = arith.constant 0 : i32
    %dma_wait3A_431 = arith.constant 0 : i32
    %dma_wait3A_432 = tpu.memref_slice %arg7[%dma_wait3A_428, %dma_wait3A_430, %dma_wait3A_431] : memref<2x8x2048xf32, #tpu.memory_space<vmem>> -> memref<1x8x2048xf32, #tpu.memory_space<vmem>>
    %dma_wait3A_433 = tpu.memref_squeeze %dma_wait3A_432 : memref<1x8x2048xf32, #tpu.memory_space<vmem>> -> memref<8x2048xf32, #tpu.memory_space<vmem>>
    %dma_wait3A_434 = arith.constant 0 : i32
    %dma_wait3A_435 = tpu.memref_slice %arg2[%add3A_427, %dma_wait3A_434] : memref<32768x2048xf32, #tpu.memory_space<hbm>> -> memref<8x2048xf32, #tpu.memory_space<hbm>>
    %dma_wait3A_436 = tpu.memref_slice %arg9[%dma_wait3A_429] : memref<2x!tpu.dma_semaphore, #tpu.memory_space<semaphore_mem>> -> memref<1x!tpu.dma_semaphore, #tpu.memory_space<semaphore_mem>>
    %dma_wait3A_437 = tpu.memref_squeeze %dma_wait3A_436 : memref<1x!tpu.dma_semaphore, #tpu.memory_space<semaphore_mem>> -> memref<!tpu.dma_semaphore, #tpu.memory_space<semaphore_mem>>
    %dma_wait3A_438 = arith.constant 0 : i32
    %dma_wait3A_439 = arith.constant 0 : i32
    %dma_wait3A_440 = tpu.memref_slice %arg7[%dma_wait3A_428, %dma_wait3A_438, %dma_wait3A_439] : memref<2x8x2048xf32, #tpu.memory_space<vmem>> -> memref<1x8x2048xf32, #tpu.memory_space<vmem>>
    %dma_wait3A_441 = tpu.memref_squeeze %dma_wait3A_440 : memref<1x8x2048xf32, #tpu.memory_space<vmem>> -> memref<8x2048xf32, #tpu.memory_space<vmem>>
    %dma_wait3A_442 = arith.constant 0 : i32
    %dma_wait3A_443 = tpu.memref_slice %arg2[%add3A_427, %dma_wait3A_442] : memref<32768x2048xf32, #tpu.memory_space<hbm>> -> memref<8x2048xf32, #tpu.memory_space<hbm>>
    tpu.wait_dma2 semaphore(%dma_wait3A_437 : memref<!tpu.dma_semaphore, #tpu.memory_space<semaphore_mem>>) src(%dma_wait3A_443 : memref<8x2048xf32, #tpu.memory_space<hbm>>) dst(%dma_wait3A_441 : memref<8x2048xf32, #tpu.memory_space<vmem>>)
    %add3A_444 = arith.constant 992 : i32
    %add3A_445 = arith.addi %mul3A_34, %add3A_444 : i32
    %dma_wait3A_446 = arith.constant 0 : i32
    %dma_wait3A_447 = arith.constant 0 : i32
    %dma_wait3A_448 = arith.constant 0 : i32
    %dma_wait3A_449 = arith.constant 0 : i32
    %dma_wait3A_450 = tpu.memref_slice %arg8[%dma_wait3A_446, %dma_wait3A_448, %dma_wait3A_449] : memref<2x8x2048xf32, #tpu.memory_space<vmem>> -> memref<1x8x2048xf32, #tpu.memory_space<vmem>>
    %dma_wait3A_451 = tpu.memref_squeeze %dma_wait3A_450 : memref<1x8x2048xf32, #tpu.memory_space<vmem>> -> memref<8x2048xf32, #tpu.memory_space<vmem>>
    %dma_wait3A_452 = arith.constant 0 : i32
    %dma_wait3A_453 = tpu.memref_slice %arg4[%add3A_445, %dma_wait3A_452] : memref<32768x2048xf32, #tpu.memory_space<hbm>> -> memref<8x2048xf32, #tpu.memory_space<hbm>>
    %dma_wait3A_454 = tpu.memref_slice %arg10[%dma_wait3A_447] : memref<2x!tpu.dma_semaphore, #tpu.memory_space<semaphore_mem>> -> memref<1x!tpu.dma_semaphore, #tpu.memory_space<semaphore_mem>>
    %dma_wait3A_455 = tpu.memref_squeeze %dma_wait3A_454 : memref<1x!tpu.dma_semaphore, #tpu.memory_space<semaphore_mem>> -> memref<!tpu.dma_semaphore, #tpu.memory_space<semaphore_mem>>
    %dma_wait3A_456 = arith.constant 0 : i32
    %dma_wait3A_457 = tpu.memref_slice %arg4[%add3A_445, %dma_wait3A_456] : memref<32768x2048xf32, #tpu.memory_space<hbm>> -> memref<8x2048xf32, #tpu.memory_space<hbm>>
    %dma_wait3A_458 = arith.constant 0 : i32
    %dma_wait3A_459 = arith.constant 0 : i32
    %dma_wait3A_460 = tpu.memref_slice %arg8[%dma_wait3A_446, %dma_wait3A_458, %dma_wait3A_459] : memref<2x8x2048xf32, #tpu.memory_space<vmem>> -> memref<1x8x2048xf32, #tpu.memory_space<vmem>>
    %dma_wait3A_461 = tpu.memref_squeeze %dma_wait3A_460 : memref<1x8x2048xf32, #tpu.memory_space<vmem>> -> memref<8x2048xf32, #tpu.memory_space<vmem>>
    tpu.wait_dma2 semaphore(%dma_wait3A_455 : memref<!tpu.dma_semaphore, #tpu.memory_space<semaphore_mem>>) src(%dma_wait3A_461 : memref<8x2048xf32, #tpu.memory_space<vmem>>) dst(%dma_wait3A_457 : memref<8x2048xf32, #tpu.memory_space<hbm>>)
    %scan3A_462 = arith.constant 0 : i32
    %scan3A_463 = arith.constant 0 : i32
    %scan3A_464 = arith.constant 8 : i32
    %scan3A_465 = arith.addi %scan3A_463, %scan3A_464 : i32
    %scan3A_466 = arith.constant 1 : i32
    scf.for %scan3A_582 = %scan3A_463 to %scan3A_465 step %scan3A_466  : i32 {
      %add3A_583 = arith.constant 1008 : i32
      %add3A_584 = arith.addi %add3A_583, %scan3A_582 : i32
      %sub3A_585 = arith.constant 1023 : i32
      %sub3A_586 = arith.subi %sub3A_585, %add3A_584 : i32
      %scan3A_587 = arith.constant 0 : i32
      %scan3A_588 = arith.constant 0 : i32
      %scan3A_589 = arith.constant 128 : i32
      %scan3A_590 = arith.addi %scan3A_588, %scan3A_589 : i32
      %scan3A_591 = arith.constant 8 : i32
      scf.for %scan3A_593 = %scan3A_588 to %scan3A_590 step %scan3A_591  : i32 {
        %mul3A_594 = arith.constant 16 : i32
        %mul3A_595 = arith.muli %scan3A_593, %mul3A_594 : i32
        %get3A_596 = arith.constant 0 : i32
        %get3A_597 = arith.index_cast %get3A_596 : i32 to index
        %get3A_598 = arith.index_cast %scan3A_582 : i32 to index
        %get3A_599 = arith.index_cast %mul3A_595 : i32 to index
        %get3A_600 = tpu.vector_load %arg7[%get3A_597, %get3A_598, %get3A_599] {strides = array<i32>} : memref<2x8x2048xf32, #tpu.memory_space<vmem>>, vector<1x1x16xf32>,
        %get3A_601 = vector.shape_cast %get3A_600 : vector<1x1x16xf32> to vector<16xf32>
        %add3A_602 = arith.addi %sub3A_586, %mul3A_595 : i32
        %get3A_603 = arith.index_cast %add3A_602 : i32 to index
        %get3A_604 = tpu.vector_load %arg6[%get3A_603] {strides = array<i32>} : memref<3072xf32, #tpu.memory_space<vmem>>, vector<16xf32>,
        %get3A_605 = vector.shape_cast %get3A_604 : vector<16xf32> to vector<16xf32>
        %add3A_606 = arith.addf %get3A_601, %get3A_605 : vector<16xf32>
        %swap3A = arith.constant 0 : i32
        %swap3A_607 = arith.index_cast %swap3A : i32 to index
        %swap3A_608 = arith.index_cast %scan3A_582 : i32 to index
        %swap3A_609 = arith.index_cast %mul3A_595 : i32 to index
        %swap3A_610 = tpu.vector_load %arg8[%swap3A_607, %swap3A_608, %swap3A_609] {strides = array<i32>} : memref<2x8x2048xf32, #tpu.memory_space<vmem>>, vector<1x1x16xf32>,
        %swap3A_611 = vector.shape_cast %swap3A_610 : vector<1x1x16xf32> to vector<16xf32>
        %swap3A_612 = vector.shape_cast %add3A_606 : vector<16xf32> to vector<1x1x16xf32>
        tpu.vector_store %arg8[%swap3A_607, %swap3A_608, %swap3A_609], %swap3A_612 {strides = array<i32>} : memref<2x8x2048xf32, #tpu.memory_space<vmem>>, vector<1x1x16xf32>,
        %scan3A_613 = arith.constant 1 : i32
        %scan3A_614 = arith.addi %scan3A_593, %scan3A_613 : i32
        %mul3A_615 = arith.constant 16 : i32
        %mul3A_616 = arith.muli %scan3A_614, %mul3A_615 : i32
        %get3A_617 = arith.constant 0 : i32
        %get3A_618 = arith.index_cast %get3A_617 : i32 to index
        %get3A_619 = arith.index_cast %scan3A_582 : i32 to index
        %get3A_620 = arith.index_cast %mul3A_616 : i32 to index
        %get3A_621 = tpu.vector_load %arg7[%get3A_618, %get3A_619, %get3A_620] {strides = array<i32>} : memref<2x8x2048xf32, #tpu.memory_space<vmem>>, vector<1x1x16xf32>,
        %get3A_622 = vector.shape_cast %get3A_621 : vector<1x1x16xf32> to vector<16xf32>
        %add3A_623 = arith.addi %sub3A_586, %mul3A_616 : i32
        %get3A_624 = arith.index_cast %add3A_623 : i32 to index
        %get3A_625 = tpu.vector_load %arg6[%get3A_624] {strides = array<i32>} : memref<3072xf32, #tpu.memory_space<vmem>>, vector<16xf32>,
        %get3A_626 = vector.shape_cast %get3A_625 : vector<16xf32> to vector<16xf32>
        %add3A_627 = arith.addf %get3A_622, %get3A_626 : vector<16xf32>
        %swap3A_628 = arith.constant 0 : i32
        %swap3A_629 = arith.index_cast %swap3A_628 : i32 to index
        %swap3A_630 = arith.index_cast %scan3A_582 : i32 to index
        %swap3A_631 = arith.index_cast %mul3A_616 : i32 to index
        %swap3A_632 = tpu.vector_load %arg8[%swap3A_629, %swap3A_630, %swap3A_631] {strides = array<i32>} : memref<2x8x2048xf32, #tpu.memory_space<vmem>>, vector<1x1x16xf32>,
        %swap3A_633 = vector.shape_cast %swap3A_632 : vector<1x1x16xf32> to vector<16xf32>
        %swap3A_634 = vector.shape_cast %add3A_627 : vector<16xf32> to vector<1x1x16xf32>
        tpu.vector_store %arg8[%swap3A_629, %swap3A_630, %swap3A_631], %swap3A_634 {strides = array<i32>} : memref<2x8x2048xf32, #tpu.memory_space<vmem>>, vector<1x1x16xf32>,
        %scan3A_635 = arith.constant 2 : i32
        %scan3A_636 = arith.addi %scan3A_593, %scan3A_635 : i32
        %mul3A_637 = arith.constant 16 : i32
        %mul3A_638 = arith.muli %scan3A_636, %mul3A_637 : i32
        %get3A_639 = arith.constant 0 : i32
        %get3A_640 = arith.index_cast %get3A_639 : i32 to index
        %get3A_641 = arith.index_cast %scan3A_582 : i32 to index
        %get3A_642 = arith.index_cast %mul3A_638 : i32 to index
        %get3A_643 = tpu.vector_load %arg7[%get3A_640, %get3A_641, %get3A_642] {strides = array<i32>} : memref<2x8x2048xf32, #tpu.memory_space<vmem>>, vector<1x1x16xf32>,
        %get3A_644 = vector.shape_cast %get3A_643 : vector<1x1x16xf32> to vector<16xf32>
        %add3A_645 = arith.addi %sub3A_586, %mul3A_638 : i32
        %get3A_646 = arith.index_cast %add3A_645 : i32 to index
        %get3A_647 = tpu.vector_load %arg6[%get3A_646] {strides = array<i32>} : memref<3072xf32, #tpu.memory_space<vmem>>, vector<16xf32>,
        %get3A_648 = vector.shape_cast %get3A_647 : vector<16xf32> to vector<16xf32>
        %add3A_649 = arith.addf %get3A_644, %get3A_648 : vector<16xf32>
        %swap3A_650 = arith.constant 0 : i32
        %swap3A_651 = arith.index_cast %swap3A_650 : i32 to index
        %swap3A_652 = arith.index_cast %scan3A_582 : i32 to index
        %swap3A_653 = arith.index_cast %mul3A_638 : i32 to index
        %swap3A_654 = tpu.vector_load %arg8[%swap3A_651, %swap3A_652, %swap3A_653] {strides = array<i32>} : memref<2x8x2048xf32, #tpu.memory_space<vmem>>, vector<1x1x16xf32>,
        %swap3A_655 = vector.shape_cast %swap3A_654 : vector<1x1x16xf32> to vector<16xf32>
        %swap3A_656 = vector.shape_cast %add3A_649 : vector<16xf32> to vector<1x1x16xf32>
        tpu.vector_store %arg8[%swap3A_651, %swap3A_652, %swap3A_653], %swap3A_656 {strides = array<i32>} : memref<2x8x2048xf32, #tpu.memory_space<vmem>>, vector<1x1x16xf32>,
        %scan3A_657 = arith.constant 3 : i32
        %scan3A_658 = arith.addi %scan3A_593, %scan3A_657 : i32
        %mul3A_659 = arith.constant 16 : i32
        %mul3A_660 = arith.muli %scan3A_658, %mul3A_659 : i32
        %get3A_661 = arith.constant 0 : i32
        %get3A_662 = arith.index_cast %get3A_661 : i32 to index
        %get3A_663 = arith.index_cast %scan3A_582 : i32 to index
        %get3A_664 = arith.index_cast %mul3A_660 : i32 to index
        %get3A_665 = tpu.vector_load %arg7[%get3A_662, %get3A_663, %get3A_664] {strides = array<i32>} : memref<2x8x2048xf32, #tpu.memory_space<vmem>>, vector<1x1x16xf32>,
        %get3A_666 = vector.shape_cast %get3A_665 : vector<1x1x16xf32> to vector<16xf32>
        %add3A_667 = arith.addi %sub3A_586, %mul3A_660 : i32
        %get3A_668 = arith.index_cast %add3A_667 : i32 to index
        %get3A_669 = tpu.vector_load %arg6[%get3A_668] {strides = array<i32>} : memref<3072xf32, #tpu.memory_space<vmem>>, vector<16xf32>,
        %get3A_670 = vector.shape_cast %get3A_669 : vector<16xf32> to vector<16xf32>
        %add3A_671 = arith.addf %get3A_666, %get3A_670 : vector<16xf32>
        %swap3A_672 = arith.constant 0 : i32
        %swap3A_673 = arith.index_cast %swap3A_672 : i32 to index
        %swap3A_674 = arith.index_cast %scan3A_582 : i32 to index
        %swap3A_675 = arith.index_cast %mul3A_660 : i32 to index
        %swap3A_676 = tpu.vector_load %arg8[%swap3A_673, %swap3A_674, %swap3A_675] {strides = array<i32>} : memref<2x8x2048xf32, #tpu.memory_space<vmem>>, vector<1x1x16xf32>,
        %swap3A_677 = vector.shape_cast %swap3A_676 : vector<1x1x16xf32> to vector<16xf32>
        %swap3A_678 = vector.shape_cast %add3A_671 : vector<16xf32> to vector<1x1x16xf32>
        tpu.vector_store %arg8[%swap3A_673, %swap3A_674, %swap3A_675], %swap3A_678 {strides = array<i32>} : memref<2x8x2048xf32, #tpu.memory_space<vmem>>, vector<1x1x16xf32>,
        %scan3A_679 = arith.constant 4 : i32
        %scan3A_680 = arith.addi %scan3A_593, %scan3A_679 : i32
        %mul3A_681 = arith.constant 16 : i32
        %mul3A_682 = arith.muli %scan3A_680, %mul3A_681 : i32
        %get3A_683 = arith.constant 0 : i32
        %get3A_684 = arith.index_cast %get3A_683 : i32 to index
        %get3A_685 = arith.index_cast %scan3A_582 : i32 to index
        %get3A_686 = arith.index_cast %mul3A_682 : i32 to index
        %get3A_687 = tpu.vector_load %arg7[%get3A_684, %get3A_685, %get3A_686] {strides = array<i32>} : memref<2x8x2048xf32, #tpu.memory_space<vmem>>, vector<1x1x16xf32>,
        %get3A_688 = vector.shape_cast %get3A_687 : vector<1x1x16xf32> to vector<16xf32>
        %add3A_689 = arith.addi %sub3A_586, %mul3A_682 : i32
        %get3A_690 = arith.index_cast %add3A_689 : i32 to index
        %get3A_691 = tpu.vector_load %arg6[%get3A_690] {strides = array<i32>} : memref<3072xf32, #tpu.memory_space<vmem>>, vector<16xf32>,
        %get3A_692 = vector.shape_cast %get3A_691 : vector<16xf32> to vector<16xf32>
        %add3A_693 = arith.addf %get3A_688, %get3A_692 : vector<16xf32>
        %swap3A_694 = arith.constant 0 : i32
        %swap3A_695 = arith.index_cast %swap3A_694 : i32 to index
        %swap3A_696 = arith.index_cast %scan3A_582 : i32 to index
        %swap3A_697 = arith.index_cast %mul3A_682 : i32 to index
        %swap3A_698 = tpu.vector_load %arg8[%swap3A_695, %swap3A_696, %swap3A_697] {strides = array<i32>} : memref<2x8x2048xf32, #tpu.memory_space<vmem>>, vector<1x1x16xf32>,
        %swap3A_699 = vector.shape_cast %swap3A_698 : vector<1x1x16xf32> to vector<16xf32>
        %swap3A_700 = vector.shape_cast %add3A_693 : vector<16xf32> to vector<1x1x16xf32>
        tpu.vector_store %arg8[%swap3A_695, %swap3A_696, %swap3A_697], %swap3A_700 {strides = array<i32>} : memref<2x8x2048xf32, #tpu.memory_space<vmem>>, vector<1x1x16xf32>,
        %scan3A_701 = arith.constant 5 : i32
        %scan3A_702 = arith.addi %scan3A_593, %scan3A_701 : i32
        %mul3A_703 = arith.constant 16 : i32
        %mul3A_704 = arith.muli %scan3A_702, %mul3A_703 : i32
        %get3A_705 = arith.constant 0 : i32
        %get3A_706 = arith.index_cast %get3A_705 : i32 to index
        %get3A_707 = arith.index_cast %scan3A_582 : i32 to index
        %get3A_708 = arith.index_cast %mul3A_704 : i32 to index
        %get3A_709 = tpu.vector_load %arg7[%get3A_706, %get3A_707, %get3A_708] {strides = array<i32>} : memref<2x8x2048xf32, #tpu.memory_space<vmem>>, vector<1x1x16xf32>,
        %get3A_710 = vector.shape_cast %get3A_709 : vector<1x1x16xf32> to vector<16xf32>
        %add3A_711 = arith.addi %sub3A_586, %mul3A_704 : i32
        %get3A_712 = arith.index_cast %add3A_711 : i32 to index
        %get3A_713 = tpu.vector_load %arg6[%get3A_712] {strides = array<i32>} : memref<3072xf32, #tpu.memory_space<vmem>>, vector<16xf32>,
        %get3A_714 = vector.shape_cast %get3A_713 : vector<16xf32> to vector<16xf32>
        %add3A_715 = arith.addf %get3A_710, %get3A_714 : vector<16xf32>
        %swap3A_716 = arith.constant 0 : i32
        %swap3A_717 = arith.index_cast %swap3A_716 : i32 to index
        %swap3A_718 = arith.index_cast %scan3A_582 : i32 to index
        %swap3A_719 = arith.index_cast %mul3A_704 : i32 to index
        %swap3A_720 = tpu.vector_load %arg8[%swap3A_717, %swap3A_718, %swap3A_719] {strides = array<i32>} : memref<2x8x2048xf32, #tpu.memory_space<vmem>>, vector<1x1x16xf32>,
        %swap3A_721 = vector.shape_cast %swap3A_720 : vector<1x1x16xf32> to vector<16xf32>
        %swap3A_722 = vector.shape_cast %add3A_715 : vector<16xf32> to vector<1x1x16xf32>
        tpu.vector_store %arg8[%swap3A_717, %swap3A_718, %swap3A_719], %swap3A_722 {strides = array<i32>} : memref<2x8x2048xf32, #tpu.memory_space<vmem>>, vector<1x1x16xf32>,
        %scan3A_723 = arith.constant 6 : i32
        %scan3A_724 = arith.addi %scan3A_593, %scan3A_723 : i32
        %mul3A_725 = arith.constant 16 : i32
        %mul3A_726 = arith.muli %scan3A_724, %mul3A_725 : i32
        %get3A_727 = arith.constant 0 : i32
        %get3A_728 = arith.index_cast %get3A_727 : i32 to index
        %get3A_729 = arith.index_cast %scan3A_582 : i32 to index
        %get3A_730 = arith.index_cast %mul3A_726 : i32 to index
        %get3A_731 = tpu.vector_load %arg7[%get3A_728, %get3A_729, %get3A_730] {strides = array<i32>} : memref<2x8x2048xf32, #tpu.memory_space<vmem>>, vector<1x1x16xf32>,
        %get3A_732 = vector.shape_cast %get3A_731 : vector<1x1x16xf32> to vector<16xf32>
        %add3A_733 = arith.addi %sub3A_586, %mul3A_726 : i32
        %get3A_734 = arith.index_cast %add3A_733 : i32 to index
        %get3A_735 = tpu.vector_load %arg6[%get3A_734] {strides = array<i32>} : memref<3072xf32, #tpu.memory_space<vmem>>, vector<16xf32>,
        %get3A_736 = vector.shape_cast %get3A_735 : vector<16xf32> to vector<16xf32>
        %add3A_737 = arith.addf %get3A_732, %get3A_736 : vector<16xf32>
        %swap3A_738 = arith.constant 0 : i32
        %swap3A_739 = arith.index_cast %swap3A_738 : i32 to index
        %swap3A_740 = arith.index_cast %scan3A_582 : i32 to index
        %swap3A_741 = arith.index_cast %mul3A_726 : i32 to index
        %swap3A_742 = tpu.vector_load %arg8[%swap3A_739, %swap3A_740, %swap3A_741] {strides = array<i32>} : memref<2x8x2048xf32, #tpu.memory_space<vmem>>, vector<1x1x16xf32>,
        %swap3A_743 = vector.shape_cast %swap3A_742 : vector<1x1x16xf32> to vector<16xf32>
        %swap3A_744 = vector.shape_cast %add3A_737 : vector<16xf32> to vector<1x1x16xf32>
        tpu.vector_store %arg8[%swap3A_739, %swap3A_740, %swap3A_741], %swap3A_744 {strides = array<i32>} : memref<2x8x2048xf32, #tpu.memory_space<vmem>>, vector<1x1x16xf32>,
        %scan3A_745 = arith.constant 7 : i32
        %scan3A_746 = arith.addi %scan3A_593, %scan3A_745 : i32
        %mul3A_747 = arith.constant 16 : i32
        %mul3A_748 = arith.muli %scan3A_746, %mul3A_747 : i32
        %get3A_749 = arith.constant 0 : i32
        %get3A_750 = arith.index_cast %get3A_749 : i32 to index
        %get3A_751 = arith.index_cast %scan3A_582 : i32 to index
        %get3A_752 = arith.index_cast %mul3A_748 : i32 to index
        %get3A_753 = tpu.vector_load %arg7[%get3A_750, %get3A_751, %get3A_752] {strides = array<i32>} : memref<2x8x2048xf32, #tpu.memory_space<vmem>>, vector<1x1x16xf32>,
        %get3A_754 = vector.shape_cast %get3A_753 : vector<1x1x16xf32> to vector<16xf32>
        %add3A_755 = arith.addi %sub3A_586, %mul3A_748 : i32
        %get3A_756 = arith.index_cast %add3A_755 : i32 to index
        %get3A_757 = tpu.vector_load %arg6[%get3A_756] {strides = array<i32>} : memref<3072xf32, #tpu.memory_space<vmem>>, vector<16xf32>,
        %get3A_758 = vector.shape_cast %get3A_757 : vector<16xf32> to vector<16xf32>
        %add3A_759 = arith.addf %get3A_754, %get3A_758 : vector<16xf32>
        %swap3A_760 = arith.constant 0 : i32
        %swap3A_761 = arith.index_cast %swap3A_760 : i32 to index
        %swap3A_762 = arith.index_cast %scan3A_582 : i32 to index
        %swap3A_763 = arith.index_cast %mul3A_748 : i32 to index
        %swap3A_764 = tpu.vector_load %arg8[%swap3A_761, %swap3A_762, %swap3A_763] {strides = array<i32>} : memref<2x8x2048xf32, #tpu.memory_space<vmem>>, vector<1x1x16xf32>,
        %swap3A_765 = vector.shape_cast %swap3A_764 : vector<1x1x16xf32> to vector<16xf32>
        %swap3A_766 = vector.shape_cast %add3A_759 : vector<16xf32> to vector<1x1x16xf32>
        tpu.vector_store %arg8[%swap3A_761, %swap3A_762, %swap3A_763], %swap3A_766 {strides = array<i32>} : memref<2x8x2048xf32, #tpu.memory_space<vmem>>, vector<1x1x16xf32>,
      }
      %scan3A_592 = arith.constant 128 : i32
    }
    %scan3A_467 = arith.constant 8 : i32
    %add3A_468 = arith.constant 1008 : i32
    %add3A_469 = arith.addi %mul3A_34, %add3A_468 : i32
    %dma_start3A_470 = arith.constant 0 : i32
    %dma_start3A_471 = arith.constant 0 : i32
    %dma_start3A_472 = arith.constant 0 : i32
    %dma_start3A_473 = arith.constant 0 : i32
    %dma_start3A_474 = tpu.memref_slice %arg8[%dma_start3A_470, %dma_start3A_472, %dma_start3A_473] : memref<2x8x2048xf32, #tpu.memory_space<vmem>> -> memref<1x8x2048xf32, #tpu.memory_space<vmem>>
    %dma_start3A_475 = tpu.memref_squeeze %dma_start3A_474 : memref<1x8x2048xf32, #tpu.memory_space<vmem>> -> memref<8x2048xf32, #tpu.memory_space<vmem>>
    %dma_start3A_476 = arith.constant 0 : i32
    %dma_start3A_477 = tpu.memref_slice %arg4[%add3A_469, %dma_start3A_476] : memref<32768x2048xf32, #tpu.memory_space<hbm>> -> memref<8x2048xf32, #tpu.memory_space<hbm>>
    %dma_start3A_478 = tpu.memref_slice %arg10[%dma_start3A_471] : memref<2x!tpu.dma_semaphore, #tpu.memory_space<semaphore_mem>> -> memref<1x!tpu.dma_semaphore, #tpu.memory_space<semaphore_mem>>
    %dma_start3A_479 = tpu.memref_squeeze %dma_start3A_478 : memref<1x!tpu.dma_semaphore, #tpu.memory_space<semaphore_mem>> -> memref<!tpu.dma_semaphore, #tpu.memory_space<semaphore_mem>>
    %dma_start3A_480 = arith.constant 0 : i32
    %dma_start3A_481 = tpu.memref_slice %arg4[%add3A_469, %dma_start3A_480] : memref<32768x2048xf32, #tpu.memory_space<hbm>> -> memref<8x2048xf32, #tpu.memory_space<hbm>>
    %dma_start3A_482 = arith.constant 0 : i32
    %dma_start3A_483 = arith.constant 0 : i32
    %dma_start3A_484 = tpu.memref_slice %arg8[%dma_start3A_470, %dma_start3A_482, %dma_start3A_483] : memref<2x8x2048xf32, #tpu.memory_space<vmem>> -> memref<1x8x2048xf32, #tpu.memory_space<vmem>>
    %dma_start3A_485 = tpu.memref_squeeze %dma_start3A_484 : memref<1x8x2048xf32, #tpu.memory_space<vmem>> -> memref<8x2048xf32, #tpu.memory_space<vmem>>
    tpu.enqueue_dma source(%dma_start3A_485 : memref<8x2048xf32, #tpu.memory_space<vmem>>) target(%dma_start3A_481 : memref<8x2048xf32, #tpu.memory_space<hbm>>) target_semaphore(%dma_start3A_479 : memref<!tpu.dma_semaphore, #tpu.memory_space<semaphore_mem>>)
    %add3A_486 = arith.constant 1016 : i32
    %add3A_487 = arith.addi %mul3A_34, %add3A_486 : i32
    %dma_wait3A_488 = arith.constant 1 : i32
    %dma_wait3A_489 = arith.constant 1 : i32
    %dma_wait3A_490 = arith.constant 0 : i32
    %dma_wait3A_491 = arith.constant 0 : i32
    %dma_wait3A_492 = tpu.memref_slice %arg7[%dma_wait3A_488, %dma_wait3A_490, %dma_wait3A_491] : memref<2x8x2048xf32, #tpu.memory_space<vmem>> -> memref<1x8x2048xf32, #tpu.memory_space<vmem>>
    %dma_wait3A_493 = tpu.memref_squeeze %dma_wait3A_492 : memref<1x8x2048xf32, #tpu.memory_space<vmem>> -> memref<8x2048xf32, #tpu.memory_space<vmem>>
    %dma_wait3A_494 = arith.constant 0 : i32
    %dma_wait3A_495 = tpu.memref_slice %arg2[%add3A_487, %dma_wait3A_494] : memref<32768x2048xf32, #tpu.memory_space<hbm>> -> memref<8x2048xf32, #tpu.memory_space<hbm>>
    %dma_wait3A_496 = tpu.memref_slice %arg9[%dma_wait3A_489] : memref<2x!tpu.dma_semaphore, #tpu.memory_space<semaphore_mem>> -> memref<1x!tpu.dma_semaphore, #tpu.memory_space<semaphore_mem>>
    %dma_wait3A_497 = tpu.memref_squeeze %dma_wait3A_496 : memref<1x!tpu.dma_semaphore, #tpu.memory_space<semaphore_mem>> -> memref<!tpu.dma_semaphore, #tpu.memory_space<semaphore_mem>>
    %dma_wait3A_498 = arith.constant 0 : i32
    %dma_wait3A_499 = arith.constant 0 : i32
    %dma_wait3A_500 = tpu.memref_slice %arg7[%dma_wait3A_488, %dma_wait3A_498, %dma_wait3A_499] : memref<2x8x2048xf32, #tpu.memory_space<vmem>> -> memref<1x8x2048xf32, #tpu.memory_space<vmem>>
    %dma_wait3A_501 = tpu.memref_squeeze %dma_wait3A_500 : memref<1x8x2048xf32, #tpu.memory_space<vmem>> -> memref<8x2048xf32, #tpu.memory_space<vmem>>
    %dma_wait3A_502 = arith.constant 0 : i32
    %dma_wait3A_503 = tpu.memref_slice %arg2[%add3A_487, %dma_wait3A_502] : memref<32768x2048xf32, #tpu.memory_space<hbm>> -> memref<8x2048xf32, #tpu.memory_space<hbm>>
    tpu.wait_dma2 semaphore(%dma_wait3A_497 : memref<!tpu.dma_semaphore, #tpu.memory_space<semaphore_mem>>) src(%dma_wait3A_503 : memref<8x2048xf32, #tpu.memory_space<hbm>>) dst(%dma_wait3A_501 : memref<8x2048xf32, #tpu.memory_space<vmem>>)
    %add3A_504 = arith.constant 1000 : i32
    %add3A_505 = arith.addi %mul3A_34, %add3A_504 : i32
    %dma_wait3A_506 = arith.constant 1 : i32
    %dma_wait3A_507 = arith.constant 1 : i32
    %dma_wait3A_508 = arith.constant 0 : i32
    %dma_wait3A_509 = arith.constant 0 : i32
    %dma_wait3A_510 = tpu.memref_slice %arg8[%dma_wait3A_506, %dma_wait3A_508, %dma_wait3A_509] : memref<2x8x2048xf32, #tpu.memory_space<vmem>> -> memref<1x8x2048xf32, #tpu.memory_space<vmem>>
    %dma_wait3A_511 = tpu.memref_squeeze %dma_wait3A_510 : memref<1x8x2048xf32, #tpu.memory_space<vmem>> -> memref<8x2048xf32, #tpu.memory_space<vmem>>
    %dma_wait3A_512 = arith.constant 0 : i32
    %dma_wait3A_513 = tpu.memref_slice %arg4[%add3A_505, %dma_wait3A_512] : memref<32768x2048xf32, #tpu.memory_space<hbm>> -> memref<8x2048xf32, #tpu.memory_space<hbm>>
    %dma_wait3A_514 = tpu.memref_slice %arg10[%dma_wait3A_507] : memref<2x!tpu.dma_semaphore, #tpu.memory_space<semaphore_mem>> -> memref<1x!tpu.dma_semaphore, #tpu.memory_space<semaphore_mem>>
    %dma_wait3A_515 = tpu.memref_squeeze %dma_wait3A_514 : memref<1x!tpu.dma_semaphore, #tpu.memory_space<semaphore_mem>> -> memref<!tpu.dma_semaphore, #tpu.memory_space<semaphore_mem>>
    %dma_wait3A_516 = arith.constant 0 : i32
    %dma_wait3A_517 = tpu.memref_slice %arg4[%add3A_505, %dma_wait3A_516] : memref<32768x2048xf32, #tpu.memory_space<hbm>> -> memref<8x2048xf32, #tpu.memory_space<hbm>>
    %dma_wait3A_518 = arith.constant 0 : i32
    %dma_wait3A_519 = arith.constant 0 : i32
    %dma_wait3A_520 = tpu.memref_slice %arg8[%dma_wait3A_506, %dma_wait3A_518, %dma_wait3A_519] : memref<2x8x2048xf32, #tpu.memory_space<vmem>> -> memref<1x8x2048xf32, #tpu.memory_space<vmem>>
    %dma_wait3A_521 = tpu.memref_squeeze %dma_wait3A_520 : memref<1x8x2048xf32, #tpu.memory_space<vmem>> -> memref<8x2048xf32, #tpu.memory_space<vmem>>
    tpu.wait_dma2 semaphore(%dma_wait3A_515 : memref<!tpu.dma_semaphore, #tpu.memory_space<semaphore_mem>>) src(%dma_wait3A_521 : memref<8x2048xf32, #tpu.memory_space<vmem>>) dst(%dma_wait3A_517 : memref<8x2048xf32, #tpu.memory_space<hbm>>)
    %scan3A_522 = arith.constant 0 : i32
    %scan3A_523 = arith.constant 0 : i32
    %scan3A_524 = arith.constant 8 : i32
    %scan3A_525 = arith.addi %scan3A_523, %scan3A_524 : i32
    %scan3A_526 = arith.constant 1 : i32
    scf.for %scan3A_582 = %scan3A_523 to %scan3A_525 step %scan3A_526  : i32 {
      %add3A_583 = arith.constant 1016 : i32
      %add3A_584 = arith.addi %add3A_583, %scan3A_582 : i32
      %sub3A_585 = arith.constant 1023 : i32
      %sub3A_586 = arith.subi %sub3A_585, %add3A_584 : i32
      %scan3A_587 = arith.constant 0 : i32
      %scan3A_588 = arith.constant 0 : i32
      %scan3A_589 = arith.constant 128 : i32
      %scan3A_590 = arith.addi %scan3A_588, %scan3A_589 : i32
      %scan3A_591 = arith.constant 8 : i32
      scf.for %scan3A_593 = %scan3A_588 to %scan3A_590 step %scan3A_591  : i32 {
        %mul3A_594 = arith.constant 16 : i32
        %mul3A_595 = arith.muli %scan3A_593, %mul3A_594 : i32
        %get3A_596 = arith.constant 1 : i32
        %get3A_597 = arith.index_cast %get3A_596 : i32 to index
        %get3A_598 = arith.index_cast %scan3A_582 : i32 to index
        %get3A_599 = arith.index_cast %mul3A_595 : i32 to index
        %get3A_600 = tpu.vector_load %arg7[%get3A_597, %get3A_598, %get3A_599] {strides = array<i32>} : memref<2x8x2048xf32, #tpu.memory_space<vmem>>, vector<1x1x16xf32>,
        %get3A_601 = vector.shape_cast %get3A_600 : vector<1x1x16xf32> to vector<16xf32>
        %add3A_602 = arith.addi %sub3A_586, %mul3A_595 : i32
        %get3A_603 = arith.index_cast %add3A_602 : i32 to index
        %get3A_604 = tpu.vector_load %arg6[%get3A_603] {strides = array<i32>} : memref<3072xf32, #tpu.memory_space<vmem>>, vector<16xf32>,
        %get3A_605 = vector.shape_cast %get3A_604 : vector<16xf32> to vector<16xf32>
        %add3A_606 = arith.addf %get3A_601, %get3A_605 : vector<16xf32>
        %swap3A = arith.constant 1 : i32
        %swap3A_607 = arith.index_cast %swap3A : i32 to index
        %swap3A_608 = arith.index_cast %scan3A_582 : i32 to index
        %swap3A_609 = arith.index_cast %mul3A_595 : i32 to index
        %swap3A_610 = tpu.vector_load %arg8[%swap3A_607, %swap3A_608, %swap3A_609] {strides = array<i32>} : memref<2x8x2048xf32, #tpu.memory_space<vmem>>, vector<1x1x16xf32>,
        %swap3A_611 = vector.shape_cast %swap3A_610 : vector<1x1x16xf32> to vector<16xf32>
        %swap3A_612 = vector.shape_cast %add3A_606 : vector<16xf32> to vector<1x1x16xf32>
        tpu.vector_store %arg8[%swap3A_607, %swap3A_608, %swap3A_609], %swap3A_612 {strides = array<i32>} : memref<2x8x2048xf32, #tpu.memory_space<vmem>>, vector<1x1x16xf32>,
        %scan3A_613 = arith.constant 1 : i32
        %scan3A_614 = arith.addi %scan3A_593, %scan3A_613 : i32
        %mul3A_615 = arith.constant 16 : i32
        %mul3A_616 = arith.muli %scan3A_614, %mul3A_615 : i32
        %get3A_617 = arith.constant 1 : i32
        %get3A_618 = arith.index_cast %get3A_617 : i32 to index
        %get3A_619 = arith.index_cast %scan3A_582 : i32 to index
        %get3A_620 = arith.index_cast %mul3A_616 : i32 to index
        %get3A_621 = tpu.vector_load %arg7[%get3A_618, %get3A_619, %get3A_620] {strides = array<i32>} : memref<2x8x2048xf32, #tpu.memory_space<vmem>>, vector<1x1x16xf32>,
        %get3A_622 = vector.shape_cast %get3A_621 : vector<1x1x16xf32> to vector<16xf32>
        %add3A_623 = arith.addi %sub3A_586, %mul3A_616 : i32
        %get3A_624 = arith.index_cast %add3A_623 : i32 to index
        %get3A_625 = tpu.vector_load %arg6[%get3A_624] {strides = array<i32>} : memref<3072xf32, #tpu.memory_space<vmem>>, vector<16xf32>,
        %get3A_626 = vector.shape_cast %get3A_625 : vector<16xf32> to vector<16xf32>
        %add3A_627 = arith.addf %get3A_622, %get3A_626 : vector<16xf32>
        %swap3A_628 = arith.constant 1 : i32
        %swap3A_629 = arith.index_cast %swap3A_628 : i32 to index
        %swap3A_630 = arith.index_cast %scan3A_582 : i32 to index
        %swap3A_631 = arith.index_cast %mul3A_616 : i32 to index
        %swap3A_632 = tpu.vector_load %arg8[%swap3A_629, %swap3A_630, %swap3A_631] {strides = array<i32>} : memref<2x8x2048xf32, #tpu.memory_space<vmem>>, vector<1x1x16xf32>,
        %swap3A_633 = vector.shape_cast %swap3A_632 : vector<1x1x16xf32> to vector<16xf32>
        %swap3A_634 = vector.shape_cast %add3A_627 : vector<16xf32> to vector<1x1x16xf32>
        tpu.vector_store %arg8[%swap3A_629, %swap3A_630, %swap3A_631], %swap3A_634 {strides = array<i32>} : memref<2x8x2048xf32, #tpu.memory_space<vmem>>, vector<1x1x16xf32>,
        %scan3A_635 = arith.constant 2 : i32
        %scan3A_636 = arith.addi %scan3A_593, %scan3A_635 : i32
        %mul3A_637 = arith.constant 16 : i32
        %mul3A_638 = arith.muli %scan3A_636, %mul3A_637 : i32
        %get3A_639 = arith.constant 1 : i32
        %get3A_640 = arith.index_cast %get3A_639 : i32 to index
        %get3A_641 = arith.index_cast %scan3A_582 : i32 to index
        %get3A_642 = arith.index_cast %mul3A_638 : i32 to index
        %get3A_643 = tpu.vector_load %arg7[%get3A_640, %get3A_641, %get3A_642] {strides = array<i32>} : memref<2x8x2048xf32, #tpu.memory_space<vmem>>, vector<1x1x16xf32>,
        %get3A_644 = vector.shape_cast %get3A_643 : vector<1x1x16xf32> to vector<16xf32>
        %add3A_645 = arith.addi %sub3A_586, %mul3A_638 : i32
        %get3A_646 = arith.index_cast %add3A_645 : i32 to index
        %get3A_647 = tpu.vector_load %arg6[%get3A_646] {strides = array<i32>} : memref<3072xf32, #tpu.memory_space<vmem>>, vector<16xf32>,
        %get3A_648 = vector.shape_cast %get3A_647 : vector<16xf32> to vector<16xf32>
        %add3A_649 = arith.addf %get3A_644, %get3A_648 : vector<16xf32>
        %swap3A_650 = arith.constant 1 : i32
        %swap3A_651 = arith.index_cast %swap3A_650 : i32 to index
        %swap3A_652 = arith.index_cast %scan3A_582 : i32 to index
        %swap3A_653 = arith.index_cast %mul3A_638 : i32 to index
        %swap3A_654 = tpu.vector_load %arg8[%swap3A_651, %swap3A_652, %swap3A_653] {strides = array<i32>} : memref<2x8x2048xf32, #tpu.memory_space<vmem>>, vector<1x1x16xf32>,
        %swap3A_655 = vector.shape_cast %swap3A_654 : vector<1x1x16xf32> to vector<16xf32>
        %swap3A_656 = vector.shape_cast %add3A_649 : vector<16xf32> to vector<1x1x16xf32>
        tpu.vector_store %arg8[%swap3A_651, %swap3A_652, %swap3A_653], %swap3A_656 {strides = array<i32>} : memref<2x8x2048xf32, #tpu.memory_space<vmem>>, vector<1x1x16xf32>,
        %scan3A_657 = arith.constant 3 : i32
        %scan3A_658 = arith.addi %scan3A_593, %scan3A_657 : i32
        %mul3A_659 = arith.constant 16 : i32
        %mul3A_660 = arith.muli %scan3A_658, %mul3A_659 : i32
        %get3A_661 = arith.constant 1 : i32
        %get3A_662 = arith.index_cast %get3A_661 : i32 to index
        %get3A_663 = arith.index_cast %scan3A_582 : i32 to index
        %get3A_664 = arith.index_cast %mul3A_660 : i32 to index
        %get3A_665 = tpu.vector_load %arg7[%get3A_662, %get3A_663, %get3A_664] {strides = array<i32>} : memref<2x8x2048xf32, #tpu.memory_space<vmem>>, vector<1x1x16xf32>,
        %get3A_666 = vector.shape_cast %get3A_665 : vector<1x1x16xf32> to vector<16xf32>
        %add3A_667 = arith.addi %sub3A_586, %mul3A_660 : i32
        %get3A_668 = arith.index_cast %add3A_667 : i32 to index
        %get3A_669 = tpu.vector_load %arg6[%get3A_668] {strides = array<i32>} : memref<3072xf32, #tpu.memory_space<vmem>>, vector<16xf32>,
        %get3A_670 = vector.shape_cast %get3A_669 : vector<16xf32> to vector<16xf32>
        %add3A_671 = arith.addf %get3A_666, %get3A_670 : vector<16xf32>
        %swap3A_672 = arith.constant 1 : i32
        %swap3A_673 = arith.index_cast %swap3A_672 : i32 to index
        %swap3A_674 = arith.index_cast %scan3A_582 : i32 to index
        %swap3A_675 = arith.index_cast %mul3A_660 : i32 to index
        %swap3A_676 = tpu.vector_load %arg8[%swap3A_673, %swap3A_674, %swap3A_675] {strides = array<i32>} : memref<2x8x2048xf32, #tpu.memory_space<vmem>>, vector<1x1x16xf32>,
        %swap3A_677 = vector.shape_cast %swap3A_676 : vector<1x1x16xf32> to vector<16xf32>
        %swap3A_678 = vector.shape_cast %add3A_671 : vector<16xf32> to vector<1x1x16xf32>
        tpu.vector_store %arg8[%swap3A_673, %swap3A_674, %swap3A_675], %swap3A_678 {strides = array<i32>} : memref<2x8x2048xf32, #tpu.memory_space<vmem>>, vector<1x1x16xf32>,
        %scan3A_679 = arith.constant 4 : i32
        %scan3A_680 = arith.addi %scan3A_593, %scan3A_679 : i32
        %mul3A_681 = arith.constant 16 : i32
        %mul3A_682 = arith.muli %scan3A_680, %mul3A_681 : i32
        %get3A_683 = arith.constant 1 : i32
        %get3A_684 = arith.index_cast %get3A_683 : i32 to index
        %get3A_685 = arith.index_cast %scan3A_582 : i32 to index
        %get3A_686 = arith.index_cast %mul3A_682 : i32 to index
        %get3A_687 = tpu.vector_load %arg7[%get3A_684, %get3A_685, %get3A_686] {strides = array<i32>} : memref<2x8x2048xf32, #tpu.memory_space<vmem>>, vector<1x1x16xf32>,
        %get3A_688 = vector.shape_cast %get3A_687 : vector<1x1x16xf32> to vector<16xf32>
        %add3A_689 = arith.addi %sub3A_586, %mul3A_682 : i32
        %get3A_690 = arith.index_cast %add3A_689 : i32 to index
        %get3A_691 = tpu.vector_load %arg6[%get3A_690] {strides = array<i32>} : memref<3072xf32, #tpu.memory_space<vmem>>, vector<16xf32>,
        %get3A_692 = vector.shape_cast %get3A_691 : vector<16xf32> to vector<16xf32>
        %add3A_693 = arith.addf %get3A_688, %get3A_692 : vector<16xf32>
        %swap3A_694 = arith.constant 1 : i32
        %swap3A_695 = arith.index_cast %swap3A_694 : i32 to index
        %swap3A_696 = arith.index_cast %scan3A_582 : i32 to index
        %swap3A_697 = arith.index_cast %mul3A_682 : i32 to index
        %swap3A_698 = tpu.vector_load %arg8[%swap3A_695, %swap3A_696, %swap3A_697] {strides = array<i32>} : memref<2x8x2048xf32, #tpu.memory_space<vmem>>, vector<1x1x16xf32>,
        %swap3A_699 = vector.shape_cast %swap3A_698 : vector<1x1x16xf32> to vector<16xf32>
        %swap3A_700 = vector.shape_cast %add3A_693 : vector<16xf32> to vector<1x1x16xf32>
        tpu.vector_store %arg8[%swap3A_695, %swap3A_696, %swap3A_697], %swap3A_700 {strides = array<i32>} : memref<2x8x2048xf32, #tpu.memory_space<vmem>>, vector<1x1x16xf32>,
        %scan3A_701 = arith.constant 5 : i32
        %scan3A_702 = arith.addi %scan3A_593, %scan3A_701 : i32
        %mul3A_703 = arith.constant 16 : i32
        %mul3A_704 = arith.muli %scan3A_702, %mul3A_703 : i32
        %get3A_705 = arith.constant 1 : i32
        %get3A_706 = arith.index_cast %get3A_705 : i32 to index
        %get3A_707 = arith.index_cast %scan3A_582 : i32 to index
        %get3A_708 = arith.index_cast %mul3A_704 : i32 to index
        %get3A_709 = tpu.vector_load %arg7[%get3A_706, %get3A_707, %get3A_708] {strides = array<i32>} : memref<2x8x2048xf32, #tpu.memory_space<vmem>>, vector<1x1x16xf32>,
        %get3A_710 = vector.shape_cast %get3A_709 : vector<1x1x16xf32> to vector<16xf32>
        %add3A_711 = arith.addi %sub3A_586, %mul3A_704 : i32
        %get3A_712 = arith.index_cast %add3A_711 : i32 to index
        %get3A_713 = tpu.vector_load %arg6[%get3A_712] {strides = array<i32>} : memref<3072xf32, #tpu.memory_space<vmem>>, vector<16xf32>,
        %get3A_714 = vector.shape_cast %get3A_713 : vector<16xf32> to vector<16xf32>
        %add3A_715 = arith.addf %get3A_710, %get3A_714 : vector<16xf32>
        %swap3A_716 = arith.constant 1 : i32
        %swap3A_717 = arith.index_cast %swap3A_716 : i32 to index
        %swap3A_718 = arith.index_cast %scan3A_582 : i32 to index
        %swap3A_719 = arith.index_cast %mul3A_704 : i32 to index
        %swap3A_720 = tpu.vector_load %arg8[%swap3A_717, %swap3A_718, %swap3A_719] {strides = array<i32>} : memref<2x8x2048xf32, #tpu.memory_space<vmem>>, vector<1x1x16xf32>,
        %swap3A_721 = vector.shape_cast %swap3A_720 : vector<1x1x16xf32> to vector<16xf32>
        %swap3A_722 = vector.shape_cast %add3A_715 : vector<16xf32> to vector<1x1x16xf32>
        tpu.vector_store %arg8[%swap3A_717, %swap3A_718, %swap3A_719], %swap3A_722 {strides = array<i32>} : memref<2x8x2048xf32, #tpu.memory_space<vmem>>, vector<1x1x16xf32>,
        %scan3A_723 = arith.constant 6 : i32
        %scan3A_724 = arith.addi %scan3A_593, %scan3A_723 : i32
        %mul3A_725 = arith.constant 16 : i32
        %mul3A_726 = arith.muli %scan3A_724, %mul3A_725 : i32
        %get3A_727 = arith.constant 1 : i32
        %get3A_728 = arith.index_cast %get3A_727 : i32 to index
        %get3A_729 = arith.index_cast %scan3A_582 : i32 to index
        %get3A_730 = arith.index_cast %mul3A_726 : i32 to index
        %get3A_731 = tpu.vector_load %arg7[%get3A_728, %get3A_729, %get3A_730] {strides = array<i32>} : memref<2x8x2048xf32, #tpu.memory_space<vmem>>, vector<1x1x16xf32>,
        %get3A_732 = vector.shape_cast %get3A_731 : vector<1x1x16xf32> to vector<16xf32>
        %add3A_733 = arith.addi %sub3A_586, %mul3A_726 : i32
        %get3A_734 = arith.index_cast %add3A_733 : i32 to index
        %get3A_735 = tpu.vector_load %arg6[%get3A_734] {strides = array<i32>} : memref<3072xf32, #tpu.memory_space<vmem>>, vector<16xf32>,
        %get3A_736 = vector.shape_cast %get3A_735 : vector<16xf32> to vector<16xf32>
        %add3A_737 = arith.addf %get3A_732, %get3A_736 : vector<16xf32>
        %swap3A_738 = arith.constant 1 : i32
        %swap3A_739 = arith.index_cast %swap3A_738 : i32 to index
        %swap3A_740 = arith.index_cast %scan3A_582 : i32 to index
        %swap3A_741 = arith.index_cast %mul3A_726 : i32 to index
        %swap3A_742 = tpu.vector_load %arg8[%swap3A_739, %swap3A_740, %swap3A_741] {strides = array<i32>} : memref<2x8x2048xf32, #tpu.memory_space<vmem>>, vector<1x1x16xf32>,
        %swap3A_743 = vector.shape_cast %swap3A_742 : vector<1x1x16xf32> to vector<16xf32>
        %swap3A_744 = vector.shape_cast %add3A_737 : vector<16xf32> to vector<1x1x16xf32>
        tpu.vector_store %arg8[%swap3A_739, %swap3A_740, %swap3A_741], %swap3A_744 {strides = array<i32>} : memref<2x8x2048xf32, #tpu.memory_space<vmem>>, vector<1x1x16xf32>,
        %scan3A_745 = arith.constant 7 : i32
        %scan3A_746 = arith.addi %scan3A_593, %scan3A_745 : i32
        %mul3A_747 = arith.constant 16 : i32
        %mul3A_748 = arith.muli %scan3A_746, %mul3A_747 : i32
        %get3A_749 = arith.constant 1 : i32
        %get3A_750 = arith.index_cast %get3A_749 : i32 to index
        %get3A_751 = arith.index_cast %scan3A_582 : i32 to index
        %get3A_752 = arith.index_cast %mul3A_748 : i32 to index
        %get3A_753 = tpu.vector_load %arg7[%get3A_750, %get3A_751, %get3A_752] {strides = array<i32>} : memref<2x8x2048xf32, #tpu.memory_space<vmem>>, vector<1x1x16xf32>,
        %get3A_754 = vector.shape_cast %get3A_753 : vector<1x1x16xf32> to vector<16xf32>
        %add3A_755 = arith.addi %sub3A_586, %mul3A_748 : i32
        %get3A_756 = arith.index_cast %add3A_755 : i32 to index
        %get3A_757 = tpu.vector_load %arg6[%get3A_756] {strides = array<i32>} : memref<3072xf32, #tpu.memory_space<vmem>>, vector<16xf32>,
        %get3A_758 = vector.shape_cast %get3A_757 : vector<16xf32> to vector<16xf32>
        %add3A_759 = arith.addf %get3A_754, %get3A_758 : vector<16xf32>
        %swap3A_760 = arith.constant 1 : i32
        %swap3A_761 = arith.index_cast %swap3A_760 : i32 to index
        %swap3A_762 = arith.index_cast %scan3A_582 : i32 to index
        %swap3A_763 = arith.index_cast %mul3A_748 : i32 to index
        %swap3A_764 = tpu.vector_load %arg8[%swap3A_761, %swap3A_762, %swap3A_763] {strides = array<i32>} : memref<2x8x2048xf32, #tpu.memory_space<vmem>>, vector<1x1x16xf32>,
        %swap3A_765 = vector.shape_cast %swap3A_764 : vector<1x1x16xf32> to vector<16xf32>
        %swap3A_766 = vector.shape_cast %add3A_759 : vector<16xf32> to vector<1x1x16xf32>
        tpu.vector_store %arg8[%swap3A_761, %swap3A_762, %swap3A_763], %swap3A_766 {strides = array<i32>} : memref<2x8x2048xf32, #tpu.memory_space<vmem>>, vector<1x1x16xf32>,
      }
      %scan3A_592 = arith.constant 128 : i32
    }
    %scan3A_527 = arith.constant 8 : i32
    %add3A_528 = arith.constant 1016 : i32
    %add3A_529 = arith.addi %mul3A_34, %add3A_528 : i32
    %dma_start3A_530 = arith.constant 1 : i32
    %dma_start3A_531 = arith.constant 1 : i32
    %dma_start3A_532 = arith.constant 0 : i32
    %dma_start3A_533 = arith.constant 0 : i32
    %dma_start3A_534 = tpu.memref_slice %arg8[%dma_start3A_530, %dma_start3A_532, %dma_start3A_533] : memref<2x8x2048xf32, #tpu.memory_space<vmem>> -> memref<1x8x2048xf32, #tpu.memory_space<vmem>>
    %dma_start3A_535 = tpu.memref_squeeze %dma_start3A_534 : memref<1x8x2048xf32, #tpu.memory_space<vmem>> -> memref<8x2048xf32, #tpu.memory_space<vmem>>
    %dma_start3A_536 = arith.constant 0 : i32
    %dma_start3A_537 = tpu.memref_slice %arg4[%add3A_529, %dma_start3A_536] : memref<32768x2048xf32, #tpu.memory_space<hbm>> -> memref<8x2048xf32, #tpu.memory_space<hbm>>
    %dma_start3A_538 = tpu.memref_slice %arg10[%dma_start3A_531] : memref<2x!tpu.dma_semaphore, #tpu.memory_space<semaphore_mem>> -> memref<1x!tpu.dma_semaphore, #tpu.memory_space<semaphore_mem>>
    %dma_start3A_539 = tpu.memref_squeeze %dma_start3A_538 : memref<1x!tpu.dma_semaphore, #tpu.memory_space<semaphore_mem>> -> memref<!tpu.dma_semaphore, #tpu.memory_space<semaphore_mem>>
    %dma_start3A_540 = arith.constant 0 : i32
    %dma_start3A_541 = tpu.memref_slice %arg4[%add3A_529, %dma_start3A_540] : memref<32768x2048xf32, #tpu.memory_space<hbm>> -> memref<8x2048xf32, #tpu.memory_space<hbm>>
    %dma_start3A_542 = arith.constant 0 : i32
    %dma_start3A_543 = arith.constant 0 : i32
    %dma_start3A_544 = tpu.memref_slice %arg8[%dma_start3A_530, %dma_start3A_542, %dma_start3A_543] : memref<2x8x2048xf32, #tpu.memory_space<vmem>> -> memref<1x8x2048xf32, #tpu.memory_space<vmem>>
    %dma_start3A_545 = tpu.memref_squeeze %dma_start3A_544 : memref<1x8x2048xf32, #tpu.memory_space<vmem>> -> memref<8x2048xf32, #tpu.memory_space<vmem>>
    tpu.enqueue_dma source(%dma_start3A_545 : memref<8x2048xf32, #tpu.memory_space<vmem>>) target(%dma_start3A_541 : memref<8x2048xf32, #tpu.memory_space<hbm>>) target_semaphore(%dma_start3A_539 : memref<!tpu.dma_semaphore, #tpu.memory_space<semaphore_mem>>)
    %add3A_546 = arith.constant 1008 : i32
    %add3A_547 = arith.addi %mul3A_34, %add3A_546 : i32
    %dma_wait3A_548 = arith.constant 0 : i32
    %dma_wait3A_549 = arith.constant 0 : i32
    %dma_wait3A_550 = arith.constant 0 : i32
    %dma_wait3A_551 = arith.constant 0 : i32
    %dma_wait3A_552 = tpu.memref_slice %arg8[%dma_wait3A_548, %dma_wait3A_550, %dma_wait3A_551] : memref<2x8x2048xf32, #tpu.memory_space<vmem>> -> memref<1x8x2048xf32, #tpu.memory_space<vmem>>
    %dma_wait3A_553 = tpu.memref_squeeze %dma_wait3A_552 : memref<1x8x2048xf32, #tpu.memory_space<vmem>> -> memref<8x2048xf32, #tpu.memory_space<vmem>>
    %dma_wait3A_554 = arith.constant 0 : i32
    %dma_wait3A_555 = tpu.memref_slice %arg4[%add3A_547, %dma_wait3A_554] : memref<32768x2048xf32, #tpu.memory_space<hbm>> -> memref<8x2048xf32, #tpu.memory_space<hbm>>
    %dma_wait3A_556 = tpu.memref_slice %arg10[%dma_wait3A_549] : memref<2x!tpu.dma_semaphore, #tpu.memory_space<semaphore_mem>> -> memref<1x!tpu.dma_semaphore, #tpu.memory_space<semaphore_mem>>
    %dma_wait3A_557 = tpu.memref_squeeze %dma_wait3A_556 : memref<1x!tpu.dma_semaphore, #tpu.memory_space<semaphore_mem>> -> memref<!tpu.dma_semaphore, #tpu.memory_space<semaphore_mem>>
    %dma_wait3A_558 = arith.constant 0 : i32
    %dma_wait3A_559 = tpu.memref_slice %arg4[%add3A_547, %dma_wait3A_558] : memref<32768x2048xf32, #tpu.memory_space<hbm>> -> memref<8x2048xf32, #tpu.memory_space<hbm>>
    %dma_wait3A_560 = arith.constant 0 : i32
    %dma_wait3A_561 = arith.constant 0 : i32
    %dma_wait3A_562 = tpu.memref_slice %arg8[%dma_wait3A_548, %dma_wait3A_560, %dma_wait3A_561] : memref<2x8x2048xf32, #tpu.memory_space<vmem>> -> memref<1x8x2048xf32, #tpu.memory_space<vmem>>
    %dma_wait3A_563 = tpu.memref_squeeze %dma_wait3A_562 : memref<1x8x2048xf32, #tpu.memory_space<vmem>> -> memref<8x2048xf32, #tpu.memory_space<vmem>>
    tpu.wait_dma2 semaphore(%dma_wait3A_557 : memref<!tpu.dma_semaphore, #tpu.memory_space<semaphore_mem>>) src(%dma_wait3A_563 : memref<8x2048xf32, #tpu.memory_space<vmem>>) dst(%dma_wait3A_559 : memref<8x2048xf32, #tpu.memory_space<hbm>>)
    %add3A_564 = arith.constant 1016 : i32
    %add3A_565 = arith.addi %mul3A_34, %add3A_564 : i32
    %dma_wait3A_566 = arith.constant 1 : i32
    %dma_wait3A_567 = arith.constant 1 : i32
    %dma_wait3A_568 = arith.constant 0 : i32
    %dma_wait3A_569 = arith.constant 0 : i32
    %dma_wait3A_570 = tpu.memref_slice %arg8[%dma_wait3A_566, %dma_wait3A_568, %dma_wait3A_569] : memref<2x8x2048xf32, #tpu.memory_space<vmem>> -> memref<1x8x2048xf32, #tpu.memory_space<vmem>>
    %dma_wait3A_571 = tpu.memref_squeeze %dma_wait3A_570 : memref<1x8x2048xf32, #tpu.memory_space<vmem>> -> memref<8x2048xf32, #tpu.memory_space<vmem>>
    %dma_wait3A_572 = arith.constant 0 : i32
    %dma_wait3A_573 = tpu.memref_slice %arg4[%add3A_565, %dma_wait3A_572] : memref<32768x2048xf32, #tpu.memory_space<hbm>> -> memref<8x2048xf32, #tpu.memory_space<hbm>>
    %dma_wait3A_574 = tpu.memref_slice %arg10[%dma_wait3A_567] : memref<2x!tpu.dma_semaphore, #tpu.memory_space<semaphore_mem>> -> memref<1x!tpu.dma_semaphore, #tpu.memory_space<semaphore_mem>>
    %dma_wait3A_575 = tpu.memref_squeeze %dma_wait3A_574 : memref<1x!tpu.dma_semaphore, #tpu.memory_space<semaphore_mem>> -> memref<!tpu.dma_semaphore, #tpu.memory_space<semaphore_mem>>
    %dma_wait3A_576 = arith.constant 0 : i32
    %dma_wait3A_577 = tpu.memref_slice %arg4[%add3A_565, %dma_wait3A_576] : memref<32768x2048xf32, #tpu.memory_space<hbm>> -> memref<8x2048xf32, #tpu.memory_space<hbm>>
    %dma_wait3A_578 = arith.constant 0 : i32
    %dma_wait3A_579 = arith.constant 0 : i32
    %dma_wait3A_580 = tpu.memref_slice %arg8[%dma_wait3A_566, %dma_wait3A_578, %dma_wait3A_579] : memref<2x8x2048xf32, #tpu.memory_space<vmem>> -> memref<1x8x2048xf32, #tpu.memory_space<vmem>>
    %dma_wait3A_581 = tpu.memref_squeeze %dma_wait3A_580 : memref<1x8x2048xf32, #tpu.memory_space<vmem>> -> memref<8x2048xf32, #tpu.memory_space<vmem>>
    tpu.wait_dma2 semaphore(%dma_wait3A_575 : memref<!tpu.dma_semaphore, #tpu.memory_space<semaphore_mem>>) src(%dma_wait3A_581 : memref<8x2048xf32, #tpu.memory_space<vmem>>) dst(%dma_wait3A_577 : memref<8x2048xf32, #tpu.memory_space<hbm>>)
    return
  }
}

</mosaic_0001>

<sc_bundles>
// kernel: kernel.3.cloned.1.call-start
scs
__scs_entry_jumppad:
0x0: {  	(pc) =	sbr.rel $0x88, $3  }
0x1: {  	(tag) =	ssettag $0x0;
	lr =	simm.s32 $0x1  }
0x2: {  	[smem:$0x3F9F] =	sst lr;
	_ =	strace $0xD0000000  }
0x3: {  	_ = 	snop  }
0x4: {  	_ = 	snop  }
0x5: {  	_ = 	snop  }
0x6: {  	_ = 	snop  }
0x7: {  	_ = 	snop  }
__scs_overlays_trampoline_lowered:
0x8: {  	[smem:$0x3FAE] =	sst s0  }
0x9: {  	[smem:$0x3FAF] =	sst s1  }
0xa: {  	[smem:$0x3FB0] =	sst s2  }
0xb: {  	[smem:$0x3FB1] =	sst s3  }
0xc: {  	[smem:$0x3FB2] =	sst s4  }
0xd: {  	[smem:$0x3FB3] =	sst s5  }
0xe: {  	[smem:$0x3FB4] =	sst s6  }
0xf: {  	[smem:$0x3FB5] =	sst s7  }
0x10: {  	[smem:$0x3FB6] =	sst s8  }
0x11: {  	[smem:$0x3FB7] =	sst s9;
	s0 =	simm.s32 @!p0 $0x0  }
0x12: {  	s1 =	sld [smem:$0x3F9D];
	s0 =	simm.s32 @p0 $0x1  }
0x13: {  	[smem:$0x3FB8] =	sst s0;
	s0 =	simm.s32 @!p1 $0x0  }
0x14: {  	s2 =	sld [smem:$0x3F9C];
	s0 =	simm.s32 @p1 $0x1  }
0x15: {  	[smem:$0x3FB9] =	sst s0;
	s0 =	simm.s32 @!p2 $0x0  }
0x16: {  	s3 =	sld [smem:$0x3FDB];
	s0 =	simm.s32 @p2 $0x1  }
0x17: {  	s4 =	simm.s32 $0x1BF5;
	[smem:$0x3FBB] =	sst s0  }
0x18: {  	s0 =	sld [smem:$0x3F9E];
	_ =	swait.ge [sflag:s4], $0x0  }
0x19: {  	s7 =	sld [smem:$0x3F9F]  }
0x1a: {  	s8 =	sadd.s32 $0xFFFFE003, lr  }
0x1b: {  	s9 =	sadd.s32 $0xFFFFFEF7, lr;
	s5 =	simm.s32 $0xFFFFFFFF;
	p2 =	slt.u32 s8, $0xFFFFF086  }
0x1c: {  	p1 =	slt.u32 s9, $0xF7A;
	s5 =	simm.s32 @!p2 $0x0  }
0x1d: {  	s5 =	simm.s32 @p1 $0x1;
	p0 =	seq.s32 s7, s2  }
0x1e: {  	s7 =	smul.u32 @!p0 $0xF7A, s2;
	p2 =	seq.s32 @!p0 s5, $0x0  }
0x1f: {  	s9 =	smul.u32 $0xF7A, s1;
	s8 =	simm.s32 @!p0 $0x1BF5;
	p2 =	por !p2, p0  }
0x20: {  	[sflag:s8] =	ssyncset.s32 @!p0 $0xFFFFF086;
	s6 =	sadd.s32 @!p0 s3, s7;
	s7 =	simm.s32 @!p0 $0x108  }
0x21: {  	s3 =	sadd.s32 s3, s9;
	s6 =	sadd.s32 @!p0 $0x88, s6;
	s7 =	simm.s32 @p2 $0x1082  }
0x22: {  	[simem:s7], [sflag:s8] =	dma.local @!p0 [hbm:s6], $0xF7A  }
0x23: {  	s9 =	sor.u32 $0xD0000000, s2;
	s6 =	simm.s32 $0x108;
	_ =	swait.ge @!p0 [sflag:s8], $0x0  }
0x24: {  	s3 =	sadd.s32 $0x88, s3;
	s6 =	simm.s32 @!p1 $0x1082;
	[sflag:s4] =	ssyncset.s32 $0xFFFFF086  }
0x25: {  	[simem:s6], [sflag:s4] =	dma.local [hbm:s3], $0xF7A  }
0x26: {  	[smem:$0x3F9F] =	sst s1;
	(tag) =	ssettag s2;
	_ =	strace s9  }
0x27: {  	s1 =	sld [smem:$0x3FAF]  }
0x28: {  	s2 =	sld [smem:$0x3FB0]  }
0x29: {  	s4 =	sld [smem:$0x3FB2]  }
0x2a: {  	p0 =	seq.s32 s5, $0x0;
	s5 =	sld [smem:$0x3FB3]  }
0x2b: {  	s6 =	sld [smem:$0x3FB4]  }
0x2c: {  	s7 =	sld [smem:$0x3FB5]  }
0x2d: {  	s3 =	simm.s32 $0x108;
	s8 =	sld [smem:$0x3FB6]  }
0x2e: {  	s3 =	simm.s32 @!p0 $0x1082;
	s9 =	sld [smem:$0x3FB7]  }
0x2f: {  	lr =	sadd.s32 s0, s3;
	s0 =	sld [smem:$0x3FAE]  }
0x30: {  	s3 =	sld [smem:$0x3FB1]  }
0x31: {  	[smem:$0x3FBA] =	sst s10  }
0x32: {  	s10 =	sld [smem:$0x3FB8];
	_ =	sdelay $0x3  }
0x33: {  	p0 =	seq.s32 s10, $0x1;
	s10 =	sld [smem:$0x3FBA];
	_ =	sdelay $0x3  }
0x34: {  	[smem:$0x3FBA] =	sst s10  }
0x35: {  	s10 =	sld [smem:$0x3FB9];
	_ =	sdelay $0x3  }
0x36: {  	p1 =	seq.s32 s10, $0x1;
	s10 =	sld [smem:$0x3FBA];
	_ =	sdelay $0x3  }
0x37: {  	[smem:$0x3FBA] =	sst s10  }
0x38: {  	s10 =	sld [smem:$0x3FBB]  }
0x39: {  	_ = 	snop;
	(pc) =	sbr.ind lr, $3  }
0x3a: {  	_ = 	snop  }
0x3b: {  	_ = 	snop  }
0x3c: {  	p2 =	seq.s32 s10, $0x1;
	s10 =	sld [smem:$0x3FBA]  }
0x3d: {  	_ =	shalt  }
0x3e: {  	_ =	shalt  }
0x3f: {  	_ =	shalt  }
0x40: {  	_ =	shalt  }
0x41: {  	_ =	shalt  }
0x42: {  	_ =	shalt  }
0x43: {  	_ =	shalt  }
0x44: {  	_ =	shalt  }
0x45: {  	_ =	shalt  }
0x46: {  	_ =	shalt  }
0x47: {  	_ =	shalt  }
0x48: {  	_ =	shalt  }
0x49: {  	_ =	shalt  }
0x4a: {  	_ =	shalt  }
0x4b: {  	_ =	shalt  }
0x4c: {  	_ =	shalt  }
0x4d: {  	_ =	shalt  }
0x4e: {  	_ =	shalt  }
0x4f: {  	_ =	shalt  }
0x50: {  	_ =	shalt  }
0x51: {  	_ =	shalt  }
0x52: {  	_ =	shalt  }
0x53: {  	_ =	shalt  }
0x54: {  	_ =	shalt  }
0x55: {  	_ =	shalt  }
0x56: {  	_ =	shalt  }
0x57: {  	_ =	shalt  }
0x58: {  	_ =	shalt  }
0x59: {  	_ =	shalt  }
0x5a: {  	_ =	shalt  }
0x5b: {  	_ =	shalt  }
0x5c: {  	_ =	shalt  }
0x5d: {  	_ =	shalt  }
0x5e: {  	_ =	shalt  }
0x5f: {  	_ =	shalt  }
0x60: {  	_ =	shalt  }
0x61: {  	_ =	shalt  }
0x62: {  	_ =	shalt  }
0x63: {  	_ =	shalt  }
0x64: {  	_ =	shalt  }
0x65: {  	_ =	shalt  }
0x66: {  	_ =	shalt  }
0x67: {  	_ =	shalt  }
0x68: {  	_ =	shalt  }
0x69: {  	_ =	shalt  }
0x6a: {  	_ =	shalt  }
0x6b: {  	_ =	shalt  }
0x6c: {  	_ =	shalt  }
0x6d: {  	_ =	shalt  }
0x6e: {  	_ =	shalt  }
0x6f: {  	_ =	shalt  }
0x70: {  	_ =	shalt  }
0x71: {  	_ =	shalt  }
0x72: {  	_ =	shalt  }
0x73: {  	_ =	shalt  }
0x74: {  	_ =	shalt  }
0x75: {  	_ =	shalt  }
0x76: {  	_ =	shalt  }
0x77: {  	_ =	shalt  }
0x78: {  	_ =	shalt  }
0x79: {  	_ =	shalt  }
0x7a: {  	_ =	shalt  }
0x7b: {  	_ =	shalt  }
0x7c: {  	_ =	shalt  }
0x7d: {  	_ =	shalt  }
0x7e: {  	_ =	shalt  }
0x7f: {  	_ =	shalt  }
0x80: {  	_ =	shalt  }
0x81: {  	_ =	shalt  }
0x82: {  	_ =	shalt  }
0x83: {  	_ =	shalt  }
0x84: {  	_ =	shalt  }
0x85: {  	_ =	shalt  }
0x86: {  	_ =	shalt  }
0x87: {  	_ =	shalt  }
.Lfunc_end0:
.L_simem_size_0:
called_computation_lowered:
.L_overlay_start_0:
0x88: {  	s2 =	sld [smem:$0x3FD9]  }
0x89: {  	s3 =	sld [smem:$0x3FFE];
	_ =	sdelay $0x1  }
0x8a: {  	s1 =	srdreg.scid  }
0x8b: {  	s0 =	sand.u32 $0x1, s1  }
0x8c: {  	s17 =	sshll.u32 s0, $0xA;
	s2 =	sadd.s32 s3, s2  }
0x8d: {  	s2 =	sadd.s32 s2, s17  }
0x8e: {  	[smem:$0x3FC6] =	sst s2  }
0x8f: {  	_ = 	snop  }
0x90: {  	s2 =	sld [smem:$0x3FC9]  }
0x91: {  	s18 =	sld [smem:$0x3FD0];
	(tm) =	ssettm $0x1  }
0x92: {  	s4 =	sld [smem:$0x3FFB];
	_ =	sdelay $0x3  }
0x93: {  	_ =	strace s4  }
0x94: {  	s4 =	sld [smem:$0x3FFC];
	_ =	sdelay $0x3  }
0x95: {  	_ =	strace s4  }
0x96: {  	s4 =	sld [smem:$0x3FFD];
	_ =	sdelay $0x3  }
0x97: {  	_ =	strace s4  }
0x98: {  	_ =	strace $0x8FFFFFFF  }
0x99: {  	s19 =	sld [smem:$0x3FDB];
	_ =	sdelay $0x1  }
0x9a: {  	s5 =	simm.s32 $_scs_section_size  }
0x9b: {  	s6 =	simm.s32 $_size__tile_overlayer_lowered;
	s7 =	simm.s32 $_tile_overlayer_lowered  }
0x9c: {  	s22 =	simm.s32 $0x1BFF;
	s21 =	sshll.u32 s7, $0x1;
	s4 =	sadd.s32 s5, s19  }
0x9d: {  	s8 =	simm.s32 $0x0;
	s20 =	sshll.u32 s6, $0x1;
	s6 =	sadd.s32 s21, s4  }
0x9e: {  	[timem:s8], [sflag:s22] =	dma.local [hbm:s6], s20  }
0x9f: {  	_ =	swait.ge [sflag:s22], s20  }
0xa0: {  	s5 =	ssub.s32 $0x0, s20;
	[sflag:s22] =	ssyncset.done $0x0  }
0xa1: {  	[sflag:s22] =	ssyncadd.s32 s5;
	_ =	sdelay $0x1  }
0xa2: {  	s23 =	simm.s32 $0x1B8B  }
0xa3: {  	_ =	swait.ge [sflag:s23], $0x1  }
0xa4: {  	[sflag:s23] =	ssyncset.done $0x0  }
0xa5: {  	s25 =	simm.s32 $0x1B8E;
	s24 =	sld [smem:$0x3FFE];
	[sflag:s23] =	ssyncadd.s32 $0xFFFFFFFF  }
0xa6: {  	s26 =	simm.s32 $execute0_lowered;
	[smem:$0x3FD2] =	sst s25  }
0xa7: {  	s6 =	sshll.u32 s26, $0x1;
	_ =	strace $0x80000046;
	[dreg:$0x1] =	wrdreg $0xFFFFFFFF  }
0xa8: {  	s28 =	simm.s32 $_size_execute0_lowered;
	s4 =	sadd.s32 s4, s6;
	[dreg:$0x0] =	wrdreg $0x0  }
0xa9: {  	s6 =	sshll.u32 s28, $0x1;
	[dreg:$0x2] =	wrdreg s4  }
0xaa: {  	[dreg:$0x3] =	wrdreg s6  }
0xab: {  	[dreg:$0x4] =	wrdreg $0xC0  }
0xac: {  	_ =	task [dreg:s8], $0x5FFFF  }
0xad: {  	[dreg:$0x1] =	wrdreg $0xFFFFFFFF  }
0xae: {  	[dreg:$0x0] =	wrdreg $0x60  }
0xaf: {  	[dreg:$0x2] =	wrdreg s2  }
0xb0: {  	[dreg:$0x3] =	wrdreg s24  }
0xb1: {  	[dreg:$0x4] =	wrdreg s18  }
0xb2: {  	[dreg:$0x5] =	wrdreg $0x9  }
0xb3: {  	_ =	task.clear_ibuf [dreg:s8], $0x6FFFF;
	_ =	strace $0x90000046  }
0xb4: {  	s29 =	simm.s32 $0x9;
	_ =	strace $0x80000048  }
0xb5: {  	_ =	swait.ge [sflag:s29], $0x1  }
0xb6: {  	[sflag:s29] =	ssyncadd.s32 $0xFFFFFFFF  }
0xb7: {  	_ =	strace $0x90000048  }
0xb8: {  	_ =	sfence  }
0xb9: {  	s30 =	sld [smem:$0x0];
	_ =	sdelay $0x2  }
0xba: {  	s31 =	sshll.u32 s1, $0xD;
	s1 =	sshrl.u32 s1, $0x2  }
0xbb: {  	s3 =	sand.u32 $0x4000, s31;
	s1 =	sadd.s32 s1, s30  }
0xbc: {  	s0 =	sor.u32 s3, s0;
	s1 =	sshll.u32 s1, $0x11  }
0xbd: {  	s0 =	sor.u32 s1, s0  }
0xbe: {  	s0 =	sadd.s32 $0x8F2B, s0  }
0xbf: {  	[sflag:s0] =	ssyncadd.remote.s32 $0x1  }
0xc0: {  	_ =	sfence.sel $0xFFFF  }
0xc1: {  	[dreg:$0x0] =	wrdreg $0xFFFFFFFF;
	(pc) =	sbr.abs _section_cstart, $3  }
0xc2: {  	[dreg:$0x1] =	wrdreg $0xFFFFFFFF  }
0xc3: {  	_ =	task.clear_ibuf [dreg:s8], $0x2FFFF;
	_ =	strace $0x9FFFFFFF  }
0xc4: {  	(tm) =	ssettm $0x7FFFFFFF  }
0xc5: {  	_ =	shalt  }
tec
execute0_lowered:
.L_overlay_start_1:
0x0: {  	(tag) =	ssettag $0x1  }
0x1: {  	s1 =	rddreg [dreg:$0x0]  }
0x2: {  	s0 =	rddreg [dreg:$0x1]  }
0x3: {  	s2 =	srdreg.scid;
	s8 =	stileid.u32  }
0x4: {  	s3 =	rddreg [dreg:$0x2];
	s2 =	sand.u32 $0x1, s2;
	s5 =	sshll.u32 s8, $0x1  }
0x5: {  	s4 =	simm.s32 $0x0;
	s7 =	simm.s32 $0x1;
	s5 =	sor.u32 s2, s5  }
0x6: {  	[smem:$0x7FF] =	sst s4;
	p1 =	seq.s32 s2, $0x1;
	p0 =	seq.s32 s5, $0x0  }
0x7: {  	s0 =	sadd.s32 $0x400, s0;
	s6 =	ssub.s32 $0x2, s2;
	p0 =	por !p0, !p1  }
0x8: {  	_ =	strace $0x80000047;
	s21 =	sshrl.u32 s6, $0x1;
	p0 =	por !p0, !p0  }
0x9: {  	[dreg:$0x4] =	wrdreg s0;
	s0 =	ssub.s32 s6, s21;
	s7 =	simm.s32 @!p0 $0x0  }
0xa: {  	s28 =	simm.s32 $0x2;
	s0 =	smax.u32 s0, $0x1;
	s7 =	ssub.s32 s8, s7  }
0xb: {  	[dreg:$0xf] =	wrdreg s0;
	s8 =	sshll.u32 s5, $0xA;
	s9 =	sadd.s32 $0x80, s7  }
0xc: {  	s5 =	sshll.u32 s5, $0x12;
	s22 =	sadd.s32 $0x180, s7;
	[dreg:$0x5] =	wrdreg s9  }
0xd: {  	s29 =	simm.s32 $0xCE80;
	s10 =	sadd.s32 s1, s5;
	[dreg:$0x6] =	wrdreg s22  }
0xe: {  	s23 =	sor.u32 $0x800, s5;
	s5 =	sadd.s32 s3, s5;
	[dreg:$0x7] =	wrdreg s10  }
0xf: {  	s30 =	simm.s32 $0x3;
	s11 =	sadd.s32 s1, s23;
	[dreg:$0x9] =	wrdreg s5  }
0x10: {  	s31 =	simm.s32 $0x4;
	s24 =	sadd.s32 $0x1000, s10;
	[dreg:$0x8] =	wrdreg s11  }
0x11: {  	s2 =	sshll.u32 s2, $0xA;
	s9 =	sadd.s32 s3, s23;
	[dreg:$0xa] =	wrdreg s24  }
0x12: {  	s6 =	simm.s32 $0x1;
	s25 =	sadd.s32 $0x1800, s10;
	[dreg:$0xb] =	wrdreg s9  }
0x13: {  	s17 =	sor.u32 $0x10, s8;
	s26 =	sadd.s32 $0x3F000, s5;
	[dreg:$0xc] =	wrdreg s25  }
0x14: {  	s18 =	sor.u32 $0x18, s8;
	s5 =	sadd.s32 $0x3F800, s5;
	[dreg:$0xd] =	wrdreg s26  }
0x15: {  	s22 =	sxor.u32 $0xFFFFFC01, s2;
	s2 =	simm.s32 $0x0;
	[dreg:$0xe] =	wrdreg s5  }
0x16: {  	v0 =	vlaneseq.u32;
	s24 =	simm.s32 $0xE80;
	s25 =	simm.s32 $0x4E80;
	s26 =	simm.s32 $0x8E80  }
.LBB2_1:
0x17: {  	s0 =	rddreg [dreg:$0x4];
	s20 =	simm.s32 $0x5  }
0x18: {  	[tilespmem:s4], [sflag:$0x5] =	stream.linear.gather [hbm4b:s0+s4], $0x280, $0x38;
	[tilespmem:$0x10E80] =	vst v63  }
0x19: {  	_ =	swait.ge [sflag:s20], $0x280  }
0x1a: {  	[sflag:s20] =	ssyncset.done $0x0  }
0x1b: {  	[sflag:s20] =	ssyncadd.s32 $0xFFFFFD80  }
0x1c: {  	v17 =	vld.msk [tilespmem:s7+$0xF0 ss:$0x0], $0xffff  }
0x1d: {  	v24 =	vld.msk [tilespmem:s7+$0xE0 ss:$0x0], $0xffff  }
0x1e: {  	v18 =	vld.msk [tilespmem:s7+$0xD0 ss:$0x0], $0xffff  }
0x1f: {  	v15 =	vld.msk [tilespmem:s7+$0xC0 ss:$0x0], $0xffff  }
0x20: {  	v13 =	vld.msk [tilespmem:s7+$0xB0 ss:$0x0], $0xffff  }
0x21: {  	v11 =	vld.msk [tilespmem:s7+$0xA0 ss:$0x0], $0xffff  }
0x22: {  	s21 =	rddreg [dreg:$0x5];
	v9 =	vld.msk [tilespmem:s7+$0x90 ss:$0x0], $0xffff  }
0x23: {  	v7 =	vld.msk [tilespmem:s21+$0x0 ss:$0x0], $0xffff  }
0x24: {  	v5 =	vld.msk [tilespmem:s7+$0x70 ss:$0x0], $0xffff  }
0x25: {  	v1 =	vadd.s32 s22, v0;
	v2 =	vld.msk [tilespmem:s7+$0x60 ss:$0x0], $0xffff  }
0x26: {  	vm0 =	vgt.s32 v1, $0xFFFFFFA5;
	v3 =	vld.msk [tilespmem:s7+$0x50 ss:$0x0], $0xffff  }
0x27: {  	v4 =	vld.msk [tilespmem:s7+$0x40 ss:$0x0], $0xffff;
	v8 =	vsel vm0, v24, v17;
	vm0 =	vgt.s32 v1, $0xFFFFFFC0  }
0x28: {  	v6 =	vld.msk [tilespmem:s7+$0x30 ss:$0x0], $0xffff;
	v10 =	vsel vm0, v18, v8;
	vm0 =	vgt.s32 v1, $0xFFFFFFD2  }
0x29: {  	v8 =	vld.msk [tilespmem:s7+$0x20 ss:$0x0], $0xffff;
	v12 =	vsel vm0, v15, v10;
	vm0 =	vgt.s32 v1, $0xFFFFFFE0  }
0x2a: {  	v10 =	vld.msk [tilespmem:s7+$0x10 ss:$0x0], $0xffff;
	v14 =	vsel vm0, v13, v12;
	vm0 =	vgt.s32 v1, $0xFFFFFFE9  }
0x2b: {  	v12 =	vld.msk [tilespmem:s7+$0x0 ss:$0x0], $0xffff;
	v16 =	vsel vm0, v11, v14;
	vm0 =	vgt.s32 v1, $0xFFFFFFF0  }
0x2c: {  	v14 =	vld.msk [tilespmem:s7+$0x110 ss:$0x0], $0xffff;
	v19 =	vsel vm0, v9, v16;
	vm0 =	vgt.s32 v1, $0xFFFFFFF4  }
0x2d: {  	v16 =	vld.msk [tilespmem:s7+$0x120 ss:$0x0], $0xffff;
	v20 =	vsel vm0, v7, v19;
	vm0 =	vgt.s32 v1, $0xFFFFFFF8  }
0x2e: {  	v19 =	vld.msk [tilespmem:s7+$0x130 ss:$0x0], $0xffff;
	v21 =	vsel vm0, v5, v20;
	vm0 =	vgt.s32 v1, $0xFFFFFFF9  }
0x2f: {  	v20 =	vld.msk [tilespmem:s7+$0x140 ss:$0x0], $0xffff;
	v22 =	vsel vm0, v2, v21;
	vm0 =	vgt.s32 v1, $0xFFFFFFFA  }
0x30: {  	v21 =	vld.msk [tilespmem:s7+$0x150 ss:$0x0], $0xffff;
	v23 =	vsel vm0, v3, v22;
	vm0 =	vgt.s32 v1, $0xFFFFFFFB  }
0x31: {  	s9 =	sadd.s32 $0x10, s22;
	v22 =	vld.msk [tilespmem:s7+$0x160 ss:$0x0], $0xffff;
	v25 =	vsel vm0, v4, v23;
	vm0 =	vgt.s32 v1, $0xFFFFFFFC  }
0x32: {  	v33 =	vadd.s32 s9, v0;
	s23 =	rddreg [dreg:$0x6];
	v23 =	vld.msk [tilespmem:s7+$0x170 ss:$0x0], $0xffff;
	v26 =	vsel vm0, v6, v25;
	vm0 =	vgt.s32 v1, $0xFFFFFFFD  }
0x33: {  	vm1 =	vgt.s32 v1, $0xFFFFFFFE;
	vm2 =	vlt.s32 v1, $0x0;
	v25 =	vld.msk [tilespmem:s23+$0x0 ss:$0x0], $0xffff;
	v27 =	vsel vm0, v8, v26  }
0x34: {  	vm3 =	vgt.s32 v1, $0x0;
	vm4 =	vgt.s32 v1, $0x1;
	v26 =	vld.msk [tilespmem:s7+$0x190 ss:$0x0], $0xffff;
	v28 =	vsel vm1, v10, v27  }
0x35: {  	vm5 =	vgt.s32 v1, $0x2;
	vm6 =	vgt.s32 v1, $0x3;
	v27 =	vld.msk [tilespmem:s7+$0x1A0 ss:$0x0], $0xffff;
	v29 =	vsel vm2, v28, v12  }
0x36: {  	vm7 =	vgt.s32 v1, $0x4;
	vm8 =	vgt.s32 v1, $0x5;
	v28 =	vld.msk [tilespmem:s7+$0x1B0 ss:$0x0], $0xffff;
	v30 =	vsel vm3, v14, v29  }
0x37: {  	vm0 =	vgt.s32 v1, $0x5A;
	vm1 =	vgt.s32 v1, $0x3F;
	v29 =	vld.msk [tilespmem:s7+$0x1C0 ss:$0x0], $0xffff;
	v31 =	vsel vm4, v16, v30  }
0x38: {  	vm2 =	vgt.s32 v1, $0x2D;
	vm3 =	vgt.s32 v1, $0x1F;
	v30 =	vld.msk [tilespmem:s7+$0x1D0 ss:$0x0], $0xffff;
	v32 =	vsel vm5, v19, v31  }
0x39: {  	vm4 =	vgt.s32 v1, $0x16;
	vm5 =	vgt.s32 v1, $0xF;
	v31 =	vld.msk [tilespmem:s7+$0x1E0 ss:$0x0], $0xffff;
	v34 =	vsel vm6, v20, v32  }
0x3a: {  	s10 =	simm.s32 $0x80;
	s5 =	simm.s32 $0x0;
	s0 =	simm.s32 $0x40;
	vm6 =	vgt.s32 v1, $0xB;
	v32 =	vld.msk [tilespmem:s7+$0x1F0 ss:$0x0], $0xffff;
	v34 =	vsel vm7, v21, v34;
	vm7 =	vgt.s32 v1, $0x7  }
.LBB2_2:
0x3b: {  	p0 =	sne.s32 s10, $0x2FC0;
	vm9 =	vgt.s32 v33, $0xFFFFFFA5;
	v34 =	vsel vm8, v22, v34;
	vm8 =	vgt.s32 v1, $0x6;
	v1 =	vmovc v33  }
0x3c: {  	v33 =	vsel vm9, v24, v17;
	vm9 =	vgt.s32 v1, $0xFFFFFFC0;
	v34 =	vsel vm8, v23, v34  }
0x3d: {  	vm8 =	vgt.s32 v1, $0xFFFFFFD2;
	v33 =	vsel vm9, v18, v33;
	v34 =	vsel vm7, v25, v34  }
0x3e: {  	vm7 =	vgt.s32 v1, $0xFFFFFFE0;
	v33 =	vsel vm8, v15, v33;
	v34 =	vsel vm6, v26, v34  }
0x3f: {  	vm6 =	vgt.s32 v1, $0xFFFFFFE9;
	v33 =	vsel vm7, v13, v33;
	v34 =	vsel vm5, v27, v34  }
0x40: {  	vm5 =	vgt.s32 v1, $0xFFFFFFF0;
	v33 =	vsel vm6, v11, v33;
	v34 =	vsel vm4, v28, v34  }
0x41: {  	vm4 =	vgt.s32 v1, $0xFFFFFFF4;
	v33 =	vsel vm5, v9, v33;
	v34 =	vsel vm3, v29, v34  }
0x42: {  	vm3 =	vgt.s32 v1, $0xFFFFFFF8;
	v33 =	vsel vm4, v7, v33;
	v34 =	vsel vm2, v30, v34  }
0x43: {  	vm2 =	vgt.s32 v1, $0xFFFFFFF9;
	v33 =	vsel vm3, v5, v33;
	v34 =	vsel vm1, v31, v34  }
0x44: {  	s11 =	sshra.s32 s5, $0x2;
	s5 =	smov.u32 s0;
	s0 =	smov.u32 s10;
	vm1 =	vgt.s32 v1, $0xFFFFFFFA;
	v33 =	vsel vm2, v2, v33;
	v34 =	vsel vm0, v32, v34  }
0x45: {  	vm0 =	vgt.s32 v1, $0xFFFFFFFB;
	v33 =	vsel vm1, v3, v33;
	[tilespmem:s11+$0x280] =	vst v34  }
0x46: {  	s9 =	sadd.s32 $0x10, s9;
	v34 =	vsel vm0, v4, v33;
	vm0 =	vgt.s32 v1, $0xFFFFFFFC  }
0x47: {  	v33 =	vadd.s32 s9, v0;
	v34 =	vsel vm0, v6, v34;
	vm0 =	vgt.s32 v1, $0xFFFFFFFD  }
0x48: {  	vm1 =	vgt.s32 v1, $0xFFFFFFFE;
	v34 =	vsel vm0, v8, v34;
	vm0 =	vgt.s32 v1, $0x5A  }
0x49: {  	vm2 =	vlt.s32 v1, $0x0;
	v34 =	vsel vm1, v10, v34;
	vm1 =	vgt.s32 v1, $0x3F  }
0x4a: {  	vm3 =	vgt.s32 v1, $0x0;
	v34 =	vsel vm2, v34, v12;
	vm2 =	vgt.s32 v1, $0x2D  }
.Ltmp0:
0x4b: {  	vm4 =	vgt.s32 v1, $0x1;
	v34 =	vsel vm3, v14, v34;
	vm3 =	vgt.s32 v1, $0x1F;
	(pc) =	sbr.rel @p0 .LBB2_2-.Ltmp0, $4  }
0x4c: {  	vm5 =	vgt.s32 v1, $0x2;
	v34 =	vsel vm4, v16, v34;
	vm4 =	vgt.s32 v1, $0x16  }
0x4d: {  	vm6 =	vgt.s32 v1, $0x3;
	v34 =	vsel vm5, v19, v34;
	vm5 =	vgt.s32 v1, $0xF  }
0x4e: {  	vm7 =	vgt.s32 v1, $0x4;
	v34 =	vsel vm6, v20, v34;
	vm6 =	vgt.s32 v1, $0xB  }
0x4f: {  	s10 =	sadd.s32 $0x40, s10;
	vm8 =	vgt.s32 v1, $0x5;
	v34 =	vsel vm7, v21, v34;
	vm7 =	vgt.s32 v1, $0x7  }
0x50: {  	vm9 =	vgt.s32 v33, $0xFFFFFFA5  }
0x51: {  	vm13 =	vgt.s32 v33, $0xFFFFFFC0;
	v17 =	vsel vm9, v24, v17  }
0x52: {  	vm14 =	vgt.s32 v33, $0xFFFFFFD2;
	v17 =	vsel vm13, v18, v17  }
0x53: {  	vm15 =	vgt.s32 v33, $0xFFFFFFE0;
	v15 =	vsel vm14, v15, v17  }
0x54: {  	vm12 =	vgt.s32 v33, $0xFFFFFFE9;
	v13 =	vsel vm15, v13, v15  }
0x55: {  	vm13 =	vgt.s32 v33, $0xFFFFFFF0;
	v11 =	vsel vm12, v11, v13  }
0x56: {  	vm14 =	vgt.s32 v33, $0xFFFFFFF4;
	v9 =	vsel vm13, v9, v11  }
0x57: {  	vm15 =	vgt.s32 v33, $0xFFFFFFF8;
	v7 =	vsel vm14, v7, v9  }
0x58: {  	vm12 =	vgt.s32 v33, $0xFFFFFFF9;
	v5 =	vsel vm15, v5, v7  }
0x59: {  	vm13 =	vgt.s32 v33, $0xFFFFFFFA;
	v2 =	vsel vm12, v2, v5  }
0x5a: {  	vm14 =	vgt.s32 v33, $0xFFFFFFFB;
	v2 =	vsel vm13, v3, v2  }
0x5b: {  	vm15 =	vgt.s32 v33, $0xFFFFFFFC;
	v2 =	vsel vm14, v4, v2  }
0x5c: {  	vm12 =	vgt.s32 v33, $0xFFFFFFFD;
	v2 =	vsel vm15, v6, v2  }
0x5d: {  	vm13 =	vgt.s32 v33, $0xFFFFFFFE;
	v2 =	vsel vm12, v8, v2  }
0x5e: {  	vm14 =	vlt.s32 v33, $0x0;
	v2 =	vsel vm13, v10, v2  }
0x5f: {  	vm15 =	vgt.s32 v33, $0x0;
	v2 =	vsel vm14, v2, v12  }
0x60: {  	vm12 =	vgt.s32 v33, $0x1;
	v2 =	vsel vm15, v14, v2  }
0x61: {  	vm13 =	vgt.s32 v33, $0x2;
	v2 =	vsel vm12, v16, v2  }
0x62: {  	vm14 =	vgt.s32 v33, $0x3;
	v2 =	vsel vm13, v19, v2  }
0x63: {  	v3 =	vsel vm8, v22, v34;
	vm15 =	vgt.s32 v33, $0x4;
	v2 =	vsel vm14, v20, v2  }
0x64: {  	vm12 =	vgt.s32 v1, $0x6;
	vm13 =	vgt.s32 v33, $0x5;
	v1 =	vsel vm15, v21, v2  }
0x65: {  	vm14 =	vgt.s32 v33, $0x6;
	v2 =	vsel vm12, v23, v3;
	v1 =	vsel vm13, v22, v1  }
0x66: {  	vm15 =	vgt.s32 v33, $0x7;
	v2 =	vsel vm7, v25, v2;
	v1 =	vsel vm14, v23, v1  }
0x67: {  	vm9 =	vgt.s32 v33, $0xB;
	v2 =	vsel vm6, v26, v2;
	v1 =	vsel vm15, v25, v1  }
0x68: {  	vm10 =	vgt.s32 v33, $0xF;
	v2 =	vsel vm5, v27, v2;
	v1 =	vsel vm9, v26, v1  }
0x69: {  	vm11 =	vgt.s32 v33, $0x16;
	v2 =	vsel vm4, v28, v2;
	v1 =	vsel vm10, v27, v1  }
0x6a: {  	vm12 =	vgt.s32 v33, $0x1F;
	v2 =	vsel vm3, v29, v2;
	v1 =	vsel vm11, v28, v1  }
0x6b: {  	vm13 =	vgt.s32 v33, $0x2D;
	v2 =	vsel vm2, v30, v2;
	v1 =	vsel vm12, v29, v1  }
0x6c: {  	vm14 =	vgt.s32 v33, $0x3F;
	v2 =	vsel vm1, v31, v2;
	v1 =	vsel vm13, v30, v1  }
0x6d: {  	s5 =	sshra.s32 s5, $0x2;
	vm15 =	vgt.s32 v33, $0x5A;
	v2 =	vsel vm0, v32, v2;
	v1 =	vsel vm14, v31, v1  }
0x6e: {  	s0 =	sshra.s32 s0, $0x2;
	[tilespmem:s5+$0x280] =	vst v2;
	v1 =	vsel vm15, v32, v1  }
0x6f: {  	s21 =	rddreg [dreg:$0x7];
	[tilespmem:s0+$0x280] =	vst v1;
	s0 =	simm.s32 $0x0  }
0x70: {  	[tilespmem:s24], [sflag:$0x1] =	stream.linear.gather [hbm4b:s21+s0], $0x4000, $0x38;
	[tilespmem:$0x10E80] =	vst v63  }
0x71: {  	s23 =	rddreg [dreg:$0x8]  }
0x72: {  	[tilespmem:s25], [sflag:$0x2] =	stream.linear.gather [hbm4b:s23+s0], $0x4000, $0x38;
	[tilespmem:$0x10E80] =	vst v63  }
0x73: {  	_ =	swait.ge [sflag:s6], $0x4000  }
0x74: {  	s9 =	simm.s32 $0xEC0;
	[sflag:s6] =	ssyncset.done $0x0  }
0x75: {  	s10 =	simm.s32 $0x6EF;
	s5 =	simm.s32 $0x8EC0;
	[sflag:s6] =	ssyncadd.s32 $0xFFFFC000  }
.LBB2_4:
0x76: {  	v1 =	vld [tilespmem:s9+$0xFFFFFFC0]  }
0x77: {  	v2 =	vld [tilespmem:s10+$0xFFFFFF90];
	_ =	sdelay $0x4  }
0x78: {  	v1 =	vadd.f32 v2, v1;
	_ =	sdelay $0x1  }
0x79: {  	[tilespmem:s5+$0xFFFFFFC0] =	vst v1  }
0x7a: {  	v1 =	vld [tilespmem:s10+$0xFFFFFFA0]  }
0x7b: {  	v2 =	vld [tilespmem:s9+$0xFFFFFFD0];
	_ =	sdelay $0x4  }
0x7c: {  	v1 =	vadd.f32 v1, v2;
	_ =	sdelay $0x1  }
0x7d: {  	[tilespmem:s5+$0xFFFFFFD0] =	vst v1  }
0x7e: {  	v1 =	vld [tilespmem:s9+$0xFFFFFFE0]  }
0x7f: {  	v2 =	vld [tilespmem:s10+$0xFFFFFFB0];
	_ =	sdelay $0x4  }
0x80: {  	v1 =	vadd.f32 v2, v1;
	_ =	sdelay $0x1  }
0x81: {  	[tilespmem:s5+$0xFFFFFFE0] =	vst v1  }
0x82: {  	v1 =	vld [tilespmem:s9+$0xFFFFFFF0]  }
0x83: {  	v2 =	vld [tilespmem:s10+$0xFFFFFFC0];
	_ =	sdelay $0x4  }
0x84: {  	v1 =	vadd.f32 v2, v1;
	_ =	sdelay $0x1  }
0x85: {  	[tilespmem:s5+$0xFFFFFFF0] =	vst v1  }
0x86: {  	v1 =	vld [tilespmem:s9+$0x0]  }
0x87: {  	v2 =	vld [tilespmem:s10+$0xFFFFFFD0];
	_ =	sdelay $0x4  }
0x88: {  	v1 =	vadd.f32 v2, v1;
	_ =	sdelay $0x1  }
0x89: {  	[tilespmem:s5+$0x0] =	vst v1  }
0x8a: {  	v1 =	vld [tilespmem:s9+$0x10]  }
0x8b: {  	v2 =	vld [tilespmem:s10+$0xFFFFFFE0];
	_ =	sdelay $0x4  }
0x8c: {  	v1 =	vadd.f32 v2, v1;
	_ =	sdelay $0x1  }
0x8d: {  	[tilespmem:s5+$0x10] =	vst v1  }
0x8e: {  	v1 =	vld [tilespmem:s9+$0x20]  }
0x8f: {  	v2 =	vld [tilespmem:s10+$0xFFFFFFF0];
	_ =	sdelay $0x4  }
0x90: {  	v1 =	vadd.f32 v2, v1;
	_ =	sdelay $0x1  }
0x91: {  	s12 =	simm.s32 $0x0;
	s15 =	sadd.s32 $0x80, s10;
	s13 =	smov.u32 s10;
	[tilespmem:s5+$0x20] =	vst v1  }
0x92: {  	s16 =	smov.u32 s5;
	s11 =	smov.u32 s9;
	s14 =	smov.u32 s5;
	v1 =	vld [tilespmem:s9+$0x30]  }
.LBB2_5:
0x93: {  	s12 =	sadd.s32 $0x8, s12;
	v2 =	vld [tilespmem:s13+$0x0];
	s16 =	sadd.s32 $0x400, s16;
	s11 =	sadd.s32 $0x400, s11  }
0x94: {  	s13 =	smov.u32 s15;
	p0 =	slt.u32 s12, $0x78;
	_ =	sdelay $0x3  }
0x95: {  	v1 =	vadd.f32 v2, v1;
	_ =	sdelay $0x1  }
0x96: {  	[tilespmem:s14+$0x30] =	vst v1;
	s14 =	smov.u32 s16  }
0x97: {  	v1 =	vld [tilespmem:s11+$0xFFFFFFC0]  }
0x98: {  	v2 =	vld [tilespmem:s15+$0xFFFFFF90];
	_ =	sdelay $0x4  }
0x99: {  	v1 =	vadd.f32 v2, v1;
	_ =	sdelay $0x1  }
0x9a: {  	[tilespmem:s16+$0xFFFFFFC0] =	vst v1  }
0x9b: {  	v1 =	vld [tilespmem:s15+$0xFFFFFFA0]  }
0x9c: {  	v2 =	vld [tilespmem:s11+$0xFFFFFFD0];
	_ =	sdelay $0x4  }
0x9d: {  	v1 =	vadd.f32 v1, v2;
	_ =	sdelay $0x1  }
0x9e: {  	[tilespmem:s16+$0xFFFFFFD0] =	vst v1  }
0x9f: {  	v1 =	vld [tilespmem:s11+$0xFFFFFFE0]  }
0xa0: {  	v2 =	vld [tilespmem:s15+$0xFFFFFFB0];
	_ =	sdelay $0x4  }
0xa1: {  	v1 =	vadd.f32 v2, v1;
	_ =	sdelay $0x1  }
0xa2: {  	[tilespmem:s16+$0xFFFFFFE0] =	vst v1  }
0xa3: {  	v1 =	vld [tilespmem:s11+$0xFFFFFFF0]  }
0xa4: {  	v2 =	vld [tilespmem:s15+$0xFFFFFFC0];
	_ =	sdelay $0x4  }
0xa5: {  	v1 =	vadd.f32 v2, v1;
	_ =	sdelay $0x1  }
0xa6: {  	[tilespmem:s16+$0xFFFFFFF0] =	vst v1  }
0xa7: {  	v1 =	vld [tilespmem:s11+$0x0]  }
0xa8: {  	v2 =	vld [tilespmem:s15+$0xFFFFFFD0];
	_ =	sdelay $0x4  }
0xa9: {  	v1 =	vadd.f32 v2, v1;
	_ =	sdelay $0x1  }
0xaa: {  	[tilespmem:s16+$0x0] =	vst v1  }
0xab: {  	v1 =	vld [tilespmem:s11+$0x10]  }
0xac: {  	v2 =	vld [tilespmem:s15+$0xFFFFFFE0];
	_ =	sdelay $0x4  }
0xad: {  	v1 =	vadd.f32 v2, v1;
	_ =	sdelay $0x1  }
0xae: {  	[tilespmem:s16+$0x10] =	vst v1  }
0xaf: {  	v1 =	vld [tilespmem:s11+$0x20]  }
0xb0: {  	v2 =	vld [tilespmem:s15+$0xFFFFFFF0];
	_ =	sdelay $0x3  }
.Ltmp1:
0xb1: {  	(pc) =	sbr.rel @p0 .LBB2_5-.Ltmp1, $3  }
0xb2: {  	v1 =	vadd.f32 v2, v1;
	_ =	sdelay $0x1  }
0xb3: {  	[tilespmem:s16+$0x20] =	vst v1  }
0xb4: {  	s15 =	sadd.s32 $0x80, s15;
	v1 =	vld [tilespmem:s11+$0x30]  }
0xb5: {  	v2 =	vld [tilespmem:s13+$0x0]  }
0xb6: {  	s0 =	sadd.s32 $0x1, s0  }
0xb7: {  	p0 =	sne.s32 s0, $0x8  }
.Ltmp2:
0xb8: {  	_ = 	snop;
	(pc) =	sbr.rel @p0 .LBB2_4-.Ltmp2, $3  }
0xb9: {  	_ = 	snop  }
0xba: {  	v1 =	vadd.f32 v2, v1;
	_ =	sdelay $0x1  }
0xbb: {  	s5 =	sadd.s32 $0x80, s5;
	s9 =	sadd.s32 $0x80, s9;
	s10 =	sadd.s32 $0xFFFFFFFF, s10;
	[tilespmem:s14+$0x30] =	vst v1  }
0xbc: {  	s0 =	simm.s32 $0x0;
	s5 =	rddreg [dreg:$0x9]  }
0xbd: {  	[hbm4b:s5+s0] =	stream.linear.scatter [tilespmem:s26], [sflag:$0x3], $0x4000, $0x38;
	[tilespmem:$0x10E80] =	vst v63  }
0xbe: {  	s23 =	rddreg [dreg:$0xa]  }
0xbf: {  	[tilespmem:s24], [sflag:$0x1] =	stream.linear.gather [hbm4b:s23+s0], $0x4000, $0x38;
	[tilespmem:$0x10E80] =	vst v63  }
0xc0: {  	_ =	swait.ge [sflag:s28], $0x4000  }
0xc1: {  	[sflag:s28] =	ssyncset.done $0x0  }
0xc2: {  	s9 =	simm.s32 $0x0;
	s5 =	simm.s32 $0x6E7;
	[sflag:s28] =	ssyncadd.s32 $0xFFFFC000  }
.LBB2_8:
0xc3: {  	s10 =	sshra.s32 s0, $0x2;
	v2 =	vld [tilespmem:s5+$0xFFFFFF90]  }
0xc4: {  	v1 =	vld [tilespmem:s10+$0x4E80];
	_ =	sdelay $0x4  }
0xc5: {  	v1 =	vadd.f32 v2, v1;
	_ =	sdelay $0x1  }
0xc6: {  	[tilespmem:s10+$0xCE80] =	vst v1;
	v1 =	vld [tilespmem:s10+$0x4E90]  }
0xc7: {  	v2 =	vld [tilespmem:s5+$0xFFFFFFA0];
	_ =	sdelay $0x4  }
0xc8: {  	v1 =	vadd.f32 v2, v1;
	_ =	sdelay $0x1  }
0xc9: {  	[tilespmem:s10+$0xCE90] =	vst v1;
	v1 =	vld [tilespmem:s10+$0x4EA0]  }
0xca: {  	v2 =	vld [tilespmem:s5+$0xFFFFFFB0];
	_ =	sdelay $0x4  }
0xcb: {  	v1 =	vadd.f32 v2, v1;
	_ =	sdelay $0x1  }
0xcc: {  	[tilespmem:s10+$0xCEA0] =	vst v1;
	v1 =	vld [tilespmem:s10+$0x4EB0]  }
0xcd: {  	v2 =	vld [tilespmem:s5+$0xFFFFFFC0];
	_ =	sdelay $0x4  }
0xce: {  	v1 =	vadd.f32 v2, v1;
	_ =	sdelay $0x1  }
0xcf: {  	[tilespmem:s10+$0xCEB0] =	vst v1;
	v1 =	vld [tilespmem:s10+$0x4EC0]  }
0xd0: {  	v2 =	vld [tilespmem:s5+$0xFFFFFFD0];
	_ =	sdelay $0x4  }
0xd1: {  	v1 =	vadd.f32 v2, v1;
	_ =	sdelay $0x1  }
0xd2: {  	[tilespmem:s10+$0xCEC0] =	vst v1;
	v1 =	vld [tilespmem:s10+$0x4ED0]  }
0xd3: {  	v2 =	vld [tilespmem:s5+$0xFFFFFFE0];
	_ =	sdelay $0x4  }
0xd4: {  	v1 =	vadd.f32 v2, v1;
	_ =	sdelay $0x1  }
0xd5: {  	[tilespmem:s10+$0xCED0] =	vst v1;
	v1 =	vld [tilespmem:s10+$0x4EE0]  }
0xd6: {  	v2 =	vld [tilespmem:s5+$0xFFFFFFF0];
	_ =	sdelay $0x4  }
0xd7: {  	v1 =	vadd.f32 v2, v1;
	_ =	sdelay $0x1  }
0xd8: {  	[tilespmem:s10+$0xCEE0] =	vst v1;
	v1 =	vld [tilespmem:s10+$0x4EF0]  }
0xd9: {  	v2 =	vld [tilespmem:s5+$0x0];
	_ =	sdelay $0x4  }
0xda: {  	s11 =	simm.s32 $0x0;
	s12 =	sadd.s32 $0x1000, s0;
	s13 =	smov.u32 s5;
	v1 =	vadd.f32 v2, v1  }
.LBB2_9:
0xdb: {  	s14 =	sshra.s32 s12, $0x2  }
0xdc: {  	s11 =	sadd.s32 $0x8, s11;
	s13 =	sadd.s32 $0x80, s13;
	v2 =	vld [tilespmem:s14+$0x4E80];
	[tilespmem:s10+$0xCEF0] =	vst v1;
	s10 =	smov.u32 s14  }
0xdd: {  	p0 =	slt.u32 s11, $0x78;
	v1 =	vld [tilespmem:s13+$0xFFFFFF90];
	_ =	sdelay $0x4  }
0xde: {  	v1 =	vadd.f32 v1, v2;
	_ =	sdelay $0x1  }
0xdf: {  	[tilespmem:s10+$0xCE80] =	vst v1;
	v1 =	vld [tilespmem:s10+$0x4E90]  }
0xe0: {  	v2 =	vld [tilespmem:s13+$0xFFFFFFA0];
	_ =	sdelay $0x4  }
0xe1: {  	v1 =	vadd.f32 v2, v1;
	_ =	sdelay $0x1  }
0xe2: {  	[tilespmem:s10+$0xCE90] =	vst v1;
	v1 =	vld [tilespmem:s10+$0x4EA0]  }
0xe3: {  	v2 =	vld [tilespmem:s13+$0xFFFFFFB0];
	_ =	sdelay $0x4  }
0xe4: {  	v1 =	vadd.f32 v2, v1;
	_ =	sdelay $0x1  }
0xe5: {  	[tilespmem:s10+$0xCEA0] =	vst v1;
	v1 =	vld [tilespmem:s10+$0x4EB0]  }
0xe6: {  	v2 =	vld [tilespmem:s13+$0xFFFFFFC0];
	_ =	sdelay $0x4  }
0xe7: {  	v1 =	vadd.f32 v2, v1;
	_ =	sdelay $0x1  }
0xe8: {  	[tilespmem:s10+$0xCEB0] =	vst v1;
	v1 =	vld [tilespmem:s10+$0x4EC0]  }
0xe9: {  	v2 =	vld [tilespmem:s13+$0xFFFFFFD0];
	_ =	sdelay $0x4  }
0xea: {  	v1 =	vadd.f32 v2, v1;
	_ =	sdelay $0x1  }
0xeb: {  	[tilespmem:s10+$0xCEC0] =	vst v1;
	v1 =	vld [tilespmem:s10+$0x4ED0]  }
0xec: {  	v2 =	vld [tilespmem:s13+$0xFFFFFFE0];
	_ =	sdelay $0x4  }
0xed: {  	v1 =	vadd.f32 v2, v1;
	_ =	sdelay $0x1  }
0xee: {  	[tilespmem:s10+$0xCED0] =	vst v1;
	v1 =	vld [tilespmem:s10+$0x4EE0]  }
0xef: {  	v2 =	vld [tilespmem:s13+$0xFFFFFFF0];
	_ =	sdelay $0x4  }
0xf0: {  	v1 =	vadd.f32 v2, v1;
	_ =	sdelay $0x1  }
0xf1: {  	[tilespmem:s10+$0xCEE0] =	vst v1;
	v1 =	vld [tilespmem:s10+$0x4EF0]  }
0xf2: {  	v2 =	vld [tilespmem:s13+$0x0]  }
.Ltmp3:
0xf3: {  	(pc) =	sbr.rel @p0 .LBB2_9-.Ltmp3, $2  }
0xf4: {  	_ =	sdelay $0x2  }
0xf5: {  	s12 =	sadd.s32 $0x1000, s12;
	v1 =	vadd.f32 v2, v1  }
0xf6: {  	s9 =	sadd.s32 $0x1, s9  }
0xf7: {  	p0 =	sne.s32 s9, $0x8  }
.Ltmp4:
0xf8: {  	_ = 	snop;
	(pc) =	sbr.rel @p0 .LBB2_8-.Ltmp4, $2  }
0xf9: {  	_ =	sdelay $0x2  }
0xfa: {  	s0 =	sadd.s32 $0x200, s0;
	s5 =	sadd.s32 $0xFFFFFFFF, s5;
	[tilespmem:s10+$0xCEF0] =	vst v1  }
0xfb: {  	s0 =	rddreg [dreg:$0xb]  }
0xfc: {  	[hbm4b:s0+s4] =	stream.linear.scatter [tilespmem:s29], [sflag:$0x4], $0x4000, $0x38;
	[tilespmem:$0x10E80] =	vst v63  }
0xfd: {  	s23 =	rddreg [dreg:$0xc]  }
0xfe: {  	[tilespmem:s25], [sflag:$0x2] =	stream.linear.gather [hbm4b:s23+s4], $0x4000, $0x38;
	[tilespmem:$0x10E80] =	vst v63  }
0xff: {  	s9 =	simm.s32 $0x6D7;
	s0 =	simm.s32 $0x1;
	s23 =	simm.s32 $0x6DF  }
.LBB2_12:
0x100: {  	_ =	swait.ge [sflag:s6], $0x4000  }
0x101: {  	[sflag:s6] =	ssyncset.done $0x0  }
0x102: {  	[sflag:s6] =	ssyncadd.s32 $0xFFFFC000  }
0x103: {  	s10 =	sshll.u32 s0, $0x4;
	_ =	swait.ge [sflag:s30], $0x4000  }
0x104: {  	s12 =	simm.s32 $0x0;
	s11 =	simm.s32 $0x8EC0;
	[sflag:s30] =	ssyncset.done $0x0  }
0x105: {  	s13 =	simm.s32 $0xEC0;
	s16 =	smov.u32 s23;
	[sflag:s30] =	ssyncadd.s32 $0xFFFFC000  }
.LBB2_13:
0x106: {  	v1 =	vld [tilespmem:s13+$0xFFFFFFC0]  }
0x107: {  	v2 =	vld [tilespmem:s16+$0xFFFFFF90];
	_ =	sdelay $0x4  }
0x108: {  	v1 =	vadd.f32 v2, v1;
	_ =	sdelay $0x1  }
0x109: {  	[tilespmem:s11+$0xFFFFFFC0] =	vst v1  }
0x10a: {  	v1 =	vld [tilespmem:s16+$0xFFFFFFA0]  }
0x10b: {  	v2 =	vld [tilespmem:s13+$0xFFFFFFD0];
	_ =	sdelay $0x4  }
0x10c: {  	v1 =	vadd.f32 v1, v2;
	_ =	sdelay $0x1  }
0x10d: {  	[tilespmem:s11+$0xFFFFFFD0] =	vst v1  }
0x10e: {  	v1 =	vld [tilespmem:s13+$0xFFFFFFE0]  }
0x10f: {  	v2 =	vld [tilespmem:s16+$0xFFFFFFB0];
	_ =	sdelay $0x4  }
0x110: {  	v1 =	vadd.f32 v2, v1;
	_ =	sdelay $0x1  }
0x111: {  	[tilespmem:s11+$0xFFFFFFE0] =	vst v1  }
0x112: {  	v1 =	vld [tilespmem:s13+$0xFFFFFFF0]  }
0x113: {  	v2 =	vld [tilespmem:s16+$0xFFFFFFC0];
	_ =	sdelay $0x4  }
0x114: {  	v1 =	vadd.f32 v2, v1;
	_ =	sdelay $0x1  }
0x115: {  	[tilespmem:s11+$0xFFFFFFF0] =	vst v1  }
0x116: {  	v1 =	vld [tilespmem:s13+$0x0]  }
0x117: {  	v2 =	vld [tilespmem:s16+$0xFFFFFFD0];
	_ =	sdelay $0x4  }
0x118: {  	v1 =	vadd.f32 v2, v1;
	_ =	sdelay $0x1  }
0x119: {  	[tilespmem:s11+$0x0] =	vst v1  }
0x11a: {  	v1 =	vld [tilespmem:s13+$0x10]  }
0x11b: {  	v2 =	vld [tilespmem:s16+$0xFFFFFFE0];
	_ =	sdelay $0x4  }
0x11c: {  	v1 =	vadd.f32 v2, v1;
	_ =	sdelay $0x1  }
0x11d: {  	[tilespmem:s11+$0x10] =	vst v1  }
0x11e: {  	v1 =	vld [tilespmem:s13+$0x20]  }
0x11f: {  	v2 =	vld [tilespmem:s16+$0xFFFFFFF0];
	_ =	sdelay $0x4  }
0x120: {  	v1 =	vadd.f32 v2, v1;
	_ =	sdelay $0x1  }
0x121: {  	s19 =	simm.s32 $0x0;
	s21 =	sadd.s32 $0x80, s16;
	s5 =	smov.u32 s16;
	[tilespmem:s11+$0x20] =	vst v1  }
0x122: {  	s20 =	smov.u32 s11;
	s15 =	smov.u32 s13;
	s14 =	smov.u32 s11;
	v1 =	vld [tilespmem:s13+$0x30]  }
.LBB2_14:
0x123: {  	s19 =	sadd.s32 $0x8, s19;
	v2 =	vld [tilespmem:s5+$0x0];
	s20 =	sadd.s32 $0x400, s20;
	s15 =	sadd.s32 $0x400, s15  }
0x124: {  	s5 =	smov.u32 s21;
	p0 =	slt.u32 s19, $0x78;
	_ =	sdelay $0x3  }
0x125: {  	v1 =	vadd.f32 v2, v1;
	_ =	sdelay $0x1  }
0x126: {  	[tilespmem:s14+$0x30] =	vst v1;
	s14 =	smov.u32 s20  }
0x127: {  	v1 =	vld [tilespmem:s15+$0xFFFFFFC0]  }
0x128: {  	v2 =	vld [tilespmem:s21+$0xFFFFFF90];
	_ =	sdelay $0x4  }
0x129: {  	v1 =	vadd.f32 v2, v1;
	_ =	sdelay $0x1  }
0x12a: {  	[tilespmem:s20+$0xFFFFFFC0] =	vst v1  }
0x12b: {  	v1 =	vld [tilespmem:s21+$0xFFFFFFA0]  }
0x12c: {  	v2 =	vld [tilespmem:s15+$0xFFFFFFD0];
	_ =	sdelay $0x4  }
0x12d: {  	v1 =	vadd.f32 v1, v2;
	_ =	sdelay $0x1  }
0x12e: {  	[tilespmem:s20+$0xFFFFFFD0] =	vst v1  }
0x12f: {  	v1 =	vld [tilespmem:s15+$0xFFFFFFE0]  }
0x130: {  	v2 =	vld [tilespmem:s21+$0xFFFFFFB0];
	_ =	sdelay $0x4  }
0x131: {  	v1 =	vadd.f32 v2, v1;
	_ =	sdelay $0x1  }
0x132: {  	[tilespmem:s20+$0xFFFFFFE0] =	vst v1  }
0x133: {  	v1 =	vld [tilespmem:s15+$0xFFFFFFF0]  }
0x134: {  	v2 =	vld [tilespmem:s21+$0xFFFFFFC0];
	_ =	sdelay $0x4  }
0x135: {  	v1 =	vadd.f32 v2, v1;
	_ =	sdelay $0x1  }
0x136: {  	[tilespmem:s20+$0xFFFFFFF0] =	vst v1  }
0x137: {  	v1 =	vld [tilespmem:s15+$0x0]  }
0x138: {  	v2 =	vld [tilespmem:s21+$0xFFFFFFD0];
	_ =	sdelay $0x4  }
0x139: {  	v1 =	vadd.f32 v2, v1;
	_ =	sdelay $0x1  }
0x13a: {  	[tilespmem:s20+$0x0] =	vst v1  }
0x13b: {  	v1 =	vld [tilespmem:s15+$0x10]  }
0x13c: {  	v2 =	vld [tilespmem:s21+$0xFFFFFFE0];
	_ =	sdelay $0x4  }
0x13d: {  	v1 =	vadd.f32 v2, v1;
	_ =	sdelay $0x1  }
0x13e: {  	[tilespmem:s20+$0x10] =	vst v1  }
0x13f: {  	v1 =	vld [tilespmem:s15+$0x20]  }
0x140: {  	v2 =	vld [tilespmem:s21+$0xFFFFFFF0];
	_ =	sdelay $0x3  }
.Ltmp5:
0x141: {  	(pc) =	sbr.rel @p0 .LBB2_14-.Ltmp5, $3  }
0x142: {  	v1 =	vadd.f32 v2, v1;
	_ =	sdelay $0x1  }
0x143: {  	[tilespmem:s20+$0x20] =	vst v1  }
0x144: {  	s21 =	sadd.s32 $0x80, s21;
	v1 =	vld [tilespmem:s15+$0x30]  }
0x145: {  	v2 =	vld [tilespmem:s5+$0x0]  }
0x146: {  	s12 =	sadd.s32 $0x1, s12  }
0x147: {  	p0 =	sne.s32 s12, $0x8  }
.Ltmp6:
0x148: {  	_ = 	snop;
	(pc) =	sbr.rel @p0 .LBB2_13-.Ltmp6, $3  }
0x149: {  	_ = 	snop  }
0x14a: {  	v1 =	vadd.f32 v2, v1;
	_ =	sdelay $0x1  }
0x14b: {  	s11 =	sadd.s32 $0x80, s11;
	s13 =	sadd.s32 $0x80, s13;
	s16 =	sadd.s32 $0xFFFFFFFF, s16;
	[tilespmem:s14+$0x30] =	vst v1  }
0x14c: {  	s5 =	sadd.s32 s8, s10  }
0x14d: {  	s5 =	sshll.u32 s5, $0x8  }
0x14e: {  	s12 =	simm.s32 $0x0;
	s21 =	sadd.s32 s10, s17;
	s5 =	sadd.s32 s3, s5  }
0x14f: {  	[hbm4b:s5+s12] =	stream.linear.scatter [tilespmem:s26], [sflag:$0x3], $0x4000, $0x38;
	[tilespmem:$0x10E80] =	vst v63  }
0x150: {  	s5 =	sshll.u32 s21, $0x8  }
0x151: {  	s5 =	sadd.s32 s1, s5  }
0x152: {  	[tilespmem:s24], [sflag:$0x1] =	stream.linear.gather [hbm4b:s5+s12], $0x4000, $0x38;
	[tilespmem:$0x10E80] =	vst v63  }
0x153: {  	_ =	swait.ge [sflag:s28], $0x4000  }
0x154: {  	[sflag:s28] =	ssyncset.done $0x0  }
0x155: {  	[sflag:s28] =	ssyncadd.s32 $0xFFFFC000  }
0x156: {  	_ =	swait.ge [sflag:s31], $0x4000  }
0x157: {  	[sflag:s31] =	ssyncset.done $0x0  }
0x158: {  	s14 =	simm.s32 $0x0;
	s5 =	smov.u32 s9;
	[sflag:s31] =	ssyncadd.s32 $0xFFFFC000  }
.LBB2_17:
0x159: {  	s15 =	sshra.s32 s12, $0x2;
	v2 =	vld [tilespmem:s5+$0xFFFFFF90]  }
0x15a: {  	v1 =	vld [tilespmem:s15+$0x4E80];
	_ =	sdelay $0x4  }
0x15b: {  	v1 =	vadd.f32 v2, v1;
	_ =	sdelay $0x1  }
0x15c: {  	[tilespmem:s15+$0xCE80] =	vst v1;
	v1 =	vld [tilespmem:s15+$0x4E90]  }
0x15d: {  	v2 =	vld [tilespmem:s5+$0xFFFFFFA0];
	_ =	sdelay $0x4  }
0x15e: {  	v1 =	vadd.f32 v2, v1;
	_ =	sdelay $0x1  }
0x15f: {  	[tilespmem:s15+$0xCE90] =	vst v1;
	v1 =	vld [tilespmem:s15+$0x4EA0]  }
0x160: {  	v2 =	vld [tilespmem:s5+$0xFFFFFFB0];
	_ =	sdelay $0x4  }
0x161: {  	v1 =	vadd.f32 v2, v1;
	_ =	sdelay $0x1  }
0x162: {  	[tilespmem:s15+$0xCEA0] =	vst v1;
	v1 =	vld [tilespmem:s15+$0x4EB0]  }
0x163: {  	v2 =	vld [tilespmem:s5+$0xFFFFFFC0];
	_ =	sdelay $0x4  }
0x164: {  	v1 =	vadd.f32 v2, v1;
	_ =	sdelay $0x1  }
0x165: {  	[tilespmem:s15+$0xCEB0] =	vst v1;
	v1 =	vld [tilespmem:s15+$0x4EC0]  }
0x166: {  	v2 =	vld [tilespmem:s5+$0xFFFFFFD0];
	_ =	sdelay $0x4  }
0x167: {  	v1 =	vadd.f32 v2, v1;
	_ =	sdelay $0x1  }
0x168: {  	[tilespmem:s15+$0xCEC0] =	vst v1;
	v1 =	vld [tilespmem:s15+$0x4ED0]  }
0x169: {  	v2 =	vld [tilespmem:s5+$0xFFFFFFE0];
	_ =	sdelay $0x4  }
0x16a: {  	v1 =	vadd.f32 v2, v1;
	_ =	sdelay $0x1  }
0x16b: {  	[tilespmem:s15+$0xCED0] =	vst v1;
	v1 =	vld [tilespmem:s15+$0x4EE0]  }
0x16c: {  	v2 =	vld [tilespmem:s5+$0xFFFFFFF0];
	_ =	sdelay $0x4  }
0x16d: {  	v1 =	vadd.f32 v2, v1;
	_ =	sdelay $0x1  }
0x16e: {  	[tilespmem:s15+$0xCEE0] =	vst v1;
	v1 =	vld [tilespmem:s15+$0x4EF0]  }
0x16f: {  	v2 =	vld [tilespmem:s5+$0x0];
	_ =	sdelay $0x4  }
0x170: {  	s11 =	simm.s32 $0x0;
	s13 =	sadd.s32 $0x1000, s12;
	s16 =	smov.u32 s5;
	v1 =	vadd.f32 v2, v1  }
.LBB2_18:
0x171: {  	s19 =	sshra.s32 s13, $0x2  }
0x172: {  	s11 =	sadd.s32 $0x8, s11;
	s16 =	sadd.s32 $0x80, s16;
	v2 =	vld [tilespmem:s19+$0x4E80];
	[tilespmem:s15+$0xCEF0] =	vst v1;
	s15 =	smov.u32 s19  }
0x173: {  	p0 =	slt.u32 s11, $0x78;
	v1 =	vld [tilespmem:s16+$0xFFFFFF90];
	_ =	sdelay $0x4  }
0x174: {  	v1 =	vadd.f32 v1, v2;
	_ =	sdelay $0x1  }
0x175: {  	[tilespmem:s15+$0xCE80] =	vst v1;
	v1 =	vld [tilespmem:s15+$0x4E90]  }
0x176: {  	v2 =	vld [tilespmem:s16+$0xFFFFFFA0];
	_ =	sdelay $0x4  }
0x177: {  	v1 =	vadd.f32 v2, v1;
	_ =	sdelay $0x1  }
0x178: {  	[tilespmem:s15+$0xCE90] =	vst v1;
	v1 =	vld [tilespmem:s15+$0x4EA0]  }
0x179: {  	v2 =	vld [tilespmem:s16+$0xFFFFFFB0];
	_ =	sdelay $0x4  }
0x17a: {  	v1 =	vadd.f32 v2, v1;
	_ =	sdelay $0x1  }
0x17b: {  	[tilespmem:s15+$0xCEA0] =	vst v1;
	v1 =	vld [tilespmem:s15+$0x4EB0]  }
0x17c: {  	v2 =	vld [tilespmem:s16+$0xFFFFFFC0];
	_ =	sdelay $0x4  }
0x17d: {  	v1 =	vadd.f32 v2, v1;
	_ =	sdelay $0x1  }
0x17e: {  	[tilespmem:s15+$0xCEB0] =	vst v1;
	v1 =	vld [tilespmem:s15+$0x4EC0]  }
0x17f: {  	v2 =	vld [tilespmem:s16+$0xFFFFFFD0];
	_ =	sdelay $0x4  }
0x180: {  	v1 =	vadd.f32 v2, v1;
	_ =	sdelay $0x1  }
0x181: {  	[tilespmem:s15+$0xCEC0] =	vst v1;
	v1 =	vld [tilespmem:s15+$0x4ED0]  }
0x182: {  	v2 =	vld [tilespmem:s16+$0xFFFFFFE0];
	_ =	sdelay $0x4  }
0x183: {  	v1 =	vadd.f32 v2, v1;
	_ =	sdelay $0x1  }
0x184: {  	[tilespmem:s15+$0xCED0] =	vst v1;
	v1 =	vld [tilespmem:s15+$0x4EE0]  }
0x185: {  	v2 =	vld [tilespmem:s16+$0xFFFFFFF0];
	_ =	sdelay $0x4  }
0x186: {  	v1 =	vadd.f32 v2, v1;
	_ =	sdelay $0x1  }
0x187: {  	[tilespmem:s15+$0xCEE0] =	vst v1;
	v1 =	vld [tilespmem:s15+$0x4EF0]  }
0x188: {  	v2 =	vld [tilespmem:s16+$0x0]  }
.Ltmp7:
0x189: {  	(pc) =	sbr.rel @p0 .LBB2_18-.Ltmp7, $2  }
0x18a: {  	_ =	sdelay $0x2  }
0x18b: {  	s13 =	sadd.s32 $0x1000, s13;
	v1 =	vadd.f32 v2, v1  }
0x18c: {  	s14 =	sadd.s32 $0x1, s14  }
0x18d: {  	p0 =	sne.s32 s14, $0x8  }
.Ltmp8:
0x18e: {  	_ = 	snop;
	(pc) =	sbr.rel @p0 .LBB2_17-.Ltmp8, $2  }
0x18f: {  	_ =	sdelay $0x2  }
0x190: {  	s12 =	sadd.s32 $0x200, s12;
	s5 =	sadd.s32 $0xFFFFFFFF, s5;
	[tilespmem:s15+$0xCEF0] =	vst v1  }
0x191: {  	s5 =	sadd.s32 s10, s8  }
0x192: {  	s0 =	sadd.s32 $0x1, s0;
	s5 =	sshll.u32 s5, $0x8  }
0x193: {  	p0 =	sne.s32 s0, $0x3F;
	s5 =	sadd.s32 s3, s5  }
.Ltmp9:
0x194: {  	s21 =	sadd.s32 s10, s18;
	s5 =	sadd.s32 $0x800, s5;
	(pc) =	sbr.rel @p0 .LBB2_12-.Ltmp9, $4  }
0x195: {  	[hbm4b:s5+s4] =	stream.linear.scatter [tilespmem:s29], [sflag:$0x4], $0x4000, $0x38;
	[tilespmem:$0x10E80] =	vst v63  }
0x196: {  	s5 =	sshll.u32 s21, $0x8  }
0x197: {  	s23 =	sadd.s32 $0xFFFFFFF0, s23;
	s9 =	sadd.s32 $0xFFFFFFF0, s9;
	s5 =	sadd.s32 s1, s5  }
0x198: {  	[tilespmem:s25], [sflag:$0x2] =	stream.linear.gather [hbm4b:s5+s4], $0x4000, $0x38;
	[tilespmem:$0x10E80] =	vst v63  }
0x199: {  	_ =	swait.ge [sflag:s6], $0x4000  }
0x19a: {  	[sflag:s6] =	ssyncset.done $0x0  }
0x19b: {  	[sflag:s6] =	ssyncadd.s32 $0xFFFFC000  }
0x19c: {  	_ =	swait.ge [sflag:s30], $0x4000  }
0x19d: {  	s0 =	simm.s32 $0x0;
	s5 =	simm.s32 $0x8EC0;
	[sflag:s30] =	ssyncset.done $0x0  }
0x19e: {  	s9 =	simm.s32 $0xEC0;
	s10 =	simm.s32 $0x2CF;
	[sflag:s30] =	ssyncadd.s32 $0xFFFFC000  }
.LBB2_22:
0x19f: {  	v1 =	vld [tilespmem:s9+$0xFFFFFFC0]  }
0x1a0: {  	v2 =	vld [tilespmem:s10+$0xFFFFFFC0];
	_ =	sdelay $0x4  }
0x1a1: {  	v1 =	vadd.f32 v2, v1;
	_ =	sdelay $0x1  }
0x1a2: {  	[tilespmem:s5+$0xFFFFFFC0] =	vst v1  }
0x1a3: {  	v1 =	vld [tilespmem:s10+$0xFFFFFFD0]  }
0x1a4: {  	v2 =	vld [tilespmem:s9+$0xFFFFFFD0];
	_ =	sdelay $0x4  }
0x1a5: {  	v1 =	vadd.f32 v1, v2;
	_ =	sdelay $0x1  }
0x1a6: {  	[tilespmem:s5+$0xFFFFFFD0] =	vst v1  }
0x1a7: {  	v1 =	vld [tilespmem:s9+$0xFFFFFFE0]  }
0x1a8: {  	v2 =	vld [tilespmem:s10+$0xFFFFFFE0];
	_ =	sdelay $0x4  }
0x1a9: {  	v1 =	vadd.f32 v2, v1;
	_ =	sdelay $0x1  }
0x1aa: {  	[tilespmem:s5+$0xFFFFFFE0] =	vst v1  }
0x1ab: {  	v1 =	vld [tilespmem:s9+$0xFFFFFFF0]  }
0x1ac: {  	v2 =	vld [tilespmem:s10+$0xFFFFFFF0];
	_ =	sdelay $0x4  }
0x1ad: {  	v1 =	vadd.f32 v2, v1;
	_ =	sdelay $0x1  }
0x1ae: {  	[tilespmem:s5+$0xFFFFFFF0] =	vst v1  }
0x1af: {  	v1 =	vld [tilespmem:s9+$0x0]  }
0x1b0: {  	v2 =	vld [tilespmem:s10+$0x0];
	_ =	sdelay $0x4  }
0x1b1: {  	v1 =	vadd.f32 v2, v1;
	_ =	sdelay $0x1  }
0x1b2: {  	[tilespmem:s5+$0x0] =	vst v1  }
0x1b3: {  	v1 =	vld [tilespmem:s9+$0x10]  }
0x1b4: {  	v2 =	vld [tilespmem:s10+$0x10];
	_ =	sdelay $0x4  }
0x1b5: {  	v1 =	vadd.f32 v2, v1;
	_ =	sdelay $0x1  }
0x1b6: {  	[tilespmem:s5+$0x10] =	vst v1  }
0x1b7: {  	v1 =	vld [tilespmem:s9+$0x20]  }
0x1b8: {  	v2 =	vld [tilespmem:s10+$0x20];
	_ =	sdelay $0x4  }
0x1b9: {  	v1 =	vadd.f32 v2, v1;
	_ =	sdelay $0x1  }
0x1ba: {  	s12 =	simm.s32 $0x0;
	s15 =	sadd.s32 $0x80, s10;
	s16 =	smov.u32 s10;
	[tilespmem:s5+$0x20] =	vst v1  }
0x1bb: {  	s11 =	smov.u32 s5;
	s13 =	smov.u32 s9;
	s14 =	smov.u32 s5;
	v1 =	vld [tilespmem:s9+$0x30]  }
.LBB2_23:
0x1bc: {  	s12 =	sadd.s32 $0x8, s12;
	v2 =	vld [tilespmem:s16+$0x30];
	s11 =	sadd.s32 $0x400, s11;
	s13 =	sadd.s32 $0x400, s13  }
0x1bd: {  	s16 =	smov.u32 s15;
	p0 =	slt.u32 s12, $0x78;
	_ =	sdelay $0x3  }
0x1be: {  	v1 =	vadd.f32 v2, v1;
	_ =	sdelay $0x1  }
0x1bf: {  	[tilespmem:s14+$0x30] =	vst v1;
	s14 =	smov.u32 s11  }
0x1c0: {  	v1 =	vld [tilespmem:s13+$0xFFFFFFC0]  }
0x1c1: {  	v2 =	vld [tilespmem:s15+$0xFFFFFFC0];
	_ =	sdelay $0x4  }
0x1c2: {  	v1 =	vadd.f32 v2, v1;
	_ =	sdelay $0x1  }
0x1c3: {  	[tilespmem:s11+$0xFFFFFFC0] =	vst v1  }
0x1c4: {  	v1 =	vld [tilespmem:s15+$0xFFFFFFD0]  }
0x1c5: {  	v2 =	vld [tilespmem:s13+$0xFFFFFFD0];
	_ =	sdelay $0x4  }
0x1c6: {  	v1 =	vadd.f32 v1, v2;
	_ =	sdelay $0x1  }
0x1c7: {  	[tilespmem:s11+$0xFFFFFFD0] =	vst v1  }
0x1c8: {  	v1 =	vld [tilespmem:s13+$0xFFFFFFE0]  }
0x1c9: {  	v2 =	vld [tilespmem:s15+$0xFFFFFFE0];
	_ =	sdelay $0x4  }
0x1ca: {  	v1 =	vadd.f32 v2, v1;
	_ =	sdelay $0x1  }
0x1cb: {  	[tilespmem:s11+$0xFFFFFFE0] =	vst v1  }
0x1cc: {  	v1 =	vld [tilespmem:s13+$0xFFFFFFF0]  }
0x1cd: {  	v2 =	vld [tilespmem:s15+$0xFFFFFFF0];
	_ =	sdelay $0x4  }
0x1ce: {  	v1 =	vadd.f32 v2, v1;
	_ =	sdelay $0x1  }
0x1cf: {  	[tilespmem:s11+$0xFFFFFFF0] =	vst v1  }
0x1d0: {  	v1 =	vld [tilespmem:s13+$0x0]  }
0x1d1: {  	v2 =	vld [tilespmem:s15+$0x0];
	_ =	sdelay $0x4  }
0x1d2: {  	v1 =	vadd.f32 v2, v1;
	_ =	sdelay $0x1  }
0x1d3: {  	[tilespmem:s11+$0x0] =	vst v1  }
0x1d4: {  	v1 =	vld [tilespmem:s13+$0x10]  }
0x1d5: {  	v2 =	vld [tilespmem:s15+$0x10];
	_ =	sdelay $0x4  }
0x1d6: {  	v1 =	vadd.f32 v2, v1;
	_ =	sdelay $0x1  }
0x1d7: {  	[tilespmem:s11+$0x10] =	vst v1  }
0x1d8: {  	v1 =	vld [tilespmem:s13+$0x20]  }
0x1d9: {  	v2 =	vld [tilespmem:s15+$0x20];
	_ =	sdelay $0x3  }
.Ltmp10:
0x1da: {  	(pc) =	sbr.rel @p0 .LBB2_23-.Ltmp10, $3  }
0x1db: {  	v1 =	vadd.f32 v2, v1;
	_ =	sdelay $0x1  }
0x1dc: {  	[tilespmem:s11+$0x20] =	vst v1  }
0x1dd: {  	s15 =	sadd.s32 $0x80, s15;
	v1 =	vld [tilespmem:s13+$0x30]  }
0x1de: {  	v2 =	vld [tilespmem:s16+$0x30]  }
0x1df: {  	s0 =	sadd.s32 $0x1, s0  }
0x1e0: {  	p0 =	sne.s32 s0, $0x8  }
.Ltmp11:
0x1e1: {  	_ = 	snop;
	(pc) =	sbr.rel @p0 .LBB2_22-.Ltmp11, $3  }
0x1e2: {  	_ = 	snop  }
0x1e3: {  	v1 =	vadd.f32 v2, v1;
	_ =	sdelay $0x1  }
0x1e4: {  	s5 =	sadd.s32 $0x80, s5;
	s9 =	sadd.s32 $0x80, s9;
	s10 =	sadd.s32 $0xFFFFFFFF, s10;
	[tilespmem:s14+$0x30] =	vst v1  }
0x1e5: {  	s0 =	simm.s32 $0x0;
	s5 =	rddreg [dreg:$0xd]  }
0x1e6: {  	[hbm4b:s5+s0] =	stream.linear.scatter [tilespmem:s26], [sflag:$0x3], $0x4000, $0x38;
	[tilespmem:$0x10E80] =	vst v63  }
0x1e7: {  	_ =	swait.ge [sflag:s28], $0x4000  }
0x1e8: {  	[sflag:s28] =	ssyncset.done $0x0  }
0x1e9: {  	[sflag:s28] =	ssyncadd.s32 $0xFFFFC000  }
0x1ea: {  	_ =	swait.ge [sflag:s31], $0x4000  }
0x1eb: {  	[sflag:s31] =	ssyncset.done $0x0  }
0x1ec: {  	s9 =	simm.s32 $0x0;
	s5 =	simm.s32 $0x2C7;
	[sflag:s31] =	ssyncadd.s32 $0xFFFFC000  }
.LBB2_26:
0x1ed: {  	s10 =	sshra.s32 s0, $0x2;
	v2 =	vld [tilespmem:s5+$0xFFFFFFC0]  }
0x1ee: {  	v1 =	vld [tilespmem:s10+$0x4E80];
	_ =	sdelay $0x4  }
0x1ef: {  	v1 =	vadd.f32 v2, v1;
	_ =	sdelay $0x1  }
0x1f0: {  	[tilespmem:s10+$0xCE80] =	vst v1;
	v1 =	vld [tilespmem:s10+$0x4E90]  }
0x1f1: {  	v2 =	vld [tilespmem:s5+$0xFFFFFFD0];
	_ =	sdelay $0x4  }
0x1f2: {  	v1 =	vadd.f32 v2, v1;
	_ =	sdelay $0x1  }
0x1f3: {  	[tilespmem:s10+$0xCE90] =	vst v1;
	v1 =	vld [tilespmem:s10+$0x4EA0]  }
0x1f4: {  	v2 =	vld [tilespmem:s5+$0xFFFFFFE0];
	_ =	sdelay $0x4  }
0x1f5: {  	v1 =	vadd.f32 v2, v1;
	_ =	sdelay $0x1  }
0x1f6: {  	[tilespmem:s10+$0xCEA0] =	vst v1;
	v1 =	vld [tilespmem:s10+$0x4EB0]  }
0x1f7: {  	v2 =	vld [tilespmem:s5+$0xFFFFFFF0];
	_ =	sdelay $0x4  }
0x1f8: {  	v1 =	vadd.f32 v2, v1;
	_ =	sdelay $0x1  }
0x1f9: {  	[tilespmem:s10+$0xCEB0] =	vst v1;
	v1 =	vld [tilespmem:s10+$0x4EC0]  }
0x1fa: {  	v2 =	vld [tilespmem:s5+$0x0];
	_ =	sdelay $0x4  }
0x1fb: {  	v1 =	vadd.f32 v2, v1;
	_ =	sdelay $0x1  }
0x1fc: {  	[tilespmem:s10+$0xCEC0] =	vst v1;
	v1 =	vld [tilespmem:s10+$0x4ED0]  }
0x1fd: {  	v2 =	vld [tilespmem:s5+$0x10];
	_ =	sdelay $0x4  }
0x1fe: {  	v1 =	vadd.f32 v2, v1;
	_ =	sdelay $0x1  }
0x1ff: {  	[tilespmem:s10+$0xCED0] =	vst v1;
	v1 =	vld [tilespmem:s10+$0x4EE0]  }
0x200: {  	v2 =	vld [tilespmem:s5+$0x20];
	_ =	sdelay $0x4  }
0x201: {  	v1 =	vadd.f32 v2, v1;
	_ =	sdelay $0x1  }
0x202: {  	[tilespmem:s10+$0xCEE0] =	vst v1;
	v1 =	vld [tilespmem:s10+$0x4EF0]  }
0x203: {  	v2 =	vld [tilespmem:s5+$0x30];
	_ =	sdelay $0x4  }
0x204: {  	s11 =	simm.s32 $0x0;
	s12 =	sadd.s32 $0x1000, s0;
	s13 =	smov.u32 s5;
	v1 =	vadd.f32 v2, v1  }
.LBB2_27:
0x205: {  	s14 =	sshra.s32 s12, $0x2  }
0x206: {  	s11 =	sadd.s32 $0x8, s11;
	s13 =	sadd.s32 $0x80, s13;
	v2 =	vld [tilespmem:s14+$0x4E80];
	[tilespmem:s10+$0xCEF0] =	vst v1;
	s10 =	smov.u32 s14  }
0x207: {  	p0 =	slt.u32 s11, $0x78;
	v1 =	vld [tilespmem:s13+$0xFFFFFFC0];
	_ =	sdelay $0x4  }
0x208: {  	v1 =	vadd.f32 v1, v2;
	_ =	sdelay $0x1  }
0x209: {  	[tilespmem:s10+$0xCE80] =	vst v1;
	v1 =	vld [tilespmem:s10+$0x4E90]  }
0x20a: {  	v2 =	vld [tilespmem:s13+$0xFFFFFFD0];
	_ =	sdelay $0x4  }
0x20b: {  	v1 =	vadd.f32 v2, v1;
	_ =	sdelay $0x1  }
0x20c: {  	[tilespmem:s10+$0xCE90] =	vst v1;
	v1 =	vld [tilespmem:s10+$0x4EA0]  }
0x20d: {  	v2 =	vld [tilespmem:s13+$0xFFFFFFE0];
	_ =	sdelay $0x4  }
0x20e: {  	v1 =	vadd.f32 v2, v1;
	_ =	sdelay $0x1  }
0x20f: {  	[tilespmem:s10+$0xCEA0] =	vst v1;
	v1 =	vld [tilespmem:s10+$0x4EB0]  }
0x210: {  	v2 =	vld [tilespmem:s13+$0xFFFFFFF0];
	_ =	sdelay $0x4  }
0x211: {  	v1 =	vadd.f32 v2, v1;
	_ =	sdelay $0x1  }
0x212: {  	[tilespmem:s10+$0xCEB0] =	vst v1;
	v1 =	vld [tilespmem:s10+$0x4EC0]  }
0x213: {  	v2 =	vld [tilespmem:s13+$0x0];
	_ =	sdelay $0x4  }
0x214: {  	v1 =	vadd.f32 v2, v1;
	_ =	sdelay $0x1  }
0x215: {  	[tilespmem:s10+$0xCEC0] =	vst v1;
	v1 =	vld [tilespmem:s10+$0x4ED0]  }
0x216: {  	v2 =	vld [tilespmem:s13+$0x10];
	_ =	sdelay $0x4  }
0x217: {  	v1 =	vadd.f32 v2, v1;
	_ =	sdelay $0x1  }
0x218: {  	[tilespmem:s10+$0xCED0] =	vst v1;
	v1 =	vld [tilespmem:s10+$0x4EE0]  }
0x219: {  	v2 =	vld [tilespmem:s13+$0x20];
	_ =	sdelay $0x4  }
0x21a: {  	v1 =	vadd.f32 v2, v1;
	_ =	sdelay $0x1  }
0x21b: {  	[tilespmem:s10+$0xCEE0] =	vst v1;
	v1 =	vld [tilespmem:s10+$0x4EF0]  }
0x21c: {  	v2 =	vld [tilespmem:s13+$0x30]  }
.Ltmp12:
0x21d: {  	(pc) =	sbr.rel @p0 .LBB2_27-.Ltmp12, $2  }
0x21e: {  	_ =	sdelay $0x2  }
0x21f: {  	s12 =	sadd.s32 $0x1000, s12;
	v1 =	vadd.f32 v2, v1  }
0x220: {  	s9 =	sadd.s32 $0x1, s9  }
0x221: {  	p0 =	sne.s32 s9, $0x8  }
.Ltmp13:
0x222: {  	_ = 	snop;
	(pc) =	sbr.rel @p0 .LBB2_26-.Ltmp13, $2  }
0x223: {  	_ =	sdelay $0x2  }
0x224: {  	s0 =	sadd.s32 $0x200, s0;
	s5 =	sadd.s32 $0xFFFFFFFF, s5;
	[tilespmem:s10+$0xCEF0] =	vst v1  }
0x225: {  	s0 =	rddreg [dreg:$0xe]  }
0x226: {  	[hbm4b:s0+s4] =	stream.linear.scatter [tilespmem:s29], [sflag:$0x4], $0x4000, $0x38;
	[tilespmem:$0x10E80] =	vst v63  }
0x227: {  	_ =	swait.ge [sflag:s30], $0x4000  }
0x228: {  	[sflag:s30] =	ssyncset.done $0x0  }
0x229: {  	[sflag:s30] =	ssyncadd.s32 $0xFFFFC000  }
0x22a: {  	_ =	swait.ge [sflag:s31], $0x4000  }
0x22b: {  	s2 =	sadd.s32 $0x1, s2;
	s23 =	rddreg [dreg:$0xf]  }
0x22c: {  	p0 =	sne.s32 s2, s23  }
.Ltmp14:
0x22d: {  	_ = 	snop;
	(pc) =	sbr.rel @p0 .LBB2_1-.Ltmp14, $3  }
0x22e: {  	_ =	sdelay $0x1  }
0x22f: {  	[sflag:s31] =	ssyncset.done $0x0  }
0x230: {  	[sflag:s31] =	ssyncadd.s32 $0xFFFFC000  }
0x231: {  	_ =	sfence.sel $0x180000  }
0x232: {  	[bflag:$0x0] =	sbarrier.arrive $0xFFFF  }
0x233: {  	_ =	strace $0x90000047  }
0x234: {  	s0 =	stileid.u32;
	[bflag:$0x2] =	sbarrier.arrive $0xFFFF  }
0x235: {  	p0 =	sne.s32 s0, $0x0;
	s0 =	rddreg [dreg:$0x3]  }
0x236: {  	s0 =	sadd.s32 @!p0 $0x100000, s0  }
0x237: {  	[sflag:s0] =	ssyncadd.tile.s32 @!p0 $0x1;
	_ =	shalt  }
.Lfunc_end2:
_tile_overlayer_lowered:
.L_overlay_start_2:
0x238: {  	(tag) =	ssettag $0x2  }
0x239: {  	s0 =	rddreg [dreg:$0x0];
	s2 =	stileid.u32  }
0x23a: {  	s1 =	rddreg [dreg:$0x1];
	p0 =	sne.s32 s2, $0x0  }
0x23b: {  	s3 =	rddreg [dreg:$0x2];
	[bflag:$0x3] =	sbarrier.arrive $0xFFFF;
	s2 =	simm.s32 @!p0 $0x1C05  }
0x23c: {  	[timem:s3], [sflag:s2] =	dma.local @!p0 [hbm:s0], s1  }
0x23d: {  	s0 =	simm.s32 @!p0 $0x5  }
0x23e: {  	_ =	swait.ge @!p0 [sflag:s0], s1  }
0x23f: {  	s1 =	ssub.s32 @!p0 $0x0, s1;
	[sflag:s0] =	ssyncset.done @!p0 $0x0  }
0x240: {  	[sflag:s0] =	ssyncadd.s32 @!p0 s1  }
0x241: {  	[bflag:$0x3] =	sbarrier.arrive $0xFFFF  }
0x242: {  	_ =	shalt  }

</sc_bundles>
